<compile_context>
chip_gen: v7x
topology: tpu7x:2x2x1
jax: 0.10.2.dev20260603
libtpu: 0.0.44.dev20260713+nightly
codegen_flags: <defaults>
</compile_context>

<pallas_src>
import jax
import jax.numpy as jnp
from jax.experimental import pallas as pl
from jax.experimental.pallas import tpu as pltpu
from jax.experimental.pallas import tpu_sc as plsc


_TC_ROWS = 3328
_TC_BS = 832
_TC_BD = 512
_T = 4


def _tc_add_body(x_ref, pos_ref, o_ref):
    o_ref[...] = x_ref[...] + pos_ref[...][:, None, :]


def _tc_part(x, pos_table):
    s, batch, d = x.shape
    return pl.pallas_call(
        _tc_add_body,
        grid=(_TC_ROWS // _TC_BS, d // _TC_BD),
        in_specs=[
            pl.BlockSpec((_TC_BS, batch, _TC_BD), lambda i, j: (i, 0, j)),
            pl.BlockSpec((_TC_BS, _TC_BD), lambda i, j: (i, j)),
        ],
        out_specs=pl.BlockSpec((_TC_BS, batch, _TC_BD), lambda i, j: (i, 0, j)),
        out_shape=jax.ShapeDtypeStruct((s, batch, d), x.dtype),
    )(x, pos_table)


def _sc_part(x, pos_table):
    s, batch, d = x.shape
    rows = s - _TC_ROWS
    off = _TC_ROWS // _T
    mesh = plsc.VectorSubcoreMesh(core_axis_name="core", subcore_axis_name="subcore")

    @pl.kernel(out_type=jax.ShapeDtypeStruct((rows, batch, d), x.dtype), mesh=mesh)
    def sc_kernel(x_hbm, pos_hbm, o_hbm):
        def body(x0, x1, x2, x3, p, o0, o1, o2, o3):
            for xv, ov in ((x0, o0), (x1, o1), (x2, o2), (x3, o3)):
                @pl.loop(0, _T)
                def _(r):
                    @pl.loop(0, d, step=16)
                    def _(c):
                        ov[r, pl.ds(c, 16)] = (
                            xv[r, pl.ds(c, 16)] + p[r, pl.ds(c, 16)]
                        )

        ins = [x_hbm.at[:, b, :] for b in range(batch)] + [pos_hbm]
        outs = [o_hbm.at[:, b, :] for b in range(batch)]
        in_spec = pl.BlockSpec((_T, d), lambda i: (i + off, 0))
        out_spec = pl.BlockSpec((_T, d), lambda i: (i, 0))
        pltpu.emit_pipeline(
            body,
            grid=(rows // _T,),
            in_specs=[in_spec] * (batch + 1),
            out_specs=[out_spec] * batch,
            core_axis_name=("core", "subcore"),
            dimension_semantics=(pltpu.PARALLEL,),
        )(*ins, *outs)

    return sc_kernel(x, pos_table)


def kernel(x, pos_table):
    tc_full = _tc_part(x, pos_table)
    sc_tail = _sc_part(x, pos_table)
    return jax.lax.dynamic_update_slice(tc_full, sc_tail, (_TC_ROWS, 0, 0))

# --- scband reference (transcript-rebuilt; emitter-appended) ---
"""Pipeline reference for scband-learnable-positional-encoding-58806692217570 (READ-ONLY COPY).

The authoritative reference and input builder live on the scoring server;
editing this copy changes nothing except your own understanding.
"""

import jax, jax.numpy as jnp
import numpy as np

SEQ_LEN = 4096
BATCH = 4
D_MODEL = 1024
MAX_LEN = 8192

def setup_inputs(seed: int = 0) -> dict:
    key = jax.random.key(seed)
    k1, k2 = jax.random.split(key)
    x = jax.random.normal(k1, (SEQ_LEN, BATCH, D_MODEL), dtype=jnp.float32)
    # nn.init.constant(weight, 0.0) in the original module
    pos_table = jnp.zeros((MAX_LEN, D_MODEL), dtype=jnp.float32)
    return {"x": x, "pos_table": pos_table}

def reference(x, pos_table):
    seq_len = x.shape[0]
    position_ids = jnp.arange(seq_len, dtype=jnp.int32)
    # embedding lookup: table[position_ids] -> [seq_len, d_model]
    pos_emb = jnp.take(pos_table, position_ids, axis=0)
    # torch version indexes with [seq_len, 1] ids -> [seq_len, 1, d_model], broadcasts over batch dim 1
    pos_emb = pos_emb[:, None, :]
    return x + pos_emb

if __name__ == "__main__":
    import jax
    _d = setup_inputs()
    print(jax.jit(kernel)(*tuple(_d.values())))

</pallas_src>

<mosaic_0001>
#map = affine_map<(d0, d1) -> (0, 0, 0)>
#map1 = affine_map<(d0, d1) -> (0, 0)>
module attributes {stable_mosaic.version = 14 : i64} {
  func.func @sc_kernel(%arg0: i32, %arg1: i32, %arg2: memref<4096x4x1024xf32, #tpu.memory_space<hbm>>, %arg3: memref<8192x1024xf32, #tpu.memory_space<hbm>>, %arg4: memref<768x4x1024xf32, #tpu.memory_space<hbm>>) attributes {dimension_semantics = [#tpu.dimension_semantics<core_parallel>, #tpu.dimension_semantics<subcore_parallel>], iteration_bounds = array<i64: 2, 16>, scalar_prefetch = 0 : i64, scratch_operands = 0 : i64, tpu.core_type = #tpu.core_type<sc_vector_subcore>, window_params = [{transform_indices = #map}, {transform_indices = #map1}, {transform_indices = #map}]} {
    %mul3A = arith.constant 1 : i32
    %mul3A_0 = arith.muli %arg1, %mul3A : i32
    %add3A = arith.constant 0 : i32
    %add3A_1 = arith.addi %add3A, %mul3A_0 : i32
    %mul3A_2 = arith.constant 16 : i32
    %mul3A_3 = arith.muli %arg0, %mul3A_2 : i32
    %add3A_4 = arith.addi %add3A_1, %mul3A_3 : i32
    %mul3A_5 = arith.constant 6 : i32
    %mul3A_6 = arith.muli %add3A_4, %mul3A_5 : i32
    %run_scoped3A = arith.constant 0 : i32
    %run_scoped3A_7 = arith.constant 1 : i32
    %run_scoped3A_8 = arith.constant 2 : i32
    %run_scoped3A_9 = arith.constant 3 : i32
    %run_scoped3A_10 = arith.constant 0 : i32
    %run_scoped3A_11 = arith.constant 1 : i32
    %run_scoped3A_12 = arith.constant 2 : i32
    %run_scoped3A_13 = arith.constant 3 : i32
    "tpu.region"() ({
      %run_scoped3A_14 = memref.alloca() : memref<2x4x1024xf32, #tpu.memory_space<vmem>>
      %run_scoped3A_15 = tpu.sem_alloc : memref<2x!tpu.dma_semaphore, #tpu.memory_space<semaphore_mem>>
      %run_scoped3A_16 = memref.alloca() : memref<2x4x1024xf32, #tpu.memory_space<vmem>>
      %run_scoped3A_17 = tpu.sem_alloc : memref<2x!tpu.dma_semaphore, #tpu.memory_space<semaphore_mem>>
      %run_scoped3A_18 = memref.alloca() : memref<2x4x1024xf32, #tpu.memory_space<vmem>>
      %run_scoped3A_19 = tpu.sem_alloc : memref<2x!tpu.dma_semaphore, #tpu.memory_space<semaphore_mem>>
      %run_scoped3A_20 = memref.alloca() : memref<2x4x1024xf32, #tpu.memory_space<vmem>>
      %run_scoped3A_21 = tpu.sem_alloc : memref<2x!tpu.dma_semaphore, #tpu.memory_space<semaphore_mem>>
      %run_scoped3A_22 = memref.alloca() : memref<2x4x1024xf32, #tpu.memory_space<vmem>>
      %run_scoped3A_23 = tpu.sem_alloc : memref<2x!tpu.dma_semaphore, #tpu.memory_space<semaphore_mem>>
      %run_scoped3A_24 = memref.alloca() : memref<2x4x1024xf32, #tpu.memory_space<vmem>>
      %run_scoped3A_25 = tpu.sem_alloc : memref<2x!tpu.dma_semaphore, #tpu.memory_space<semaphore_mem>>
      %run_scoped3A_26 = memref.alloca() : memref<2x4x1024xf32, #tpu.memory_space<vmem>>
      %run_scoped3A_27 = tpu.sem_alloc : memref<2x!tpu.dma_semaphore, #tpu.memory_space<semaphore_mem>>
      %run_scoped3A_28 = memref.alloca() : memref<2x4x1024xf32, #tpu.memory_space<vmem>>
      %run_scoped3A_29 = tpu.sem_alloc : memref<2x!tpu.dma_semaphore, #tpu.memory_space<semaphore_mem>>
      %run_scoped3A_30 = memref.alloca() : memref<2x4x1024xf32, #tpu.memory_space<vmem>>
      %run_scoped3A_31 = tpu.sem_alloc : memref<2x!tpu.dma_semaphore, #tpu.memory_space<semaphore_mem>>
      %add3A_32 = arith.constant 0 : i32
      %add3A_33 = arith.addi %add3A_32, %mul3A_6 : i32
      %select_n3A = arith.constant true
      %select_n3A_34 = arith.constant 0 : i32
      %select_n3A_35 = arith.constant -1 : i32
      %select_n3A_36 = arith.select %select_n3A, %select_n3A_35, %select_n3A_34 : i32
      %eq3A = arith.constant -1 : i32
      %eq3A_37 = arith.cmpi eq, %select_n3A_36, %eq3A : i32
      %select_n3A_38 = arith.constant 5 : i32
      %select_n3A_39 = arith.select %eq3A_37, %select_n3A_38, %select_n3A_36 : i32
      %add3A_40 = arith.addi %select_n3A_39, %mul3A_6 : i32
      %select_n3A_41 = arith.constant true
      %select_n3A_42 = arith.constant 0 : i32
      %select_n3A_43 = arith.constant 1 : i32
      %select_n3A_44 = arith.select %select_n3A_41, %select_n3A_43, %select_n3A_42 : i32
      %eq3A_45 = arith.constant 6 : i32
      %eq3A_46 = arith.cmpi eq, %select_n3A_44, %eq3A_45 : i32
      %select_n3A_47 = arith.constant 0 : i32
      %select_n3A_48 = arith.select %eq3A_46, %select_n3A_47, %select_n3A_44 : i32
      %add3A_49 = arith.addi %select_n3A_48, %mul3A_6 : i32
      %add3A_50 = arith.constant 1 : i32
      %add3A_51 = arith.addi %select_n3A_48, %add3A_50 : i32
      %select_n3A_52 = arith.constant true
      %select_n3A_53 = arith.select %select_n3A_52, %add3A_51, %select_n3A_48 : i32
      %eq3A_54 = arith.constant 6 : i32
      %eq3A_55 = arith.cmpi eq, %select_n3A_53, %eq3A_54 : i32
      %select_n3A_56 = arith.constant 0 : i32
      %select_n3A_57 = arith.select %eq3A_55, %select_n3A_56, %select_n3A_53 : i32
      %add3A_58 = arith.addi %select_n3A_57, %mul3A_6 : i32
      "tpu.trace_start"() <{level = 10 : i32, message = "ep_initialize_0"}> : () -> ()
      %rem3A = arith.constant 0 : i32
      %rem3A_59 = arith.constant 2 : i32
      %rem3A_60 = arith.remui %rem3A, %rem3A_59 : i32
      %add3A_61 = arith.constant 832 : i32
      %add3A_62 = arith.addi %add3A_33, %add3A_61 : i32
      %mul3A_63 = arith.constant 4 : i32
      %mul3A_64 = arith.muli %mul3A_63, %add3A_62 : i32
      %dma_start3A = arith.constant 0 : i32
      %dma_start3A_65 = arith.constant 0 : i32
      %dma_start3A_66 = tpu.memref_slice %run_scoped3A_14[%rem3A_60, %dma_start3A, %dma_start3A_65] : memref<2x4x1024xf32, #tpu.memory_space<vmem>> -> memref<1x4x1024xf32, #tpu.memory_space<vmem>>
      %dma_start3A_67 = tpu.memref_squeeze %dma_start3A_66 : memref<1x4x1024xf32, #tpu.memory_space<vmem>> -> memref<4x1024xf32, #tpu.memory_space<vmem>>
      %dma_start3A_68 = arith.constant 0 : i32
      %dma_start3A_69 = arith.constant 0 : i32
      %dma_start3A_70 = tpu.memref_slice %arg2[%dma_start3A_68, %run_scoped3A, %dma_start3A_69] : memref<4096x4x1024xf32, #tpu.memory_space<hbm>> -> memref<4096x1x1024xf32, #tpu.memory_space<hbm>>
      %dma_start3A_71 = tpu.memref_squeeze %dma_start3A_70 : memref<4096x1x1024xf32, #tpu.memory_space<hbm>> -> memref<4096x1024xf32, #tpu.memory_space<hbm>>
      %dma_start3A_72 = arith.constant 0 : i32
      %dma_start3A_73 = tpu.memref_slice %dma_start3A_71[%mul3A_64, %dma_start3A_72] : memref<4096x1024xf32, #tpu.memory_space<hbm>> -> memref<4x1024xf32, #tpu.memory_space<hbm>>
      %dma_start3A_74 = tpu.memref_slice %run_scoped3A_15[%rem3A_60] : memref<2x!tpu.dma_semaphore, #tpu.memory_space<semaphore_mem>> -> memref<1x!tpu.dma_semaphore, #tpu.memory_space<semaphore_mem>>
      %dma_start3A_75 = tpu.memref_squeeze %dma_start3A_74 : memref<1x!tpu.dma_semaphore, #tpu.memory_space<semaphore_mem>> -> memref<!tpu.dma_semaphore, #tpu.memory_space<semaphore_mem>>
      %dma_start3A_76 = arith.constant 0 : i32
      %dma_start3A_77 = arith.constant 0 : i32
      %dma_start3A_78 = tpu.memref_slice %run_scoped3A_14[%rem3A_60, %dma_start3A_76, %dma_start3A_77] : memref<2x4x1024xf32, #tpu.memory_space<vmem>> -> memref<1x4x1024xf32, #tpu.memory_space<vmem>>
      %dma_start3A_79 = tpu.memref_squeeze %dma_start3A_78 : memref<1x4x1024xf32, #tpu.memory_space<vmem>> -> memref<4x1024xf32, #tpu.memory_space<vmem>>
      %dma_start3A_80 = arith.constant 0 : i32
      %dma_start3A_81 = arith.constant 0 : i32
      %dma_start3A_82 = tpu.memref_slice %arg2[%dma_start3A_80, %run_scoped3A, %dma_start3A_81] : memref<4096x4x1024xf32, #tpu.memory_space<hbm>> -> memref<4096x1x1024xf32, #tpu.memory_space<hbm>>
      %dma_start3A_83 = tpu.memref_squeeze %dma_start3A_82 : memref<4096x1x1024xf32, #tpu.memory_space<hbm>> -> memref<4096x1024xf32, #tpu.memory_space<hbm>>
      %dma_start3A_84 = arith.constant 0 : i32
      %dma_start3A_85 = tpu.memref_slice %dma_start3A_83[%mul3A_64, %dma_start3A_84] : memref<4096x1024xf32, #tpu.memory_space<hbm>> -> memref<4x1024xf32, #tpu.memory_space<hbm>>
      tpu.enqueue_dma source(%dma_start3A_85 : memref<4x1024xf32, #tpu.memory_space<hbm>>) target(%dma_start3A_79 : memref<4x1024xf32, #tpu.memory_space<vmem>>) target_semaphore(%dma_start3A_75 : memref<!tpu.dma_semaphore, #tpu.memory_space<semaphore_mem>>)
      %add3A_86 = arith.constant 0 : i32
      %add3A_87 = arith.constant 1 : i32
      %add3A_88 = arith.addi %add3A_86, %add3A_87 : i32
      %select_n3A_89 = arith.constant true
      %select_n3A_90 = arith.constant 0 : i32
      %select_n3A_91 = arith.select %select_n3A_89, %add3A_88, %select_n3A_90 : i32
      %rem3A_92 = arith.constant 0 : i32
      %rem3A_93 = arith.constant 2 : i32
      %rem3A_94 = arith.remui %rem3A_92, %rem3A_93 : i32
      %add3A_95 = arith.constant 832 : i32
      %add3A_96 = arith.addi %add3A_33, %add3A_95 : i32
      %mul3A_97 = arith.constant 4 : i32
      %mul3A_98 = arith.muli %mul3A_97, %add3A_96 : i32
      %dma_start3A_99 = arith.constant 0 : i32
      %dma_start3A_100 = arith.constant 0 : i32
      %dma_start3A_101 = tpu.memref_slice %run_scoped3A_16[%rem3A_94, %dma_start3A_99, %dma_start3A_100] : memref<2x4x1024xf32, #tpu.memory_space<vmem>> -> memref<1x4x1024xf32, #tpu.memory_space<vmem>>
      %dma_start3A_102 = tpu.memref_squeeze %dma_start3A_101 : memref<1x4x1024xf32, #tpu.memory_space<vmem>> -> memref<4x1024xf32, #tpu.memory_space<vmem>>
      %dma_start3A_103 = arith.constant 0 : i32
      %dma_start3A_104 = arith.constant 0 : i32
      %dma_start3A_105 = tpu.memref_slice %arg2[%dma_start3A_103, %run_scoped3A_7, %dma_start3A_104] : memref<4096x4x1024xf32, #tpu.memory_space<hbm>> -> memref<4096x1x1024xf32, #tpu.memory_space<hbm>>
      %dma_start3A_106 = tpu.memref_squeeze %dma_start3A_105 : memref<4096x1x1024xf32, #tpu.memory_space<hbm>> -> memref<4096x1024xf32, #tpu.memory_space<hbm>>
      %dma_start3A_107 = arith.constant 0 : i32
      %dma_start3A_108 = tpu.memref_slice %dma_start3A_106[%mul3A_98, %dma_start3A_107] : memref<4096x1024xf32, #tpu.memory_space<hbm>> -> memref<4x1024xf32, #tpu.memory_space<hbm>>
      %dma_start3A_109 = tpu.memref_slice %run_scoped3A_17[%rem3A_94] : memref<2x!tpu.dma_semaphore, #tpu.memory_space<semaphore_mem>> -> memref<1x!tpu.dma_semaphore, #tpu.memory_space<semaphore_mem>>
      %dma_start3A_110 = tpu.memref_squeeze %dma_start3A_109 : memref<1x!tpu.dma_semaphore, #tpu.memory_space<semaphore_mem>> -> memref<!tpu.dma_semaphore, #tpu.memory_space<semaphore_mem>>
      %dma_start3A_111 = arith.constant 0 : i32
      %dma_start3A_112 = arith.constant 0 : i32
      %dma_start3A_113 = tpu.memref_slice %run_scoped3A_16[%rem3A_94, %dma_start3A_111, %dma_start3A_112] : memref<2x4x1024xf32, #tpu.memory_space<vmem>> -> memref<1x4x1024xf32, #tpu.memory_space<vmem>>
      %dma_start3A_114 = tpu.memref_squeeze %dma_start3A_113 : memref<1x4x1024xf32, #tpu.memory_space<vmem>> -> memref<4x1024xf32, #tpu.memory_space<vmem>>
      %dma_start3A_115 = arith.constant 0 : i32
      %dma_start3A_116 = arith.constant 0 : i32
      %dma_start3A_117 = tpu.memref_slice %arg2[%dma_start3A_115, %run_scoped3A_7, %dma_start3A_116] : memref<4096x4x1024xf32, #tpu.memory_space<hbm>> -> memref<4096x1x1024xf32, #tpu.memory_space<hbm>>
      %dma_start3A_118 = tpu.memref_squeeze %dma_start3A_117 : memref<4096x1x1024xf32, #tpu.memory_space<hbm>> -> memref<4096x1024xf32, #tpu.memory_space<hbm>>
      %dma_start3A_119 = arith.constant 0 : i32
      %dma_start3A_120 = tpu.memref_slice %dma_start3A_118[%mul3A_98, %dma_start3A_119] : memref<4096x1024xf32, #tpu.memory_space<hbm>> -> memref<4x1024xf32, #tpu.memory_space<hbm>>
      tpu.enqueue_dma source(%dma_start3A_120 : memref<4x1024xf32, #tpu.memory_space<hbm>>) target(%dma_start3A_114 : memref<4x1024xf32, #tpu.memory_space<vmem>>) target_semaphore(%dma_start3A_110 : memref<!tpu.dma_semaphore, #tpu.memory_space<semaphore_mem>>)
      %add3A_121 = arith.constant 0 : i32
      %add3A_122 = arith.constant 1 : i32
      %add3A_123 = arith.addi %add3A_121, %add3A_122 : i32
      %select_n3A_124 = arith.constant true
      %select_n3A_125 = arith.constant 0 : i32
      %select_n3A_126 = arith.select %select_n3A_124, %add3A_123, %select_n3A_125 : i32
      %rem3A_127 = arith.constant 0 : i32
      %rem3A_128 = arith.constant 2 : i32
      %rem3A_129 = arith.remui %rem3A_127, %rem3A_128 : i32
      %add3A_130 = arith.constant 832 : i32
      %add3A_131 = arith.addi %add3A_33, %add3A_130 : i32
      %mul3A_132 = arith.constant 4 : i32
      %mul3A_133 = arith.muli %mul3A_132, %add3A_131 : i32
      %dma_start3A_134 = arith.constant 0 : i32
      %dma_start3A_135 = arith.constant 0 : i32
      %dma_start3A_136 = tpu.memref_slice %run_scoped3A_18[%rem3A_129, %dma_start3A_134, %dma_start3A_135] : memref<2x4x1024xf32, #tpu.memory_space<vmem>> -> memref<1x4x1024xf32, #tpu.memory_space<vmem>>
      %dma_start3A_137 = tpu.memref_squeeze %dma_start3A_136 : memref<1x4x1024xf32, #tpu.memory_space<vmem>> -> memref<4x1024xf32, #tpu.memory_space<vmem>>
      %dma_start3A_138 = arith.constant 0 : i32
      %dma_start3A_139 = arith.constant 0 : i32
      %dma_start3A_140 = tpu.memref_slice %arg2[%dma_start3A_138, %run_scoped3A_8, %dma_start3A_139] : memref<4096x4x1024xf32, #tpu.memory_space<hbm>> -> memref<4096x1x1024xf32, #tpu.memory_space<hbm>>
      %dma_start3A_141 = tpu.memref_squeeze %dma_start3A_140 : memref<4096x1x1024xf32, #tpu.memory_space<hbm>> -> memref<4096x1024xf32, #tpu.memory_space<hbm>>
      %dma_start3A_142 = arith.constant 0 : i32
      %dma_start3A_143 = tpu.memref_slice %dma_start3A_141[%mul3A_133, %dma_start3A_142] : memref<4096x1024xf32, #tpu.memory_space<hbm>> -> memref<4x1024xf32, #tpu.memory_space<hbm>>
      %dma_start3A_144 = tpu.memref_slice %run_scoped3A_19[%rem3A_129] : memref<2x!tpu.dma_semaphore, #tpu.memory_space<semaphore_mem>> -> memref<1x!tpu.dma_semaphore, #tpu.memory_space<semaphore_mem>>
      %dma_start3A_145 = tpu.memref_squeeze %dma_start3A_144 : memref<1x!tpu.dma_semaphore, #tpu.memory_space<semaphore_mem>> -> memref<!tpu.dma_semaphore, #tpu.memory_space<semaphore_mem>>
      %dma_start3A_146 = arith.constant 0 : i32
      %dma_start3A_147 = arith.constant 0 : i32
      %dma_start3A_148 = tpu.memref_slice %run_scoped3A_18[%rem3A_129, %dma_start3A_146, %dma_start3A_147] : memref<2x4x1024xf32, #tpu.memory_space<vmem>> -> memref<1x4x1024xf32, #tpu.memory_space<vmem>>
      %dma_start3A_149 = tpu.memref_squeeze %dma_start3A_148 : memref<1x4x1024xf32, #tpu.memory_space<vmem>> -> memref<4x1024xf32, #tpu.memory_space<vmem>>
      %dma_start3A_150 = arith.constant 0 : i32
      %dma_start3A_151 = arith.constant 0 : i32
      %dma_start3A_152 = tpu.memref_slice %arg2[%dma_start3A_150, %run_scoped3A_8, %dma_start3A_151] : memref<4096x4x1024xf32, #tpu.memory_space<hbm>> -> memref<4096x1x1024xf32, #tpu.memory_space<hbm>>
      %dma_start3A_153 = tpu.memref_squeeze %dma_start3A_152 : memref<4096x1x1024xf32, #tpu.memory_space<hbm>> -> memref<4096x1024xf32, #tpu.memory_space<hbm>>
      %dma_start3A_154 = arith.constant 0 : i32
      %dma_start3A_155 = tpu.memref_slice %dma_start3A_153[%mul3A_133, %dma_start3A_154] : memref<4096x1024xf32, #tpu.memory_space<hbm>> -> memref<4x1024xf32, #tpu.memory_space<hbm>>
      tpu.enqueue_dma source(%dma_start3A_155 : memref<4x1024xf32, #tpu.memory_space<hbm>>) target(%dma_start3A_149 : memref<4x1024xf32, #tpu.memory_space<vmem>>) target_semaphore(%dma_start3A_145 : memref<!tpu.dma_semaphore, #tpu.memory_space<semaphore_mem>>)
      %add3A_156 = arith.constant 0 : i32
      %add3A_157 = arith.constant 1 : i32
      %add3A_158 = arith.addi %add3A_156, %add3A_157 : i32
      %select_n3A_159 = arith.constant true
      %select_n3A_160 = arith.constant 0 : i32
      %select_n3A_161 = arith.select %select_n3A_159, %add3A_158, %select_n3A_160 : i32
      %rem3A_162 = arith.constant 0 : i32
      %rem3A_163 = arith.constant 2 : i32
      %rem3A_164 = arith.remui %rem3A_162, %rem3A_163 : i32
      %add3A_165 = arith.constant 832 : i32
      %add3A_166 = arith.addi %add3A_33, %add3A_165 : i32
      %mul3A_167 = arith.constant 4 : i32
      %mul3A_168 = arith.muli %mul3A_167, %add3A_166 : i32
      %dma_start3A_169 = arith.constant 0 : i32
      %dma_start3A_170 = arith.constant 0 : i32
      %dma_start3A_171 = tpu.memref_slice %run_scoped3A_20[%rem3A_164, %dma_start3A_169, %dma_start3A_170] : memref<2x4x1024xf32, #tpu.memory_space<vmem>> -> memref<1x4x1024xf32, #tpu.memory_space<vmem>>
      %dma_start3A_172 = tpu.memref_squeeze %dma_start3A_171 : memref<1x4x1024xf32, #tpu.memory_space<vmem>> -> memref<4x1024xf32, #tpu.memory_space<vmem>>
      %dma_start3A_173 = arith.constant 0 : i32
      %dma_start3A_174 = arith.constant 0 : i32
      %dma_start3A_175 = tpu.memref_slice %arg2[%dma_start3A_173, %run_scoped3A_9, %dma_start3A_174] : memref<4096x4x1024xf32, #tpu.memory_space<hbm>> -> memref<4096x1x1024xf32, #tpu.memory_space<hbm>>
      %dma_start3A_176 = tpu.memref_squeeze %dma_start3A_175 : memref<4096x1x1024xf32, #tpu.memory_space<hbm>> -> memref<4096x1024xf32, #tpu.memory_space<hbm>>
      %dma_start3A_177 = arith.constant 0 : i32
      %dma_start3A_178 = tpu.memref_slice %dma_start3A_176[%mul3A_168, %dma_start3A_177] : memref<4096x1024xf32, #tpu.memory_space<hbm>> -> memref<4x1024xf32, #tpu.memory_space<hbm>>
      %dma_start3A_179 = tpu.memref_slice %run_scoped3A_21[%rem3A_164] : memref<2x!tpu.dma_semaphore, #tpu.memory_space<semaphore_mem>> -> memref<1x!tpu.dma_semaphore, #tpu.memory_space<semaphore_mem>>
      %dma_start3A_180 = tpu.memref_squeeze %dma_start3A_179 : memref<1x!tpu.dma_semaphore, #tpu.memory_space<semaphore_mem>> -> memref<!tpu.dma_semaphore, #tpu.memory_space<semaphore_mem>>
      %dma_start3A_181 = arith.constant 0 : i32
      %dma_start3A_182 = arith.constant 0 : i32
      %dma_start3A_183 = tpu.memref_slice %run_scoped3A_20[%rem3A_164, %dma_start3A_181, %dma_start3A_182] : memref<2x4x1024xf32, #tpu.memory_space<vmem>> -> memref<1x4x1024xf32, #tpu.memory_space<vmem>>
      %dma_start3A_184 = tpu.memref_squeeze %dma_start3A_183 : memref<1x4x1024xf32, #tpu.memory_space<vmem>> -> memref<4x1024xf32, #tpu.memory_space<vmem>>
      %dma_start3A_185 = arith.constant 0 : i32
      %dma_start3A_186 = arith.constant 0 : i32
      %dma_start3A_187 = tpu.memref_slice %arg2[%dma_start3A_185, %run_scoped3A_9, %dma_start3A_186] : memref<4096x4x1024xf32, #tpu.memory_space<hbm>> -> memref<4096x1x1024xf32, #tpu.memory_space<hbm>>
      %dma_start3A_188 = tpu.memref_squeeze %dma_start3A_187 : memref<4096x1x1024xf32, #tpu.memory_space<hbm>> -> memref<4096x1024xf32, #tpu.memory_space<hbm>>
      %dma_start3A_189 = arith.constant 0 : i32
      %dma_start3A_190 = tpu.memref_slice %dma_start3A_188[%mul3A_168, %dma_start3A_189] : memref<4096x1024xf32, #tpu.memory_space<hbm>> -> memref<4x1024xf32, #tpu.memory_space<hbm>>
      tpu.enqueue_dma source(%dma_start3A_190 : memref<4x1024xf32, #tpu.memory_space<hbm>>) target(%dma_start3A_184 : memref<4x1024xf32, #tpu.memory_space<vmem>>) target_semaphore(%dma_start3A_180 : memref<!tpu.dma_semaphore, #tpu.memory_space<semaphore_mem>>)
      %add3A_191 = arith.constant 0 : i32
      %add3A_192 = arith.constant 1 : i32
      %add3A_193 = arith.addi %add3A_191, %add3A_192 : i32
      %select_n3A_194 = arith.constant true
      %select_n3A_195 = arith.constant 0 : i32
      %select_n3A_196 = arith.select %select_n3A_194, %add3A_193, %select_n3A_195 : i32
      %rem3A_197 = arith.constant 0 : i32
      %rem3A_198 = arith.constant 2 : i32
      %rem3A_199 = arith.remui %rem3A_197, %rem3A_198 : i32
      %add3A_200 = arith.constant 832 : i32
      %add3A_201 = arith.addi %add3A_33, %add3A_200 : i32
      %mul3A_202 = arith.constant 4 : i32
      %mul3A_203 = arith.muli %mul3A_202, %add3A_201 : i32
      %dma_start3A_204 = arith.constant 0 : i32
      %dma_start3A_205 = arith.constant 0 : i32
      %dma_start3A_206 = tpu.memref_slice %run_scoped3A_22[%rem3A_199, %dma_start3A_204, %dma_start3A_205] : memref<2x4x1024xf32, #tpu.memory_space<vmem>> -> memref<1x4x1024xf32, #tpu.memory_space<vmem>>
      %dma_start3A_207 = tpu.memref_squeeze %dma_start3A_206 : memref<1x4x1024xf32, #tpu.memory_space<vmem>> -> memref<4x1024xf32, #tpu.memory_space<vmem>>
      %dma_start3A_208 = arith.constant 0 : i32
      %dma_start3A_209 = tpu.memref_slice %arg3[%mul3A_203, %dma_start3A_208] : memref<8192x1024xf32, #tpu.memory_space<hbm>> -> memref<4x1024xf32, #tpu.memory_space<hbm>>
      %dma_start3A_210 = tpu.memref_slice %run_scoped3A_23[%rem3A_199] : memref<2x!tpu.dma_semaphore, #tpu.memory_space<semaphore_mem>> -> memref<1x!tpu.dma_semaphore, #tpu.memory_space<semaphore_mem>>
      %dma_start3A_211 = tpu.memref_squeeze %dma_start3A_210 : memref<1x!tpu.dma_semaphore, #tpu.memory_space<semaphore_mem>> -> memref<!tpu.dma_semaphore, #tpu.memory_space<semaphore_mem>>
      %dma_start3A_212 = arith.constant 0 : i32
      %dma_start3A_213 = arith.constant 0 : i32
      %dma_start3A_214 = tpu.memref_slice %run_scoped3A_22[%rem3A_199, %dma_start3A_212, %dma_start3A_213] : memref<2x4x1024xf32, #tpu.memory_space<vmem>> -> memref<1x4x1024xf32, #tpu.memory_space<vmem>>
      %dma_start3A_215 = tpu.memref_squeeze %dma_start3A_214 : memref<1x4x1024xf32, #tpu.memory_space<vmem>> -> memref<4x1024xf32, #tpu.memory_space<vmem>>
      %dma_start3A_216 = arith.constant 0 : i32
      %dma_start3A_217 = tpu.memref_slice %arg3[%mul3A_203, %dma_start3A_216] : memref<8192x1024xf32, #tpu.memory_space<hbm>> -> memref<4x1024xf32, #tpu.memory_space<hbm>>
      tpu.enqueue_dma source(%dma_start3A_217 : memref<4x1024xf32, #tpu.memory_space<hbm>>) target(%dma_start3A_215 : memref<4x1024xf32, #tpu.memory_space<vmem>>) target_semaphore(%dma_start3A_211 : memref<!tpu.dma_semaphore, #tpu.memory_space<semaphore_mem>>)
      %add3A_218 = arith.constant 0 : i32
      %add3A_219 = arith.constant 1 : i32
      %add3A_220 = arith.addi %add3A_218, %add3A_219 : i32
      %select_n3A_221 = arith.constant true
      %select_n3A_222 = arith.constant 0 : i32
      %select_n3A_223 = arith.select %select_n3A_221, %add3A_220, %select_n3A_222 : i32
      "tpu.trace_stop"() : () -> ()
      %scan3A = arith.constant 0 : i32
      %scan3A_224 = arith.constant 0 : i32
      %scan3A_225 = arith.constant 0 : i32
      %scan3A_226 = arith.constant 0 : i32
      %scan3A_227 = arith.constant 0 : i32
      %scan3A_228 = arith.constant 0 : i32
      %scan3A_229 = arith.constant 0 : i32
      %scan3A_230 = arith.constant 0 : i32
      %scan3A_231 = arith.constant 0 : i32
      %scan3A_232 = arith.constant 0 : i32
      %scan3A_233 = arith.constant 0 : i32
      %scan3A_234 = arith.constant 0 : i32
      %scan3A_235 = arith.constant 0 : i32
      %scan3A_236 = arith.constant 0 : i32
      %scan3A_237 = arith.constant 0 : i32
      %scan3A_238 = arith.constant 6 : i32
      %scan3A_239 = arith.addi %scan3A_237, %scan3A_238 : i32
      %scan3A_240 = arith.constant 1 : i32
      %scan3A_241:19 = scf.for %scan3A_381 = %scan3A_237 to %scan3A_239 step %scan3A_240 iter_args(%scan3A_382 = %select_n3A_91, %scan3A_383 = %scan3A, %scan3A_384 = %select_n3A_126, %scan3A_385 = %scan3A_224, %scan3A_386 = %select_n3A_161, %scan3A_387 = %scan3A_225, %scan3A_388 = %select_n3A_196, %scan3A_389 = %scan3A_226, %scan3A_390 = %select_n3A_223, %scan3A_391 = %scan3A_227, %scan3A_392 = %scan3A_228, %scan3A_393 = %scan3A_229, %scan3A_394 = %scan3A_230, %scan3A_395 = %scan3A_231, %scan3A_396 = %scan3A_232, %scan3A_397 = %scan3A_233, %scan3A_398 = %scan3A_234, %scan3A_399 = %scan3A_235, %scan3A_400 = %scan3A_236) -> (i32, i32, i32, i32, i32, i32, i32, i32, i32, i32, i32, i32, i32, i32, i32, i32, i32, i32, i32)  : i32 {
        %eq3A_401 = arith.constant 0 : i32
        %eq3A_402 = arith.cmpi eq, %scan3A_381, %eq3A_401 : i32
        %eq3A_403 = arith.constant 5 : i32
        %eq3A_404 = arith.cmpi eq, %scan3A_381, %eq3A_403 : i32
        %add3A_405 = arith.addi %scan3A_400, %mul3A_6 : i32
        %sub3A_406 = arith.constant 1 : i32
        %sub3A_407 = arith.subi %scan3A_400, %sub3A_406 : i32
        %select_n3A_408 = arith.constant true
        %select_n3A_409 = arith.select %select_n3A_408, %sub3A_407, %scan3A_400 : i32
        %eq3A_410 = arith.constant -1 : i32
        %eq3A_411 = arith.cmpi eq, %select_n3A_409, %eq3A_410 : i32
        %select_n3A_412 = arith.constant 5 : i32
        %select_n3A_413 = arith.select %eq3A_411, %select_n3A_412, %select_n3A_409 : i32
        %add3A_414 = arith.addi %select_n3A_413, %mul3A_6 : i32
        %add3A_415 = arith.constant 1 : i32
        %add3A_416 = arith.addi %scan3A_400, %add3A_415 : i32
        %select_n3A_417 = arith.constant true
        %select_n3A_418 = arith.select %select_n3A_417, %add3A_416, %scan3A_400 : i32
        %eq3A_419 = arith.constant 6 : i32
        %eq3A_420 = arith.cmpi eq, %select_n3A_418, %eq3A_419 : i32
        %select_n3A_421 = arith.constant 0 : i32
        %select_n3A_422 = arith.select %eq3A_420, %select_n3A_421, %select_n3A_418 : i32
        %add3A_423 = arith.addi %select_n3A_422, %mul3A_6 : i32
        %add3A_424 = arith.constant 1 : i32
        %add3A_425 = arith.addi %select_n3A_422, %add3A_424 : i32
        %select_n3A_426 = arith.constant true
        %select_n3A_427 = arith.select %select_n3A_426, %add3A_425, %select_n3A_422 : i32
        %eq3A_428 = arith.constant 6 : i32
        %eq3A_429 = arith.cmpi eq, %select_n3A_427, %eq3A_428 : i32
        %select_n3A_430 = arith.constant 0 : i32
        %select_n3A_431 = arith.select %eq3A_429, %select_n3A_430, %select_n3A_427 : i32
        %add3A_432 = arith.addi %select_n3A_431, %mul3A_6 : i32
        %add3A_433 = arith.constant 832 : i32
        %add3A_434 = arith.addi %add3A_405, %add3A_433 : i32
        %add3A_435 = arith.constant 832 : i32
        %add3A_436 = arith.addi %add3A_423, %add3A_435 : i32
        %ne3A = arith.cmpi ne, %add3A_434, %add3A_436 : i32
        %or3A = arith.constant false
        %or3A_437 = arith.ori %or3A, %ne3A : i1
        %or3A_438 = arith.constant false
        %or3A_439 = arith.ori %or3A_437, %or3A_438 : i1
        %ge3A = arith.constant 5 : i32
        %ge3A_440 = arith.cmpi sge, %scan3A_381, %ge3A : i32
        %not3A = arith.constant true
        %not3A_441 = arith.xori %ge3A_440, %not3A : i1
        %and3A = arith.andi %or3A_439, %not3A_441 : i1
        %convert_element_type3A = arith.extui %and3A : i1 to i32
        %cond3A = arith.constant 0 : i32
        %cond3A_442 = arith.cmpi ne, %convert_element_type3A, %cond3A : i32
        scf.if %cond3A_442 {
          "tpu.trace_start"() <{level = 10 : i32, message = "ep_copy_in"}> : () -> ()
          %rem3A_1068 = arith.constant 2 : i32
          %rem3A_1069 = arith.remui %scan3A_382, %rem3A_1068 : i32
          %add3A_1070 = arith.constant 832 : i32
          %add3A_1071 = arith.addi %add3A_423, %add3A_1070 : i32
          %mul3A_1072 = arith.constant 4 : i32
          %mul3A_1073 = arith.muli %mul3A_1072, %add3A_1071 : i32
          %dma_start3A_1074 = arith.constant 0 : i32
          %dma_start3A_1075 = arith.constant 0 : i32
          %dma_start3A_1076 = tpu.memref_slice %run_scoped3A_14[%rem3A_1069, %dma_start3A_1074, %dma_start3A_1075] : memref<2x4x1024xf32, #tpu.memory_space<vmem>> -> memref<1x4x1024xf32, #tpu.memory_space<vmem>>
          %dma_start3A_1077 = tpu.memref_squeeze %dma_start3A_1076 : memref<1x4x1024xf32, #tpu.memory_space<vmem>> -> memref<4x1024xf32, #tpu.memory_space<vmem>>
          %dma_start3A_1078 = arith.constant 0 : i32
          %dma_start3A_1079 = arith.constant 0 : i32
          %dma_start3A_1080 = tpu.memref_slice %arg2[%dma_start3A_1078, %run_scoped3A, %dma_start3A_1079] : memref<4096x4x1024xf32, #tpu.memory_space<hbm>> -> memref<4096x1x1024xf32, #tpu.memory_space<hbm>>
          %dma_start3A_1081 = tpu.memref_squeeze %dma_start3A_1080 : memref<4096x1x1024xf32, #tpu.memory_space<hbm>> -> memref<4096x1024xf32, #tpu.memory_space<hbm>>
          %dma_start3A_1082 = arith.constant 0 : i32
          %dma_start3A_1083 = tpu.memref_slice %dma_start3A_1081[%mul3A_1073, %dma_start3A_1082] : memref<4096x1024xf32, #tpu.memory_space<hbm>> -> memref<4x1024xf32, #tpu.memory_space<hbm>>
          %dma_start3A_1084 = tpu.memref_slice %run_scoped3A_15[%rem3A_1069] : memref<2x!tpu.dma_semaphore, #tpu.memory_space<semaphore_mem>> -> memref<1x!tpu.dma_semaphore, #tpu.memory_space<semaphore_mem>>
          %dma_start3A_1085 = tpu.memref_squeeze %dma_start3A_1084 : memref<1x!tpu.dma_semaphore, #tpu.memory_space<semaphore_mem>> -> memref<!tpu.dma_semaphore, #tpu.memory_space<semaphore_mem>>
          %dma_start3A_1086 = arith.constant 0 : i32
          %dma_start3A_1087 = arith.constant 0 : i32
          %dma_start3A_1088 = tpu.memref_slice %run_scoped3A_14[%rem3A_1069, %dma_start3A_1086, %dma_start3A_1087] : memref<2x4x1024xf32, #tpu.memory_space<vmem>> -> memref<1x4x1024xf32, #tpu.memory_space<vmem>>
          %dma_start3A_1089 = tpu.memref_squeeze %dma_start3A_1088 : memref<1x4x1024xf32, #tpu.memory_space<vmem>> -> memref<4x1024xf32, #tpu.memory_space<vmem>>
          %dma_start3A_1090 = arith.constant 0 : i32
          %dma_start3A_1091 = arith.constant 0 : i32
          %dma_start3A_1092 = tpu.memref_slice %arg2[%dma_start3A_1090, %run_scoped3A, %dma_start3A_1091] : memref<4096x4x1024xf32, #tpu.memory_space<hbm>> -> memref<4096x1x1024xf32, #tpu.memory_space<hbm>>
          %dma_start3A_1093 = tpu.memref_squeeze %dma_start3A_1092 : memref<4096x1x1024xf32, #tpu.memory_space<hbm>> -> memref<4096x1024xf32, #tpu.memory_space<hbm>>
          %dma_start3A_1094 = arith.constant 0 : i32
          %dma_start3A_1095 = tpu.memref_slice %dma_start3A_1093[%mul3A_1073, %dma_start3A_1094] : memref<4096x1024xf32, #tpu.memory_space<hbm>> -> memref<4x1024xf32, #tpu.memory_space<hbm>>
          tpu.enqueue_dma source(%dma_start3A_1095 : memref<4x1024xf32, #tpu.memory_space<hbm>>) target(%dma_start3A_1089 : memref<4x1024xf32, #tpu.memory_space<vmem>>) target_semaphore(%dma_start3A_1085 : memref<!tpu.dma_semaphore, #tpu.memory_space<semaphore_mem>>)
          "tpu.trace_stop"() : () -> ()
        } else {
        }
        %and3A_443 = arith.constant true
        %and3A_444 = arith.andi %and3A, %and3A_443 : i1
        %add3A_445 = arith.constant 1 : i32
        %add3A_446 = arith.addi %scan3A_382, %add3A_445 : i32
        %select_n3A_447 = arith.select %and3A_444, %add3A_446, %scan3A_382 : i32
        %add3A_448 = arith.constant 832 : i32
        %add3A_449 = arith.addi %add3A_405, %add3A_448 : i32
        %add3A_450 = arith.constant 832 : i32
        %add3A_451 = arith.addi %add3A_423, %add3A_450 : i32
        %ne3A_452 = arith.cmpi ne, %add3A_449, %add3A_451 : i32
        %or3A_453 = arith.constant false
        %or3A_454 = arith.ori %or3A_453, %ne3A_452 : i1
        %or3A_455 = arith.constant false
        %or3A_456 = arith.ori %or3A_454, %or3A_455 : i1
        %ge3A_457 = arith.constant 5 : i32
        %ge3A_458 = arith.cmpi sge, %scan3A_381, %ge3A_457 : i32
        %not3A_459 = arith.constant true
        %not3A_460 = arith.xori %ge3A_458, %not3A_459 : i1
        %and3A_461 = arith.andi %or3A_456, %not3A_460 : i1
        %convert_element_type3A_462 = arith.extui %and3A_461 : i1 to i32
        %cond3A_463 = arith.constant 0 : i32
        %cond3A_464 = arith.cmpi ne, %convert_element_type3A_462, %cond3A_463 : i32
        scf.if %cond3A_464 {
          "tpu.trace_start"() <{level = 10 : i32, message = "ep_copy_in"}> : () -> ()
          %rem3A_1068 = arith.constant 2 : i32
          %rem3A_1069 = arith.remui %scan3A_384, %rem3A_1068 : i32
          %add3A_1070 = arith.constant 832 : i32
          %add3A_1071 = arith.addi %add3A_423, %add3A_1070 : i32
          %mul3A_1072 = arith.constant 4 : i32
          %mul3A_1073 = arith.muli %mul3A_1072, %add3A_1071 : i32
          %dma_start3A_1074 = arith.constant 0 : i32
          %dma_start3A_1075 = arith.constant 0 : i32
          %dma_start3A_1076 = tpu.memref_slice %run_scoped3A_16[%rem3A_1069, %dma_start3A_1074, %dma_start3A_1075] : memref<2x4x1024xf32, #tpu.memory_space<vmem>> -> memref<1x4x1024xf32, #tpu.memory_space<vmem>>
          %dma_start3A_1077 = tpu.memref_squeeze %dma_start3A_1076 : memref<1x4x1024xf32, #tpu.memory_space<vmem>> -> memref<4x1024xf32, #tpu.memory_space<vmem>>
          %dma_start3A_1078 = arith.constant 0 : i32
          %dma_start3A_1079 = arith.constant 0 : i32
          %dma_start3A_1080 = tpu.memref_slice %arg2[%dma_start3A_1078, %run_scoped3A_7, %dma_start3A_1079] : memref<4096x4x1024xf32, #tpu.memory_space<hbm>> -> memref<4096x1x1024xf32, #tpu.memory_space<hbm>>
          %dma_start3A_1081 = tpu.memref_squeeze %dma_start3A_1080 : memref<4096x1x1024xf32, #tpu.memory_space<hbm>> -> memref<4096x1024xf32, #tpu.memory_space<hbm>>
          %dma_start3A_1082 = arith.constant 0 : i32
          %dma_start3A_1083 = tpu.memref_slice %dma_start3A_1081[%mul3A_1073, %dma_start3A_1082] : memref<4096x1024xf32, #tpu.memory_space<hbm>> -> memref<4x1024xf32, #tpu.memory_space<hbm>>
          %dma_start3A_1084 = tpu.memref_slice %run_scoped3A_17[%rem3A_1069] : memref<2x!tpu.dma_semaphore, #tpu.memory_space<semaphore_mem>> -> memref<1x!tpu.dma_semaphore, #tpu.memory_space<semaphore_mem>>
          %dma_start3A_1085 = tpu.memref_squeeze %dma_start3A_1084 : memref<1x!tpu.dma_semaphore, #tpu.memory_space<semaphore_mem>> -> memref<!tpu.dma_semaphore, #tpu.memory_space<semaphore_mem>>
          %dma_start3A_1086 = arith.constant 0 : i32
          %dma_start3A_1087 = arith.constant 0 : i32
          %dma_start3A_1088 = tpu.memref_slice %run_scoped3A_16[%rem3A_1069, %dma_start3A_1086, %dma_start3A_1087] : memref<2x4x1024xf32, #tpu.memory_space<vmem>> -> memref<1x4x1024xf32, #tpu.memory_space<vmem>>
          %dma_start3A_1089 = tpu.memref_squeeze %dma_start3A_1088 : memref<1x4x1024xf32, #tpu.memory_space<vmem>> -> memref<4x1024xf32, #tpu.memory_space<vmem>>
          %dma_start3A_1090 = arith.constant 0 : i32
          %dma_start3A_1091 = arith.constant 0 : i32
          %dma_start3A_1092 = tpu.memref_slice %arg2[%dma_start3A_1090, %run_scoped3A_7, %dma_start3A_1091] : memref<4096x4x1024xf32, #tpu.memory_space<hbm>> -> memref<4096x1x1024xf32, #tpu.memory_space<hbm>>
          %dma_start3A_1093 = tpu.memref_squeeze %dma_start3A_1092 : memref<4096x1x1024xf32, #tpu.memory_space<hbm>> -> memref<4096x1024xf32, #tpu.memory_space<hbm>>
          %dma_start3A_1094 = arith.constant 0 : i32
          %dma_start3A_1095 = tpu.memref_slice %dma_start3A_1093[%mul3A_1073, %dma_start3A_1094] : memref<4096x1024xf32, #tpu.memory_space<hbm>> -> memref<4x1024xf32, #tpu.memory_space<hbm>>
          tpu.enqueue_dma source(%dma_start3A_1095 : memref<4x1024xf32, #tpu.memory_space<hbm>>) target(%dma_start3A_1089 : memref<4x1024xf32, #tpu.memory_space<vmem>>) target_semaphore(%dma_start3A_1085 : memref<!tpu.dma_semaphore, #tpu.memory_space<semaphore_mem>>)
          "tpu.trace_stop"() : () -> ()
        } else {
        }
        %and3A_465 = arith.constant true
        %and3A_466 = arith.andi %and3A_461, %and3A_465 : i1
        %add3A_467 = arith.constant 1 : i32
        %add3A_468 = arith.addi %scan3A_384, %add3A_467 : i32
        %select_n3A_469 = arith.select %and3A_466, %add3A_468, %scan3A_384 : i32
        %add3A_470 = arith.constant 832 : i32
        %add3A_471 = arith.addi %add3A_405, %add3A_470 : i32
        %add3A_472 = arith.constant 832 : i32
        %add3A_473 = arith.addi %add3A_423, %add3A_472 : i32
        %ne3A_474 = arith.cmpi ne, %add3A_471, %add3A_473 : i32
        %or3A_475 = arith.constant false
        %or3A_476 = arith.ori %or3A_475, %ne3A_474 : i1
        %or3A_477 = arith.constant false
        %or3A_478 = arith.ori %or3A_476, %or3A_477 : i1
        %ge3A_479 = arith.constant 5 : i32
        %ge3A_480 = arith.cmpi sge, %scan3A_381, %ge3A_479 : i32
        %not3A_481 = arith.constant true
        %not3A_482 = arith.xori %ge3A_480, %not3A_481 : i1
        %and3A_483 = arith.andi %or3A_478, %not3A_482 : i1
        %convert_element_type3A_484 = arith.extui %and3A_483 : i1 to i32
        %cond3A_485 = arith.constant 0 : i32
        %cond3A_486 = arith.cmpi ne, %convert_element_type3A_484, %cond3A_485 : i32
        scf.if %cond3A_486 {
          "tpu.trace_start"() <{level = 10 : i32, message = "ep_copy_in"}> : () -> ()
          %rem3A_1068 = arith.constant 2 : i32
          %rem3A_1069 = arith.remui %scan3A_386, %rem3A_1068 : i32
          %add3A_1070 = arith.constant 832 : i32
          %add3A_1071 = arith.addi %add3A_423, %add3A_1070 : i32
          %mul3A_1072 = arith.constant 4 : i32
          %mul3A_1073 = arith.muli %mul3A_1072, %add3A_1071 : i32
          %dma_start3A_1074 = arith.constant 0 : i32
          %dma_start3A_1075 = arith.constant 0 : i32
          %dma_start3A_1076 = tpu.memref_slice %run_scoped3A_18[%rem3A_1069, %dma_start3A_1074, %dma_start3A_1075] : memref<2x4x1024xf32, #tpu.memory_space<vmem>> -> memref<1x4x1024xf32, #tpu.memory_space<vmem>>
          %dma_start3A_1077 = tpu.memref_squeeze %dma_start3A_1076 : memref<1x4x1024xf32, #tpu.memory_space<vmem>> -> memref<4x1024xf32, #tpu.memory_space<vmem>>
          %dma_start3A_1078 = arith.constant 0 : i32
          %dma_start3A_1079 = arith.constant 0 : i32
          %dma_start3A_1080 = tpu.memref_slice %arg2[%dma_start3A_1078, %run_scoped3A_8, %dma_start3A_1079] : memref<4096x4x1024xf32, #tpu.memory_space<hbm>> -> memref<4096x1x1024xf32, #tpu.memory_space<hbm>>
          %dma_start3A_1081 = tpu.memref_squeeze %dma_start3A_1080 : memref<4096x1x1024xf32, #tpu.memory_space<hbm>> -> memref<4096x1024xf32, #tpu.memory_space<hbm>>
          %dma_start3A_1082 = arith.constant 0 : i32
          %dma_start3A_1083 = tpu.memref_slice %dma_start3A_1081[%mul3A_1073, %dma_start3A_1082] : memref<4096x1024xf32, #tpu.memory_space<hbm>> -> memref<4x1024xf32, #tpu.memory_space<hbm>>
          %dma_start3A_1084 = tpu.memref_slice %run_scoped3A_19[%rem3A_1069] : memref<2x!tpu.dma_semaphore, #tpu.memory_space<semaphore_mem>> -> memref<1x!tpu.dma_semaphore, #tpu.memory_space<semaphore_mem>>
          %dma_start3A_1085 = tpu.memref_squeeze %dma_start3A_1084 : memref<1x!tpu.dma_semaphore, #tpu.memory_space<semaphore_mem>> -> memref<!tpu.dma_semaphore, #tpu.memory_space<semaphore_mem>>
          %dma_start3A_1086 = arith.constant 0 : i32
          %dma_start3A_1087 = arith.constant 0 : i32
          %dma_start3A_1088 = tpu.memref_slice %run_scoped3A_18[%rem3A_1069, %dma_start3A_1086, %dma_start3A_1087] : memref<2x4x1024xf32, #tpu.memory_space<vmem>> -> memref<1x4x1024xf32, #tpu.memory_space<vmem>>
          %dma_start3A_1089 = tpu.memref_squeeze %dma_start3A_1088 : memref<1x4x1024xf32, #tpu.memory_space<vmem>> -> memref<4x1024xf32, #tpu.memory_space<vmem>>
          %dma_start3A_1090 = arith.constant 0 : i32
          %dma_start3A_1091 = arith.constant 0 : i32
          %dma_start3A_1092 = tpu.memref_slice %arg2[%dma_start3A_1090, %run_scoped3A_8, %dma_start3A_1091] : memref<4096x4x1024xf32, #tpu.memory_space<hbm>> -> memref<4096x1x1024xf32, #tpu.memory_space<hbm>>
          %dma_start3A_1093 = tpu.memref_squeeze %dma_start3A_1092 : memref<4096x1x1024xf32, #tpu.memory_space<hbm>> -> memref<4096x1024xf32, #tpu.memory_space<hbm>>
          %dma_start3A_1094 = arith.constant 0 : i32
          %dma_start3A_1095 = tpu.memref_slice %dma_start3A_1093[%mul3A_1073, %dma_start3A_1094] : memref<4096x1024xf32, #tpu.memory_space<hbm>> -> memref<4x1024xf32, #tpu.memory_space<hbm>>
          tpu.enqueue_dma source(%dma_start3A_1095 : memref<4x1024xf32, #tpu.memory_space<hbm>>) target(%dma_start3A_1089 : memref<4x1024xf32, #tpu.memory_space<vmem>>) target_semaphore(%dma_start3A_1085 : memref<!tpu.dma_semaphore, #tpu.memory_space<semaphore_mem>>)
          "tpu.trace_stop"() : () -> ()
        } else {
        }
        %and3A_487 = arith.constant true
        %and3A_488 = arith.andi %and3A_483, %and3A_487 : i1
        %add3A_489 = arith.constant 1 : i32
        %add3A_490 = arith.addi %scan3A_386, %add3A_489 : i32
        %select_n3A_491 = arith.select %and3A_488, %add3A_490, %scan3A_386 : i32
        %add3A_492 = arith.constant 832 : i32
        %add3A_493 = arith.addi %add3A_405, %add3A_492 : i32
        %add3A_494 = arith.constant 832 : i32
        %add3A_495 = arith.addi %add3A_423, %add3A_494 : i32
        %ne3A_496 = arith.cmpi ne, %add3A_493, %add3A_495 : i32
        %or3A_497 = arith.constant false
        %or3A_498 = arith.ori %or3A_497, %ne3A_496 : i1
        %or3A_499 = arith.constant false
        %or3A_500 = arith.ori %or3A_498, %or3A_499 : i1
        %ge3A_501 = arith.constant 5 : i32
        %ge3A_502 = arith.cmpi sge, %scan3A_381, %ge3A_501 : i32
        %not3A_503 = arith.constant true
        %not3A_504 = arith.xori %ge3A_502, %not3A_503 : i1
        %and3A_505 = arith.andi %or3A_500, %not3A_504 : i1
        %convert_element_type3A_506 = arith.extui %and3A_505 : i1 to i32
        %cond3A_507 = arith.constant 0 : i32
        %cond3A_508 = arith.cmpi ne, %convert_element_type3A_506, %cond3A_507 : i32
        scf.if %cond3A_508 {
          "tpu.trace_start"() <{level = 10 : i32, message = "ep_copy_in"}> : () -> ()
          %rem3A_1068 = arith.constant 2 : i32
          %rem3A_1069 = arith.remui %scan3A_388, %rem3A_1068 : i32
          %add3A_1070 = arith.constant 832 : i32
          %add3A_1071 = arith.addi %add3A_423, %add3A_1070 : i32
          %mul3A_1072 = arith.constant 4 : i32
          %mul3A_1073 = arith.muli %mul3A_1072, %add3A_1071 : i32
          %dma_start3A_1074 = arith.constant 0 : i32
          %dma_start3A_1075 = arith.constant 0 : i32
          %dma_start3A_1076 = tpu.memref_slice %run_scoped3A_20[%rem3A_1069, %dma_start3A_1074, %dma_start3A_1075] : memref<2x4x1024xf32, #tpu.memory_space<vmem>> -> memref<1x4x1024xf32, #tpu.memory_space<vmem>>
          %dma_start3A_1077 = tpu.memref_squeeze %dma_start3A_1076 : memref<1x4x1024xf32, #tpu.memory_space<vmem>> -> memref<4x1024xf32, #tpu.memory_space<vmem>>
          %dma_start3A_1078 = arith.constant 0 : i32
          %dma_start3A_1079 = arith.constant 0 : i32
          %dma_start3A_1080 = tpu.memref_slice %arg2[%dma_start3A_1078, %run_scoped3A_9, %dma_start3A_1079] : memref<4096x4x1024xf32, #tpu.memory_space<hbm>> -> memref<4096x1x1024xf32, #tpu.memory_space<hbm>>
          %dma_start3A_1081 = tpu.memref_squeeze %dma_start3A_1080 : memref<4096x1x1024xf32, #tpu.memory_space<hbm>> -> memref<4096x1024xf32, #tpu.memory_space<hbm>>
          %dma_start3A_1082 = arith.constant 0 : i32
          %dma_start3A_1083 = tpu.memref_slice %dma_start3A_1081[%mul3A_1073, %dma_start3A_1082] : memref<4096x1024xf32, #tpu.memory_space<hbm>> -> memref<4x1024xf32, #tpu.memory_space<hbm>>
          %dma_start3A_1084 = tpu.memref_slice %run_scoped3A_21[%rem3A_1069] : memref<2x!tpu.dma_semaphore, #tpu.memory_space<semaphore_mem>> -> memref<1x!tpu.dma_semaphore, #tpu.memory_space<semaphore_mem>>
          %dma_start3A_1085 = tpu.memref_squeeze %dma_start3A_1084 : memref<1x!tpu.dma_semaphore, #tpu.memory_space<semaphore_mem>> -> memref<!tpu.dma_semaphore, #tpu.memory_space<semaphore_mem>>
          %dma_start3A_1086 = arith.constant 0 : i32
          %dma_start3A_1087 = arith.constant 0 : i32
          %dma_start3A_1088 = tpu.memref_slice %run_scoped3A_20[%rem3A_1069, %dma_start3A_1086, %dma_start3A_1087] : memref<2x4x1024xf32, #tpu.memory_space<vmem>> -> memref<1x4x1024xf32, #tpu.memory_space<vmem>>
          %dma_start3A_1089 = tpu.memref_squeeze %dma_start3A_1088 : memref<1x4x1024xf32, #tpu.memory_space<vmem>> -> memref<4x1024xf32, #tpu.memory_space<vmem>>
          %dma_start3A_1090 = arith.constant 0 : i32
          %dma_start3A_1091 = arith.constant 0 : i32
          %dma_start3A_1092 = tpu.memref_slice %arg2[%dma_start3A_1090, %run_scoped3A_9, %dma_start3A_1091] : memref<4096x4x1024xf32, #tpu.memory_space<hbm>> -> memref<4096x1x1024xf32, #tpu.memory_space<hbm>>
          %dma_start3A_1093 = tpu.memref_squeeze %dma_start3A_1092 : memref<4096x1x1024xf32, #tpu.memory_space<hbm>> -> memref<4096x1024xf32, #tpu.memory_space<hbm>>
          %dma_start3A_1094 = arith.constant 0 : i32
          %dma_start3A_1095 = tpu.memref_slice %dma_start3A_1093[%mul3A_1073, %dma_start3A_1094] : memref<4096x1024xf32, #tpu.memory_space<hbm>> -> memref<4x1024xf32, #tpu.memory_space<hbm>>
          tpu.enqueue_dma source(%dma_start3A_1095 : memref<4x1024xf32, #tpu.memory_space<hbm>>) target(%dma_start3A_1089 : memref<4x1024xf32, #tpu.memory_space<vmem>>) target_semaphore(%dma_start3A_1085 : memref<!tpu.dma_semaphore, #tpu.memory_space<semaphore_mem>>)
          "tpu.trace_stop"() : () -> ()
        } else {
        }
        %and3A_509 = arith.constant true
        %and3A_510 = arith.andi %and3A_505, %and3A_509 : i1
        %add3A_511 = arith.constant 1 : i32
        %add3A_512 = arith.addi %scan3A_388, %add3A_511 : i32
        %select_n3A_513 = arith.select %and3A_510, %add3A_512, %scan3A_388 : i32
        %add3A_514 = arith.constant 832 : i32
        %add3A_515 = arith.addi %add3A_405, %add3A_514 : i32
        %add3A_516 = arith.constant 832 : i32
        %add3A_517 = arith.addi %add3A_423, %add3A_516 : i32
        %ne3A_518 = arith.cmpi ne, %add3A_515, %add3A_517 : i32
        %or3A_519 = arith.constant false
        %or3A_520 = arith.ori %or3A_519, %ne3A_518 : i1
        %or3A_521 = arith.constant false
        %or3A_522 = arith.ori %or3A_520, %or3A_521 : i1
        %ge3A_523 = arith.constant 5 : i32
        %ge3A_524 = arith.cmpi sge, %scan3A_381, %ge3A_523 : i32
        %not3A_525 = arith.constant true
        %not3A_526 = arith.xori %ge3A_524, %not3A_525 : i1
        %and3A_527 = arith.andi %or3A_522, %not3A_526 : i1
        %convert_element_type3A_528 = arith.extui %and3A_527 : i1 to i32
        %cond3A_529 = arith.constant 0 : i32
        %cond3A_530 = arith.cmpi ne, %convert_element_type3A_528, %cond3A_529 : i32
        scf.if %cond3A_530 {
          "tpu.trace_start"() <{level = 10 : i32, message = "ep_copy_in"}> : () -> ()
          %rem3A_1068 = arith.constant 2 : i32
          %rem3A_1069 = arith.remui %scan3A_390, %rem3A_1068 : i32
          %add3A_1070 = arith.constant 832 : i32
          %add3A_1071 = arith.addi %add3A_423, %add3A_1070 : i32
          %mul3A_1072 = arith.constant 4 : i32
          %mul3A_1073 = arith.muli %mul3A_1072, %add3A_1071 : i32
          %dma_start3A_1074 = arith.constant 0 : i32
          %dma_start3A_1075 = arith.constant 0 : i32
          %dma_start3A_1076 = tpu.memref_slice %run_scoped3A_22[%rem3A_1069, %dma_start3A_1074, %dma_start3A_1075] : memref<2x4x1024xf32, #tpu.memory_space<vmem>> -> memref<1x4x1024xf32, #tpu.memory_space<vmem>>
          %dma_start3A_1077 = tpu.memref_squeeze %dma_start3A_1076 : memref<1x4x1024xf32, #tpu.memory_space<vmem>> -> memref<4x1024xf32, #tpu.memory_space<vmem>>
          %dma_start3A_1078 = arith.constant 0 : i32
          %dma_start3A_1079 = tpu.memref_slice %arg3[%mul3A_1073, %dma_start3A_1078] : memref<8192x1024xf32, #tpu.memory_space<hbm>> -> memref<4x1024xf32, #tpu.memory_space<hbm>>
          %dma_start3A_1080 = tpu.memref_slice %run_scoped3A_23[%rem3A_1069] : memref<2x!tpu.dma_semaphore, #tpu.memory_space<semaphore_mem>> -> memref<1x!tpu.dma_semaphore, #tpu.memory_space<semaphore_mem>>
          %dma_start3A_1081 = tpu.memref_squeeze %dma_start3A_1080 : memref<1x!tpu.dma_semaphore, #tpu.memory_space<semaphore_mem>> -> memref<!tpu.dma_semaphore, #tpu.memory_space<semaphore_mem>>
          %dma_start3A_1082 = arith.constant 0 : i32
          %dma_start3A_1083 = arith.constant 0 : i32
          %dma_start3A_1084 = tpu.memref_slice %run_scoped3A_22[%rem3A_1069, %dma_start3A_1082, %dma_start3A_1083] : memref<2x4x1024xf32, #tpu.memory_space<vmem>> -> memref<1x4x1024xf32, #tpu.memory_space<vmem>>
          %dma_start3A_1085 = tpu.memref_squeeze %dma_start3A_1084 : memref<1x4x1024xf32, #tpu.memory_space<vmem>> -> memref<4x1024xf32, #tpu.memory_space<vmem>>
          %dma_start3A_1086 = arith.constant 0 : i32
          %dma_start3A_1087 = tpu.memref_slice %arg3[%mul3A_1073, %dma_start3A_1086] : memref<8192x1024xf32, #tpu.memory_space<hbm>> -> memref<4x1024xf32, #tpu.memory_space<hbm>>
          tpu.enqueue_dma source(%dma_start3A_1087 : memref<4x1024xf32, #tpu.memory_space<hbm>>) target(%dma_start3A_1085 : memref<4x1024xf32, #tpu.memory_space<vmem>>) target_semaphore(%dma_start3A_1081 : memref<!tpu.dma_semaphore, #tpu.memory_space<semaphore_mem>>)
          "tpu.trace_stop"() : () -> ()
        } else {
        }
        %and3A_531 = arith.constant true
        %and3A_532 = arith.andi %and3A_527, %and3A_531 : i1
        %add3A_533 = arith.constant 1 : i32
        %add3A_534 = arith.addi %scan3A_390, %add3A_533 : i32
        %select_n3A_535 = arith.select %and3A_532, %add3A_534, %scan3A_390 : i32
        %ne3A_536 = arith.cmpi ne, %add3A_405, %add3A_423 : i32
        %or3A_537 = arith.constant false
        %or3A_538 = arith.ori %or3A_537, %ne3A_536 : i1
        %or3A_539 = arith.constant false
        %or3A_540 = arith.ori %or3A_538, %or3A_539 : i1
        %ge3A_541 = arith.constant 5 : i32
        %ge3A_542 = arith.cmpi sge, %scan3A_381, %ge3A_541 : i32
        %not3A_543 = arith.constant true
        %not3A_544 = arith.xori %ge3A_542, %not3A_543 : i1
        %and3A_545 = arith.andi %or3A_540, %not3A_544 : i1
        %ne3A_546 = arith.cmpi ne, %add3A_405, %add3A_423 : i32
        %or3A_547 = arith.constant false
        %or3A_548 = arith.ori %or3A_547, %ne3A_546 : i1
        %or3A_549 = arith.constant false
        %or3A_550 = arith.ori %or3A_548, %or3A_549 : i1
        %ge3A_551 = arith.constant 5 : i32
        %ge3A_552 = arith.cmpi sge, %scan3A_381, %ge3A_551 : i32
        %not3A_553 = arith.constant true
        %not3A_554 = arith.xori %ge3A_552, %not3A_553 : i1
        %and3A_555 = arith.andi %or3A_550, %not3A_554 : i1
        %ne3A_556 = arith.cmpi ne, %add3A_405, %add3A_423 : i32
        %or3A_557 = arith.constant false
        %or3A_558 = arith.ori %or3A_557, %ne3A_556 : i1
        %or3A_559 = arith.constant false
        %or3A_560 = arith.ori %or3A_558, %or3A_559 : i1
        %ge3A_561 = arith.constant 5 : i32
        %ge3A_562 = arith.cmpi sge, %scan3A_381, %ge3A_561 : i32
        %not3A_563 = arith.constant true
        %not3A_564 = arith.xori %ge3A_562, %not3A_563 : i1
        %and3A_565 = arith.andi %or3A_560, %not3A_564 : i1
        %ne3A_566 = arith.cmpi ne, %add3A_405, %add3A_423 : i32
        %or3A_567 = arith.constant false
        %or3A_568 = arith.ori %or3A_567, %ne3A_566 : i1
        %or3A_569 = arith.constant false
        %or3A_570 = arith.ori %or3A_568, %or3A_569 : i1
        %ge3A_571 = arith.constant 5 : i32
        %ge3A_572 = arith.cmpi sge, %scan3A_381, %ge3A_571 : i32
        %not3A_573 = arith.constant true
        %not3A_574 = arith.xori %ge3A_572, %not3A_573 : i1
        %and3A_575 = arith.andi %or3A_570, %not3A_574 : i1
        %add3A_576 = arith.constant 832 : i32
        %add3A_577 = arith.addi %add3A_405, %add3A_576 : i32
        %add3A_578 = arith.constant 832 : i32
        %add3A_579 = arith.addi %add3A_414, %add3A_578 : i32
        %ne3A_580 = arith.cmpi ne, %add3A_577, %add3A_579 : i32
        %or3A_581 = arith.constant false
        %or3A_582 = arith.ori %or3A_581, %ne3A_580 : i1
        %or3A_583 = arith.constant false
        %or3A_584 = arith.ori %or3A_582, %or3A_583 : i1
        %or3A_585 = arith.ori %or3A_584, %eq3A_402 : i1
        %convert_element_type3A_586 = arith.extui %or3A_585 : i1 to i32
        %cond3A_587 = arith.constant 0 : i32
        %cond3A_588 = arith.cmpi ne, %convert_element_type3A_586, %cond3A_587 : i32
        scf.if %cond3A_588 {
          "tpu.trace_start"() <{level = 10 : i32, message = "ep_wait_in"}> : () -> ()
          %add3A_1068 = arith.constant 832 : i32
          %add3A_1069 = arith.addi %add3A_405, %add3A_1068 : i32
          %mul3A_1070 = arith.constant 4 : i32
          %mul3A_1071 = arith.muli %mul3A_1070, %add3A_1069 : i32
          %rem3A_1072 = arith.constant 2 : i32
          %rem3A_1073 = arith.remui %scan3A_383, %rem3A_1072 : i32
          %dma_wait3A_1074 = arith.constant 0 : i32
          %dma_wait3A_1075 = arith.constant 0 : i32
          %dma_wait3A_1076 = tpu.memref_slice %run_scoped3A_14[%rem3A_1073, %dma_wait3A_1074, %dma_wait3A_1075] : memref<2x4x1024xf32, #tpu.memory_space<vmem>> -> memref<1x4x1024xf32, #tpu.memory_space<vmem>>
          %dma_wait3A_1077 = tpu.memref_squeeze %dma_wait3A_1076 : memref<1x4x1024xf32, #tpu.memory_space<vmem>> -> memref<4x1024xf32, #tpu.memory_space<vmem>>
          %dma_wait3A_1078 = arith.constant 0 : i32
          %dma_wait3A_1079 = arith.constant 0 : i32
          %dma_wait3A_1080 = tpu.memref_slice %arg2[%dma_wait3A_1078, %run_scoped3A, %dma_wait3A_1079] : memref<4096x4x1024xf32, #tpu.memory_space<hbm>> -> memref<4096x1x1024xf32, #tpu.memory_space<hbm>>
          %dma_wait3A_1081 = tpu.memref_squeeze %dma_wait3A_1080 : memref<4096x1x1024xf32, #tpu.memory_space<hbm>> -> memref<4096x1024xf32, #tpu.memory_space<hbm>>
          %dma_wait3A_1082 = arith.constant 0 : i32
          %dma_wait3A_1083 = tpu.memref_slice %dma_wait3A_1081[%mul3A_1071, %dma_wait3A_1082] : memref<4096x1024xf32, #tpu.memory_space<hbm>> -> memref<4x1024xf32, #tpu.memory_space<hbm>>
          %dma_wait3A_1084 = tpu.memref_slice %run_scoped3A_15[%rem3A_1073] : memref<2x!tpu.dma_semaphore, #tpu.memory_space<semaphore_mem>> -> memref<1x!tpu.dma_semaphore, #tpu.memory_space<semaphore_mem>>
          %dma_wait3A_1085 = tpu.memref_squeeze %dma_wait3A_1084 : memref<1x!tpu.dma_semaphore, #tpu.memory_space<semaphore_mem>> -> memref<!tpu.dma_semaphore, #tpu.memory_space<semaphore_mem>>
          %dma_wait3A_1086 = arith.constant 0 : i32
          %dma_wait3A_1087 = arith.constant 0 : i32
          %dma_wait3A_1088 = tpu.memref_slice %run_scoped3A_14[%rem3A_1073, %dma_wait3A_1086, %dma_wait3A_1087] : memref<2x4x1024xf32, #tpu.memory_space<vmem>> -> memref<1x4x1024xf32, #tpu.memory_space<vmem>>
          %dma_wait3A_1089 = tpu.memref_squeeze %dma_wait3A_1088 : memref<1x4x1024xf32, #tpu.memory_space<vmem>> -> memref<4x1024xf32, #tpu.memory_space<vmem>>
          %dma_wait3A_1090 = arith.constant 0 : i32
          %dma_wait3A_1091 = arith.constant 0 : i32
          %dma_wait3A_1092 = tpu.memref_slice %arg2[%dma_wait3A_1090, %run_scoped3A, %dma_wait3A_1091] : memref<4096x4x1024xf32, #tpu.memory_space<hbm>> -> memref<4096x1x1024xf32, #tpu.memory_space<hbm>>
          %dma_wait3A_1093 = tpu.memref_squeeze %dma_wait3A_1092 : memref<4096x1x1024xf32, #tpu.memory_space<hbm>> -> memref<4096x1024xf32, #tpu.memory_space<hbm>>
          %dma_wait3A_1094 = arith.constant 0 : i32
          %dma_wait3A_1095 = tpu.memref_slice %dma_wait3A_1093[%mul3A_1071, %dma_wait3A_1094] : memref<4096x1024xf32, #tpu.memory_space<hbm>> -> memref<4x1024xf32, #tpu.memory_space<hbm>>
          tpu.wait_dma2 semaphore(%dma_wait3A_1085 : memref<!tpu.dma_semaphore, #tpu.memory_space<semaphore_mem>>) src(%dma_wait3A_1095 : memref<4x1024xf32, #tpu.memory_space<hbm>>) dst(%dma_wait3A_1089 : memref<4x1024xf32, #tpu.memory_space<vmem>>)
          "tpu.trace_stop"() : () -> ()
        } else {
        }
        %add3A_589 = arith.constant 832 : i32
        %add3A_590 = arith.addi %add3A_405, %add3A_589 : i32
        %add3A_591 = arith.constant 832 : i32
        %add3A_592 = arith.addi %add3A_414, %add3A_591 : i32
        %ne3A_593 = arith.cmpi ne, %add3A_590, %add3A_592 : i32
        %or3A_594 = arith.constant false
        %or3A_595 = arith.ori %or3A_594, %ne3A_593 : i1
        %or3A_596 = arith.constant false
        %or3A_597 = arith.ori %or3A_595, %or3A_596 : i1
        %or3A_598 = arith.ori %or3A_597, %eq3A_402 : i1
        %convert_element_type3A_599 = arith.extui %or3A_598 : i1 to i32
        %cond3A_600 = arith.constant 0 : i32
        %cond3A_601 = arith.cmpi ne, %convert_element_type3A_599, %cond3A_600 : i32
        scf.if %cond3A_601 {
          "tpu.trace_start"() <{level = 10 : i32, message = "ep_wait_in"}> : () -> ()
          %add3A_1068 = arith.constant 832 : i32
          %add3A_1069 = arith.addi %add3A_405, %add3A_1068 : i32
          %mul3A_1070 = arith.constant 4 : i32
          %mul3A_1071 = arith.muli %mul3A_1070, %add3A_1069 : i32
          %rem3A_1072 = arith.constant 2 : i32
          %rem3A_1073 = arith.remui %scan3A_385, %rem3A_1072 : i32
          %dma_wait3A_1074 = arith.constant 0 : i32
          %dma_wait3A_1075 = arith.constant 0 : i32
          %dma_wait3A_1076 = tpu.memref_slice %run_scoped3A_16[%rem3A_1073, %dma_wait3A_1074, %dma_wait3A_1075] : memref<2x4x1024xf32, #tpu.memory_space<vmem>> -> memref<1x4x1024xf32, #tpu.memory_space<vmem>>
          %dma_wait3A_1077 = tpu.memref_squeeze %dma_wait3A_1076 : memref<1x4x1024xf32, #tpu.memory_space<vmem>> -> memref<4x1024xf32, #tpu.memory_space<vmem>>
          %dma_wait3A_1078 = arith.constant 0 : i32
          %dma_wait3A_1079 = arith.constant 0 : i32
          %dma_wait3A_1080 = tpu.memref_slice %arg2[%dma_wait3A_1078, %run_scoped3A_7, %dma_wait3A_1079] : memref<4096x4x1024xf32, #tpu.memory_space<hbm>> -> memref<4096x1x1024xf32, #tpu.memory_space<hbm>>
          %dma_wait3A_1081 = tpu.memref_squeeze %dma_wait3A_1080 : memref<4096x1x1024xf32, #tpu.memory_space<hbm>> -> memref<4096x1024xf32, #tpu.memory_space<hbm>>
          %dma_wait3A_1082 = arith.constant 0 : i32
          %dma_wait3A_1083 = tpu.memref_slice %dma_wait3A_1081[%mul3A_1071, %dma_wait3A_1082] : memref<4096x1024xf32, #tpu.memory_space<hbm>> -> memref<4x1024xf32, #tpu.memory_space<hbm>>
          %dma_wait3A_1084 = tpu.memref_slice %run_scoped3A_17[%rem3A_1073] : memref<2x!tpu.dma_semaphore, #tpu.memory_space<semaphore_mem>> -> memref<1x!tpu.dma_semaphore, #tpu.memory_space<semaphore_mem>>
          %dma_wait3A_1085 = tpu.memref_squeeze %dma_wait3A_1084 : memref<1x!tpu.dma_semaphore, #tpu.memory_space<semaphore_mem>> -> memref<!tpu.dma_semaphore, #tpu.memory_space<semaphore_mem>>
          %dma_wait3A_1086 = arith.constant 0 : i32
          %dma_wait3A_1087 = arith.constant 0 : i32
          %dma_wait3A_1088 = tpu.memref_slice %run_scoped3A_16[%rem3A_1073, %dma_wait3A_1086, %dma_wait3A_1087] : memref<2x4x1024xf32, #tpu.memory_space<vmem>> -> memref<1x4x1024xf32, #tpu.memory_space<vmem>>
          %dma_wait3A_1089 = tpu.memref_squeeze %dma_wait3A_1088 : memref<1x4x1024xf32, #tpu.memory_space<vmem>> -> memref<4x1024xf32, #tpu.memory_space<vmem>>
          %dma_wait3A_1090 = arith.constant 0 : i32
          %dma_wait3A_1091 = arith.constant 0 : i32
          %dma_wait3A_1092 = tpu.memref_slice %arg2[%dma_wait3A_1090, %run_scoped3A_7, %dma_wait3A_1091] : memref<4096x4x1024xf32, #tpu.memory_space<hbm>> -> memref<4096x1x1024xf32, #tpu.memory_space<hbm>>
          %dma_wait3A_1093 = tpu.memref_squeeze %dma_wait3A_1092 : memref<4096x1x1024xf32, #tpu.memory_space<hbm>> -> memref<4096x1024xf32, #tpu.memory_space<hbm>>
          %dma_wait3A_1094 = arith.constant 0 : i32
          %dma_wait3A_1095 = tpu.memref_slice %dma_wait3A_1093[%mul3A_1071, %dma_wait3A_1094] : memref<4096x1024xf32, #tpu.memory_space<hbm>> -> memref<4x1024xf32, #tpu.memory_space<hbm>>
          tpu.wait_dma2 semaphore(%dma_wait3A_1085 : memref<!tpu.dma_semaphore, #tpu.memory_space<semaphore_mem>>) src(%dma_wait3A_1095 : memref<4x1024xf32, #tpu.memory_space<hbm>>) dst(%dma_wait3A_1089 : memref<4x1024xf32, #tpu.memory_space<vmem>>)
          "tpu.trace_stop"() : () -> ()
        } else {
        }
        %add3A_602 = arith.constant 832 : i32
        %add3A_603 = arith.addi %add3A_405, %add3A_602 : i32
        %add3A_604 = arith.constant 832 : i32
        %add3A_605 = arith.addi %add3A_414, %add3A_604 : i32
        %ne3A_606 = arith.cmpi ne, %add3A_603, %add3A_605 : i32
        %or3A_607 = arith.constant false
        %or3A_608 = arith.ori %or3A_607, %ne3A_606 : i1
        %or3A_609 = arith.constant false
        %or3A_610 = arith.ori %or3A_608, %or3A_609 : i1
        %or3A_611 = arith.ori %or3A_610, %eq3A_402 : i1
        %convert_element_type3A_612 = arith.extui %or3A_611 : i1 to i32
        %cond3A_613 = arith.constant 0 : i32
        %cond3A_614 = arith.cmpi ne, %convert_element_type3A_612, %cond3A_613 : i32
        scf.if %cond3A_614 {
          "tpu.trace_start"() <{level = 10 : i32, message = "ep_wait_in"}> : () -> ()
          %add3A_1068 = arith.constant 832 : i32
          %add3A_1069 = arith.addi %add3A_405, %add3A_1068 : i32
          %mul3A_1070 = arith.constant 4 : i32
          %mul3A_1071 = arith.muli %mul3A_1070, %add3A_1069 : i32
          %rem3A_1072 = arith.constant 2 : i32
          %rem3A_1073 = arith.remui %scan3A_387, %rem3A_1072 : i32
          %dma_wait3A_1074 = arith.constant 0 : i32
          %dma_wait3A_1075 = arith.constant 0 : i32
          %dma_wait3A_1076 = tpu.memref_slice %run_scoped3A_18[%rem3A_1073, %dma_wait3A_1074, %dma_wait3A_1075] : memref<2x4x1024xf32, #tpu.memory_space<vmem>> -> memref<1x4x1024xf32, #tpu.memory_space<vmem>>
          %dma_wait3A_1077 = tpu.memref_squeeze %dma_wait3A_1076 : memref<1x4x1024xf32, #tpu.memory_space<vmem>> -> memref<4x1024xf32, #tpu.memory_space<vmem>>
          %dma_wait3A_1078 = arith.constant 0 : i32
          %dma_wait3A_1079 = arith.constant 0 : i32
          %dma_wait3A_1080 = tpu.memref_slice %arg2[%dma_wait3A_1078, %run_scoped3A_8, %dma_wait3A_1079] : memref<4096x4x1024xf32, #tpu.memory_space<hbm>> -> memref<4096x1x1024xf32, #tpu.memory_space<hbm>>
          %dma_wait3A_1081 = tpu.memref_squeeze %dma_wait3A_1080 : memref<4096x1x1024xf32, #tpu.memory_space<hbm>> -> memref<4096x1024xf32, #tpu.memory_space<hbm>>
          %dma_wait3A_1082 = arith.constant 0 : i32
          %dma_wait3A_1083 = tpu.memref_slice %dma_wait3A_1081[%mul3A_1071, %dma_wait3A_1082] : memref<4096x1024xf32, #tpu.memory_space<hbm>> -> memref<4x1024xf32, #tpu.memory_space<hbm>>
          %dma_wait3A_1084 = tpu.memref_slice %run_scoped3A_19[%rem3A_1073] : memref<2x!tpu.dma_semaphore, #tpu.memory_space<semaphore_mem>> -> memref<1x!tpu.dma_semaphore, #tpu.memory_space<semaphore_mem>>
          %dma_wait3A_1085 = tpu.memref_squeeze %dma_wait3A_1084 : memref<1x!tpu.dma_semaphore, #tpu.memory_space<semaphore_mem>> -> memref<!tpu.dma_semaphore, #tpu.memory_space<semaphore_mem>>
          %dma_wait3A_1086 = arith.constant 0 : i32
          %dma_wait3A_1087 = arith.constant 0 : i32
          %dma_wait3A_1088 = tpu.memref_slice %run_scoped3A_18[%rem3A_1073, %dma_wait3A_1086, %dma_wait3A_1087] : memref<2x4x1024xf32, #tpu.memory_space<vmem>> -> memref<1x4x1024xf32, #tpu.memory_space<vmem>>
          %dma_wait3A_1089 = tpu.memref_squeeze %dma_wait3A_1088 : memref<1x4x1024xf32, #tpu.memory_space<vmem>> -> memref<4x1024xf32, #tpu.memory_space<vmem>>
          %dma_wait3A_1090 = arith.constant 0 : i32
          %dma_wait3A_1091 = arith.constant 0 : i32
          %dma_wait3A_1092 = tpu.memref_slice %arg2[%dma_wait3A_1090, %run_scoped3A_8, %dma_wait3A_1091] : memref<4096x4x1024xf32, #tpu.memory_space<hbm>> -> memref<4096x1x1024xf32, #tpu.memory_space<hbm>>
          %dma_wait3A_1093 = tpu.memref_squeeze %dma_wait3A_1092 : memref<4096x1x1024xf32, #tpu.memory_space<hbm>> -> memref<4096x1024xf32, #tpu.memory_space<hbm>>
          %dma_wait3A_1094 = arith.constant 0 : i32
          %dma_wait3A_1095 = tpu.memref_slice %dma_wait3A_1093[%mul3A_1071, %dma_wait3A_1094] : memref<4096x1024xf32, #tpu.memory_space<hbm>> -> memref<4x1024xf32, #tpu.memory_space<hbm>>
          tpu.wait_dma2 semaphore(%dma_wait3A_1085 : memref<!tpu.dma_semaphore, #tpu.memory_space<semaphore_mem>>) src(%dma_wait3A_1095 : memref<4x1024xf32, #tpu.memory_space<hbm>>) dst(%dma_wait3A_1089 : memref<4x1024xf32, #tpu.memory_space<vmem>>)
          "tpu.trace_stop"() : () -> ()
        } else {
        }
        %add3A_615 = arith.constant 832 : i32
        %add3A_616 = arith.addi %add3A_405, %add3A_615 : i32
        %add3A_617 = arith.constant 832 : i32
        %add3A_618 = arith.addi %add3A_414, %add3A_617 : i32
        %ne3A_619 = arith.cmpi ne, %add3A_616, %add3A_618 : i32
        %or3A_620 = arith.constant false
        %or3A_621 = arith.ori %or3A_620, %ne3A_619 : i1
        %or3A_622 = arith.constant false
        %or3A_623 = arith.ori %or3A_621, %or3A_622 : i1
        %or3A_624 = arith.ori %or3A_623, %eq3A_402 : i1
        %convert_element_type3A_625 = arith.extui %or3A_624 : i1 to i32
        %cond3A_626 = arith.constant 0 : i32
        %cond3A_627 = arith.cmpi ne, %convert_element_type3A_625, %cond3A_626 : i32
        scf.if %cond3A_627 {
          "tpu.trace_start"() <{level = 10 : i32, message = "ep_wait_in"}> : () -> ()
          %add3A_1068 = arith.constant 832 : i32
          %add3A_1069 = arith.addi %add3A_405, %add3A_1068 : i32
          %mul3A_1070 = arith.constant 4 : i32
          %mul3A_1071 = arith.muli %mul3A_1070, %add3A_1069 : i32
          %rem3A_1072 = arith.constant 2 : i32
          %rem3A_1073 = arith.remui %scan3A_389, %rem3A_1072 : i32
          %dma_wait3A_1074 = arith.constant 0 : i32
          %dma_wait3A_1075 = arith.constant 0 : i32
          %dma_wait3A_1076 = tpu.memref_slice %run_scoped3A_20[%rem3A_1073, %dma_wait3A_1074, %dma_wait3A_1075] : memref<2x4x1024xf32, #tpu.memory_space<vmem>> -> memref<1x4x1024xf32, #tpu.memory_space<vmem>>
          %dma_wait3A_1077 = tpu.memref_squeeze %dma_wait3A_1076 : memref<1x4x1024xf32, #tpu.memory_space<vmem>> -> memref<4x1024xf32, #tpu.memory_space<vmem>>
          %dma_wait3A_1078 = arith.constant 0 : i32
          %dma_wait3A_1079 = arith.constant 0 : i32
          %dma_wait3A_1080 = tpu.memref_slice %arg2[%dma_wait3A_1078, %run_scoped3A_9, %dma_wait3A_1079] : memref<4096x4x1024xf32, #tpu.memory_space<hbm>> -> memref<4096x1x1024xf32, #tpu.memory_space<hbm>>
          %dma_wait3A_1081 = tpu.memref_squeeze %dma_wait3A_1080 : memref<4096x1x1024xf32, #tpu.memory_space<hbm>> -> memref<4096x1024xf32, #tpu.memory_space<hbm>>
          %dma_wait3A_1082 = arith.constant 0 : i32
          %dma_wait3A_1083 = tpu.memref_slice %dma_wait3A_1081[%mul3A_1071, %dma_wait3A_1082] : memref<4096x1024xf32, #tpu.memory_space<hbm>> -> memref<4x1024xf32, #tpu.memory_space<hbm>>
          %dma_wait3A_1084 = tpu.memref_slice %run_scoped3A_21[%rem3A_1073] : memref<2x!tpu.dma_semaphore, #tpu.memory_space<semaphore_mem>> -> memref<1x!tpu.dma_semaphore, #tpu.memory_space<semaphore_mem>>
          %dma_wait3A_1085 = tpu.memref_squeeze %dma_wait3A_1084 : memref<1x!tpu.dma_semaphore, #tpu.memory_space<semaphore_mem>> -> memref<!tpu.dma_semaphore, #tpu.memory_space<semaphore_mem>>
          %dma_wait3A_1086 = arith.constant 0 : i32
          %dma_wait3A_1087 = arith.constant 0 : i32
          %dma_wait3A_1088 = tpu.memref_slice %run_scoped3A_20[%rem3A_1073, %dma_wait3A_1086, %dma_wait3A_1087] : memref<2x4x1024xf32, #tpu.memory_space<vmem>> -> memref<1x4x1024xf32, #tpu.memory_space<vmem>>
          %dma_wait3A_1089 = tpu.memref_squeeze %dma_wait3A_1088 : memref<1x4x1024xf32, #tpu.memory_space<vmem>> -> memref<4x1024xf32, #tpu.memory_space<vmem>>
          %dma_wait3A_1090 = arith.constant 0 : i32
          %dma_wait3A_1091 = arith.constant 0 : i32
          %dma_wait3A_1092 = tpu.memref_slice %arg2[%dma_wait3A_1090, %run_scoped3A_9, %dma_wait3A_1091] : memref<4096x4x1024xf32, #tpu.memory_space<hbm>> -> memref<4096x1x1024xf32, #tpu.memory_space<hbm>>
          %dma_wait3A_1093 = tpu.memref_squeeze %dma_wait3A_1092 : memref<4096x1x1024xf32, #tpu.memory_space<hbm>> -> memref<4096x1024xf32, #tpu.memory_space<hbm>>
          %dma_wait3A_1094 = arith.constant 0 : i32
          %dma_wait3A_1095 = tpu.memref_slice %dma_wait3A_1093[%mul3A_1071, %dma_wait3A_1094] : memref<4096x1024xf32, #tpu.memory_space<hbm>> -> memref<4x1024xf32, #tpu.memory_space<hbm>>
          tpu.wait_dma2 semaphore(%dma_wait3A_1085 : memref<!tpu.dma_semaphore, #tpu.memory_space<semaphore_mem>>) src(%dma_wait3A_1095 : memref<4x1024xf32, #tpu.memory_space<hbm>>) dst(%dma_wait3A_1089 : memref<4x1024xf32, #tpu.memory_space<vmem>>)
          "tpu.trace_stop"() : () -> ()
        } else {
        }
        %add3A_628 = arith.constant 832 : i32
        %add3A_629 = arith.addi %add3A_405, %add3A_628 : i32
        %add3A_630 = arith.constant 832 : i32
        %add3A_631 = arith.addi %add3A_414, %add3A_630 : i32
        %ne3A_632 = arith.cmpi ne, %add3A_629, %add3A_631 : i32
        %or3A_633 = arith.constant false
        %or3A_634 = arith.ori %or3A_633, %ne3A_632 : i1
        %or3A_635 = arith.constant false
        %or3A_636 = arith.ori %or3A_634, %or3A_635 : i1
        %or3A_637 = arith.ori %or3A_636, %eq3A_402 : i1
        %convert_element_type3A_638 = arith.extui %or3A_637 : i1 to i32
        %cond3A_639 = arith.constant 0 : i32
        %cond3A_640 = arith.cmpi ne, %convert_element_type3A_638, %cond3A_639 : i32
        scf.if %cond3A_640 {
          "tpu.trace_start"() <{level = 10 : i32, message = "ep_wait_in"}> : () -> ()
          %add3A_1068 = arith.constant 832 : i32
          %add3A_1069 = arith.addi %add3A_405, %add3A_1068 : i32
          %mul3A_1070 = arith.constant 4 : i32
          %mul3A_1071 = arith.muli %mul3A_1070, %add3A_1069 : i32
          %rem3A_1072 = arith.constant 2 : i32
          %rem3A_1073 = arith.remui %scan3A_391, %rem3A_1072 : i32
          %dma_wait3A_1074 = arith.constant 0 : i32
          %dma_wait3A_1075 = arith.constant 0 : i32
          %dma_wait3A_1076 = tpu.memref_slice %run_scoped3A_22[%rem3A_1073, %dma_wait3A_1074, %dma_wait3A_1075] : memref<2x4x1024xf32, #tpu.memory_space<vmem>> -> memref<1x4x1024xf32, #tpu.memory_space<vmem>>
          %dma_wait3A_1077 = tpu.memref_squeeze %dma_wait3A_1076 : memref<1x4x1024xf32, #tpu.memory_space<vmem>> -> memref<4x1024xf32, #tpu.memory_space<vmem>>
          %dma_wait3A_1078 = arith.constant 0 : i32
          %dma_wait3A_1079 = tpu.memref_slice %arg3[%mul3A_1071, %dma_wait3A_1078] : memref<8192x1024xf32, #tpu.memory_space<hbm>> -> memref<4x1024xf32, #tpu.memory_space<hbm>>
          %dma_wait3A_1080 = tpu.memref_slice %run_scoped3A_23[%rem3A_1073] : memref<2x!tpu.dma_semaphore, #tpu.memory_space<semaphore_mem>> -> memref<1x!tpu.dma_semaphore, #tpu.memory_space<semaphore_mem>>
          %dma_wait3A_1081 = tpu.memref_squeeze %dma_wait3A_1080 : memref<1x!tpu.dma_semaphore, #tpu.memory_space<semaphore_mem>> -> memref<!tpu.dma_semaphore, #tpu.memory_space<semaphore_mem>>
          %dma_wait3A_1082 = arith.constant 0 : i32
          %dma_wait3A_1083 = arith.constant 0 : i32
          %dma_wait3A_1084 = tpu.memref_slice %run_scoped3A_22[%rem3A_1073, %dma_wait3A_1082, %dma_wait3A_1083] : memref<2x4x1024xf32, #tpu.memory_space<vmem>> -> memref<1x4x1024xf32, #tpu.memory_space<vmem>>
          %dma_wait3A_1085 = tpu.memref_squeeze %dma_wait3A_1084 : memref<1x4x1024xf32, #tpu.memory_space<vmem>> -> memref<4x1024xf32, #tpu.memory_space<vmem>>
          %dma_wait3A_1086 = arith.constant 0 : i32
          %dma_wait3A_1087 = tpu.memref_slice %arg3[%mul3A_1071, %dma_wait3A_1086] : memref<8192x1024xf32, #tpu.memory_space<hbm>> -> memref<4x1024xf32, #tpu.memory_space<hbm>>
          tpu.wait_dma2 semaphore(%dma_wait3A_1081 : memref<!tpu.dma_semaphore, #tpu.memory_space<semaphore_mem>>) src(%dma_wait3A_1087 : memref<4x1024xf32, #tpu.memory_space<hbm>>) dst(%dma_wait3A_1085 : memref<4x1024xf32, #tpu.memory_space<vmem>>)
          "tpu.trace_stop"() : () -> ()
        } else {
        }
        %ne3A_641 = arith.cmpi ne, %add3A_405, %add3A_414 : i32
        %or3A_642 = arith.constant false
        %or3A_643 = arith.ori %or3A_642, %ne3A_641 : i1
        %or3A_644 = arith.constant false
        %or3A_645 = arith.ori %or3A_643, %or3A_644 : i1
        %or3A_646 = arith.ori %or3A_645, %eq3A_402 : i1
        %convert_element_type3A_647 = arith.extui %or3A_646 : i1 to i32
        %cond3A_648 = arith.constant 0 : i32
        %cond3A_649 = arith.cmpi ne, %convert_element_type3A_647, %cond3A_648 : i32
        scf.if %cond3A_649 {
        } else {
        }
        %ne3A_650 = arith.cmpi ne, %add3A_405, %add3A_414 : i32
        %or3A_651 = arith.constant false
        %or3A_652 = arith.ori %or3A_651, %ne3A_650 : i1
        %or3A_653 = arith.constant false
        %or3A_654 = arith.ori %or3A_652, %or3A_653 : i1
        %or3A_655 = arith.ori %or3A_654, %eq3A_402 : i1
        %convert_element_type3A_656 = arith.extui %or3A_655 : i1 to i32
        %cond3A_657 = arith.constant 0 : i32
        %cond3A_658 = arith.cmpi ne, %convert_element_type3A_656, %cond3A_657 : i32
        scf.if %cond3A_658 {
        } else {
        }
        %ne3A_659 = arith.cmpi ne, %add3A_405, %add3A_414 : i32
        %or3A_660 = arith.constant false
        %or3A_661 = arith.ori %or3A_660, %ne3A_659 : i1
        %or3A_662 = arith.constant false
        %or3A_663 = arith.ori %or3A_661, %or3A_662 : i1
        %or3A_664 = arith.ori %or3A_663, %eq3A_402 : i1
        %convert_element_type3A_665 = arith.extui %or3A_664 : i1 to i32
        %cond3A_666 = arith.constant 0 : i32
        %cond3A_667 = arith.cmpi ne, %convert_element_type3A_665, %cond3A_666 : i32
        scf.if %cond3A_667 {
        } else {
        }
        %ne3A_668 = arith.cmpi ne, %add3A_405, %add3A_414 : i32
        %or3A_669 = arith.constant false
        %or3A_670 = arith.ori %or3A_669, %ne3A_668 : i1
        %or3A_671 = arith.constant false
        %or3A_672 = arith.ori %or3A_670, %or3A_671 : i1
        %or3A_673 = arith.ori %or3A_672, %eq3A_402 : i1
        %convert_element_type3A_674 = arith.extui %or3A_673 : i1 to i32
        %cond3A_675 = arith.constant 0 : i32
        %cond3A_676 = arith.cmpi ne, %convert_element_type3A_674, %cond3A_675 : i32
        scf.if %cond3A_676 {
        } else {
        }
        %rem3A_677 = arith.constant 2 : i32
        %rem3A_678 = arith.remui %scan3A_383, %rem3A_677 : i32
        %rem3A_679 = arith.constant 2 : i32
        %rem3A_680 = arith.remui %scan3A_385, %rem3A_679 : i32
        %rem3A_681 = arith.constant 2 : i32
        %rem3A_682 = arith.remui %scan3A_387, %rem3A_681 : i32
        %rem3A_683 = arith.constant 2 : i32
        %rem3A_684 = arith.remui %scan3A_389, %rem3A_683 : i32
        %rem3A_685 = arith.constant 2 : i32
        %rem3A_686 = arith.remui %scan3A_391, %rem3A_685 : i32
        %rem3A_687 = arith.constant 2 : i32
        %rem3A_688 = arith.remui %scan3A_392, %rem3A_687 : i32
        %rem3A_689 = arith.constant 2 : i32
        %rem3A_690 = arith.remui %scan3A_394, %rem3A_689 : i32
        %rem3A_691 = arith.constant 2 : i32
        %rem3A_692 = arith.remui %scan3A_396, %rem3A_691 : i32
        %rem3A_693 = arith.constant 2 : i32
        %rem3A_694 = arith.remui %scan3A_398, %rem3A_693 : i32
        "tpu.trace_start"() <{level = 10 : i32, message = "ep_run_kernel"}> : () -> ()
        %scan3A_695 = arith.constant 0 : i32
        %scan3A_696 = arith.constant 4 : i32
        %scan3A_697 = arith.addi %scan3A_695, %scan3A_696 : i32
        %scan3A_698 = arith.constant 1 : i32
        scf.for %scan3A_1068 = %scan3A_695 to %scan3A_697 step %scan3A_698  : i32 {
          %mul3A_1069 = arith.constant 1 : i32
          %mul3A_1070 = arith.muli %scan3A_1068, %mul3A_1069 : i32
          %add3A_1071 = arith.constant 0 : i32
          %add3A_1072 = arith.addi %add3A_1071, %mul3A_1070 : i32
          %scan3A_1073 = arith.constant 0 : i32
          %scan3A_1074 = arith.constant 64 : i32
          %scan3A_1075 = arith.addi %scan3A_1073, %scan3A_1074 : i32
          %scan3A_1076 = arith.constant 1 : i32
          scf.for %scan3A_1078 = %scan3A_1073 to %scan3A_1075 step %scan3A_1076  : i32 {
            %mul3A_1079 = arith.constant 16 : i32
            %mul3A_1080 = arith.muli %scan3A_1078, %mul3A_1079 : i32
            %add3A_1081 = arith.constant 0 : i32
            %add3A_1082 = arith.addi %add3A_1081, %mul3A_1080 : i32
            %get3A = arith.constant 0 : i32
            %get3A_1083 = arith.constant 0 : i32
            %get3A_1084 = tpu.memref_slice %run_scoped3A_14[%rem3A_678, %get3A, %get3A_1083] : memref<2x4x1024xf32, #tpu.memory_space<vmem>> -> memref<1x4x1024xf32, #tpu.memory_space<vmem>>
            %get3A_1085 = tpu.memref_squeeze %get3A_1084 : memref<1x4x1024xf32, #tpu.memory_space<vmem>> -> memref<4x1024xf32, #tpu.memory_space<vmem>>
            %get3A_1086 = arith.index_cast %add3A_1072 : i32 to index
            %get3A_1087 = arith.index_cast %add3A_1082 : i32 to index
            %get3A_1088 = tpu.vector_load %get3A_1085[%get3A_1086, %get3A_1087] {strides = array<i32>} : memref<4x1024xf32, #tpu.memory_space<vmem>>, vector<1x16xf32>,
            %get3A_1089 = vector.shape_cast %get3A_1088 : vector<1x16xf32> to vector<16xf32>
            %get3A_1090 = arith.constant 0 : i32
            %get3A_1091 = arith.constant 0 : i32
            %get3A_1092 = tpu.memref_slice %run_scoped3A_22[%rem3A_686, %get3A_1090, %get3A_1091] : memref<2x4x1024xf32, #tpu.memory_space<vmem>> -> memref<1x4x1024xf32, #tpu.memory_space<vmem>>
            %get3A_1093 = tpu.memref_squeeze %get3A_1092 : memref<1x4x1024xf32, #tpu.memory_space<vmem>> -> memref<4x1024xf32, #tpu.memory_space<vmem>>
            %get3A_1094 = arith.index_cast %add3A_1072 : i32 to index
            %get3A_1095 = arith.index_cast %add3A_1082 : i32 to index
            %get3A_1096 = tpu.vector_load %get3A_1093[%get3A_1094, %get3A_1095] {strides = array<i32>} : memref<4x1024xf32, #tpu.memory_space<vmem>>, vector<1x16xf32>,
            %get3A_1097 = vector.shape_cast %get3A_1096 : vector<1x16xf32> to vector<16xf32>
            %add3A_1098 = arith.addf %get3A_1089, %get3A_1097 : vector<16xf32>
            %swap3A = arith.constant 0 : i32
            %swap3A_1099 = arith.constant 0 : i32
            %swap3A_1100 = tpu.memref_slice %run_scoped3A_24[%rem3A_688, %swap3A, %swap3A_1099] : memref<2x4x1024xf32, #tpu.memory_space<vmem>> -> memref<1x4x1024xf32, #tpu.memory_space<vmem>>
            %swap3A_1101 = tpu.memref_squeeze %swap3A_1100 : memref<1x4x1024xf32, #tpu.memory_space<vmem>> -> memref<4x1024xf32, #tpu.memory_space<vmem>>
            %swap3A_1102 = arith.index_cast %add3A_1072 : i32 to index
            %swap3A_1103 = arith.index_cast %add3A_1082 : i32 to index
            %swap3A_1104 = tpu.vector_load %swap3A_1101[%swap3A_1102, %swap3A_1103] {strides = array<i32>} : memref<4x1024xf32, #tpu.memory_space<vmem>>, vector<1x16xf32>,
            %swap3A_1105 = vector.shape_cast %swap3A_1104 : vector<1x16xf32> to vector<16xf32>
            %swap3A_1106 = vector.shape_cast %add3A_1098 : vector<16xf32> to vector<1x16xf32>
            tpu.vector_store %swap3A_1101[%swap3A_1102, %swap3A_1103], %swap3A_1106 {strides = array<i32>} : memref<4x1024xf32, #tpu.memory_space<vmem>>, vector<1x16xf32>,
          }
          %scan3A_1077 = arith.constant 64 : i32
        }
        %scan3A_699 = arith.constant 4 : i32
        %scan3A_700 = arith.constant 0 : i32
        %scan3A_701 = arith.constant 4 : i32
        %scan3A_702 = arith.addi %scan3A_700, %scan3A_701 : i32
        %scan3A_703 = arith.constant 1 : i32
        scf.for %scan3A_1068 = %scan3A_700 to %scan3A_702 step %scan3A_703  : i32 {
          %mul3A_1069 = arith.constant 1 : i32
          %mul3A_1070 = arith.muli %scan3A_1068, %mul3A_1069 : i32
          %add3A_1071 = arith.constant 0 : i32
          %add3A_1072 = arith.addi %add3A_1071, %mul3A_1070 : i32
          %scan3A_1073 = arith.constant 0 : i32
          %scan3A_1074 = arith.constant 64 : i32
          %scan3A_1075 = arith.addi %scan3A_1073, %scan3A_1074 : i32
          %scan3A_1076 = arith.constant 1 : i32
          scf.for %scan3A_1078 = %scan3A_1073 to %scan3A_1075 step %scan3A_1076  : i32 {
            %mul3A_1079 = arith.constant 16 : i32
            %mul3A_1080 = arith.muli %scan3A_1078, %mul3A_1079 : i32
            %add3A_1081 = arith.constant 0 : i32
            %add3A_1082 = arith.addi %add3A_1081, %mul3A_1080 : i32
            %get3A = arith.constant 0 : i32
            %get3A_1083 = arith.constant 0 : i32
            %get3A_1084 = tpu.memref_slice %run_scoped3A_16[%rem3A_680, %get3A, %get3A_1083] : memref<2x4x1024xf32, #tpu.memory_space<vmem>> -> memref<1x4x1024xf32, #tpu.memory_space<vmem>>
            %get3A_1085 = tpu.memref_squeeze %get3A_1084 : memref<1x4x1024xf32, #tpu.memory_space<vmem>> -> memref<4x1024xf32, #tpu.memory_space<vmem>>
            %get3A_1086 = arith.index_cast %add3A_1072 : i32 to index
            %get3A_1087 = arith.index_cast %add3A_1082 : i32 to index
            %get3A_1088 = tpu.vector_load %get3A_1085[%get3A_1086, %get3A_1087] {strides = array<i32>} : memref<4x1024xf32, #tpu.memory_space<vmem>>, vector<1x16xf32>,
            %get3A_1089 = vector.shape_cast %get3A_1088 : vector<1x16xf32> to vector<16xf32>
            %get3A_1090 = arith.constant 0 : i32
            %get3A_1091 = arith.constant 0 : i32
            %get3A_1092 = tpu.memref_slice %run_scoped3A_22[%rem3A_686, %get3A_1090, %get3A_1091] : memref<2x4x1024xf32, #tpu.memory_space<vmem>> -> memref<1x4x1024xf32, #tpu.memory_space<vmem>>
            %get3A_1093 = tpu.memref_squeeze %get3A_1092 : memref<1x4x1024xf32, #tpu.memory_space<vmem>> -> memref<4x1024xf32, #tpu.memory_space<vmem>>
            %get3A_1094 = arith.index_cast %add3A_1072 : i32 to index
            %get3A_1095 = arith.index_cast %add3A_1082 : i32 to index
            %get3A_1096 = tpu.vector_load %get3A_1093[%get3A_1094, %get3A_1095] {strides = array<i32>} : memref<4x1024xf32, #tpu.memory_space<vmem>>, vector<1x16xf32>,
            %get3A_1097 = vector.shape_cast %get3A_1096 : vector<1x16xf32> to vector<16xf32>
            %add3A_1098 = arith.addf %get3A_1089, %get3A_1097 : vector<16xf32>
            %swap3A = arith.constant 0 : i32
            %swap3A_1099 = arith.constant 0 : i32
            %swap3A_1100 = tpu.memref_slice %run_scoped3A_26[%rem3A_690, %swap3A, %swap3A_1099] : memref<2x4x1024xf32, #tpu.memory_space<vmem>> -> memref<1x4x1024xf32, #tpu.memory_space<vmem>>
            %swap3A_1101 = tpu.memref_squeeze %swap3A_1100 : memref<1x4x1024xf32, #tpu.memory_space<vmem>> -> memref<4x1024xf32, #tpu.memory_space<vmem>>
            %swap3A_1102 = arith.index_cast %add3A_1072 : i32 to index
            %swap3A_1103 = arith.index_cast %add3A_1082 : i32 to index
            %swap3A_1104 = tpu.vector_load %swap3A_1101[%swap3A_1102, %swap3A_1103] {strides = array<i32>} : memref<4x1024xf32, #tpu.memory_space<vmem>>, vector<1x16xf32>,
            %swap3A_1105 = vector.shape_cast %swap3A_1104 : vector<1x16xf32> to vector<16xf32>
            %swap3A_1106 = vector.shape_cast %add3A_1098 : vector<16xf32> to vector<1x16xf32>
            tpu.vector_store %swap3A_1101[%swap3A_1102, %swap3A_1103], %swap3A_1106 {strides = array<i32>} : memref<4x1024xf32, #tpu.memory_space<vmem>>, vector<1x16xf32>,
          }
          %scan3A_1077 = arith.constant 64 : i32
        }
        %scan3A_704 = arith.constant 4 : i32
        %scan3A_705 = arith.constant 0 : i32
        %scan3A_706 = arith.constant 4 : i32
        %scan3A_707 = arith.addi %scan3A_705, %scan3A_706 : i32
        %scan3A_708 = arith.constant 1 : i32
        scf.for %scan3A_1068 = %scan3A_705 to %scan3A_707 step %scan3A_708  : i32 {
          %mul3A_1069 = arith.constant 1 : i32
          %mul3A_1070 = arith.muli %scan3A_1068, %mul3A_1069 : i32
          %add3A_1071 = arith.constant 0 : i32
          %add3A_1072 = arith.addi %add3A_1071, %mul3A_1070 : i32
          %scan3A_1073 = arith.constant 0 : i32
          %scan3A_1074 = arith.constant 64 : i32
          %scan3A_1075 = arith.addi %scan3A_1073, %scan3A_1074 : i32
          %scan3A_1076 = arith.constant 1 : i32
          scf.for %scan3A_1078 = %scan3A_1073 to %scan3A_1075 step %scan3A_1076  : i32 {
            %mul3A_1079 = arith.constant 16 : i32
            %mul3A_1080 = arith.muli %scan3A_1078, %mul3A_1079 : i32
            %add3A_1081 = arith.constant 0 : i32
            %add3A_1082 = arith.addi %add3A_1081, %mul3A_1080 : i32
            %get3A = arith.constant 0 : i32
            %get3A_1083 = arith.constant 0 : i32
            %get3A_1084 = tpu.memref_slice %run_scoped3A_18[%rem3A_682, %get3A, %get3A_1083] : memref<2x4x1024xf32, #tpu.memory_space<vmem>> -> memref<1x4x1024xf32, #tpu.memory_space<vmem>>
            %get3A_1085 = tpu.memref_squeeze %get3A_1084 : memref<1x4x1024xf32, #tpu.memory_space<vmem>> -> memref<4x1024xf32, #tpu.memory_space<vmem>>
            %get3A_1086 = arith.index_cast %add3A_1072 : i32 to index
            %get3A_1087 = arith.index_cast %add3A_1082 : i32 to index
            %get3A_1088 = tpu.vector_load %get3A_1085[%get3A_1086, %get3A_1087] {strides = array<i32>} : memref<4x1024xf32, #tpu.memory_space<vmem>>, vector<1x16xf32>,
            %get3A_1089 = vector.shape_cast %get3A_1088 : vector<1x16xf32> to vector<16xf32>
            %get3A_1090 = arith.constant 0 : i32
            %get3A_1091 = arith.constant 0 : i32
            %get3A_1092 = tpu.memref_slice %run_scoped3A_22[%rem3A_686, %get3A_1090, %get3A_1091] : memref<2x4x1024xf32, #tpu.memory_space<vmem>> -> memref<1x4x1024xf32, #tpu.memory_space<vmem>>
            %get3A_1093 = tpu.memref_squeeze %get3A_1092 : memref<1x4x1024xf32, #tpu.memory_space<vmem>> -> memref<4x1024xf32, #tpu.memory_space<vmem>>
            %get3A_1094 = arith.index_cast %add3A_1072 : i32 to index
            %get3A_1095 = arith.index_cast %add3A_1082 : i32 to index
            %get3A_1096 = tpu.vector_load %get3A_1093[%get3A_1094, %get3A_1095] {strides = array<i32>} : memref<4x1024xf32, #tpu.memory_space<vmem>>, vector<1x16xf32>,
            %get3A_1097 = vector.shape_cast %get3A_1096 : vector<1x16xf32> to vector<16xf32>
            %add3A_1098 = arith.addf %get3A_1089, %get3A_1097 : vector<16xf32>
            %swap3A = arith.constant 0 : i32
            %swap3A_1099 = arith.constant 0 : i32
            %swap3A_1100 = tpu.memref_slice %run_scoped3A_28[%rem3A_692, %swap3A, %swap3A_1099] : memref<2x4x1024xf32, #tpu.memory_space<vmem>> -> memref<1x4x1024xf32, #tpu.memory_space<vmem>>
            %swap3A_1101 = tpu.memref_squeeze %swap3A_1100 : memref<1x4x1024xf32, #tpu.memory_space<vmem>> -> memref<4x1024xf32, #tpu.memory_space<vmem>>
            %swap3A_1102 = arith.index_cast %add3A_1072 : i32 to index
            %swap3A_1103 = arith.index_cast %add3A_1082 : i32 to index
            %swap3A_1104 = tpu.vector_load %swap3A_1101[%swap3A_1102, %swap3A_1103] {strides = array<i32>} : memref<4x1024xf32, #tpu.memory_space<vmem>>, vector<1x16xf32>,
            %swap3A_1105 = vector.shape_cast %swap3A_1104 : vector<1x16xf32> to vector<16xf32>
            %swap3A_1106 = vector.shape_cast %add3A_1098 : vector<16xf32> to vector<1x16xf32>
            tpu.vector_store %swap3A_1101[%swap3A_1102, %swap3A_1103], %swap3A_1106 {strides = array<i32>} : memref<4x1024xf32, #tpu.memory_space<vmem>>, vector<1x16xf32>,
          }
          %scan3A_1077 = arith.constant 64 : i32
        }
        %scan3A_709 = arith.constant 4 : i32
        %scan3A_710 = arith.constant 0 : i32
        %scan3A_711 = arith.constant 4 : i32
        %scan3A_712 = arith.addi %scan3A_710, %scan3A_711 : i32
        %scan3A_713 = arith.constant 1 : i32
        scf.for %scan3A_1068 = %scan3A_710 to %scan3A_712 step %scan3A_713  : i32 {
          %mul3A_1069 = arith.constant 1 : i32
          %mul3A_1070 = arith.muli %scan3A_1068, %mul3A_1069 : i32
          %add3A_1071 = arith.constant 0 : i32
          %add3A_1072 = arith.addi %add3A_1071, %mul3A_1070 : i32
          %scan3A_1073 = arith.constant 0 : i32
          %scan3A_1074 = arith.constant 64 : i32
          %scan3A_1075 = arith.addi %scan3A_1073, %scan3A_1074 : i32
          %scan3A_1076 = arith.constant 1 : i32
          scf.for %scan3A_1078 = %scan3A_1073 to %scan3A_1075 step %scan3A_1076  : i32 {
            %mul3A_1079 = arith.constant 16 : i32
            %mul3A_1080 = arith.muli %scan3A_1078, %mul3A_1079 : i32
            %add3A_1081 = arith.constant 0 : i32
            %add3A_1082 = arith.addi %add3A_1081, %mul3A_1080 : i32
            %get3A = arith.constant 0 : i32
            %get3A_1083 = arith.constant 0 : i32
            %get3A_1084 = tpu.memref_slice %run_scoped3A_20[%rem3A_684, %get3A, %get3A_1083] : memref<2x4x1024xf32, #tpu.memory_space<vmem>> -> memref<1x4x1024xf32, #tpu.memory_space<vmem>>
            %get3A_1085 = tpu.memref_squeeze %get3A_1084 : memref<1x4x1024xf32, #tpu.memory_space<vmem>> -> memref<4x1024xf32, #tpu.memory_space<vmem>>
            %get3A_1086 = arith.index_cast %add3A_1072 : i32 to index
            %get3A_1087 = arith.index_cast %add3A_1082 : i32 to index
            %get3A_1088 = tpu.vector_load %get3A_1085[%get3A_1086, %get3A_1087] {strides = array<i32>} : memref<4x1024xf32, #tpu.memory_space<vmem>>, vector<1x16xf32>,
            %get3A_1089 = vector.shape_cast %get3A_1088 : vector<1x16xf32> to vector<16xf32>
            %get3A_1090 = arith.constant 0 : i32
            %get3A_1091 = arith.constant 0 : i32
            %get3A_1092 = tpu.memref_slice %run_scoped3A_22[%rem3A_686, %get3A_1090, %get3A_1091] : memref<2x4x1024xf32, #tpu.memory_space<vmem>> -> memref<1x4x1024xf32, #tpu.memory_space<vmem>>
            %get3A_1093 = tpu.memref_squeeze %get3A_1092 : memref<1x4x1024xf32, #tpu.memory_space<vmem>> -> memref<4x1024xf32, #tpu.memory_space<vmem>>
            %get3A_1094 = arith.index_cast %add3A_1072 : i32 to index
            %get3A_1095 = arith.index_cast %add3A_1082 : i32 to index
            %get3A_1096 = tpu.vector_load %get3A_1093[%get3A_1094, %get3A_1095] {strides = array<i32>} : memref<4x1024xf32, #tpu.memory_space<vmem>>, vector<1x16xf32>,
            %get3A_1097 = vector.shape_cast %get3A_1096 : vector<1x16xf32> to vector<16xf32>
            %add3A_1098 = arith.addf %get3A_1089, %get3A_1097 : vector<16xf32>
            %swap3A = arith.constant 0 : i32
            %swap3A_1099 = arith.constant 0 : i32
            %swap3A_1100 = tpu.memref_slice %run_scoped3A_30[%rem3A_694, %swap3A, %swap3A_1099] : memref<2x4x1024xf32, #tpu.memory_space<vmem>> -> memref<1x4x1024xf32, #tpu.memory_space<vmem>>
            %swap3A_1101 = tpu.memref_squeeze %swap3A_1100 : memref<1x4x1024xf32, #tpu.memory_space<vmem>> -> memref<4x1024xf32, #tpu.memory_space<vmem>>
            %swap3A_1102 = arith.index_cast %add3A_1072 : i32 to index
            %swap3A_1103 = arith.index_cast %add3A_1082 : i32 to index
            %swap3A_1104 = tpu.vector_load %swap3A_1101[%swap3A_1102, %swap3A_1103] {strides = array<i32>} : memref<4x1024xf32, #tpu.memory_space<vmem>>, vector<1x16xf32>,
            %swap3A_1105 = vector.shape_cast %swap3A_1104 : vector<1x16xf32> to vector<16xf32>
            %swap3A_1106 = vector.shape_cast %add3A_1098 : vector<16xf32> to vector<1x16xf32>
            tpu.vector_store %swap3A_1101[%swap3A_1102, %swap3A_1103], %swap3A_1106 {strides = array<i32>} : memref<4x1024xf32, #tpu.memory_space<vmem>>, vector<1x16xf32>,
          }
          %scan3A_1077 = arith.constant 64 : i32
        }
        %scan3A_714 = arith.constant 4 : i32
        "tpu.trace_stop"() : () -> ()
        %add3A_715 = arith.constant 832 : i32
        %add3A_716 = arith.addi %add3A_405, %add3A_715 : i32
        %add3A_717 = arith.constant 832 : i32
        %add3A_718 = arith.addi %add3A_423, %add3A_717 : i32
        %ne3A_719 = arith.cmpi ne, %add3A_716, %add3A_718 : i32
        %or3A_720 = arith.constant false
        %or3A_721 = arith.ori %or3A_720, %ne3A_719 : i1
        %or3A_722 = arith.constant false
        %or3A_723 = arith.ori %or3A_721, %or3A_722 : i1
        %or3A_724 = arith.ori %or3A_723, %eq3A_404 : i1
        %convert_element_type3A_725 = arith.extui %or3A_724 : i1 to i32
        %cond3A_726 = arith.constant 0 : i32
        %cond3A_727 = arith.cmpi ne, %convert_element_type3A_725, %cond3A_726 : i32
        scf.if %cond3A_727 {
        } else {
        }
        %and3A_728 = arith.constant false
        %and3A_729 = arith.andi %or3A_724, %and3A_728 : i1
        %add3A_730 = arith.constant 832 : i32
        %add3A_731 = arith.addi %add3A_405, %add3A_730 : i32
        %add3A_732 = arith.constant 832 : i32
        %add3A_733 = arith.addi %add3A_423, %add3A_732 : i32
        %ne3A_734 = arith.cmpi ne, %add3A_731, %add3A_733 : i32
        %or3A_735 = arith.constant false
        %or3A_736 = arith.ori %or3A_735, %ne3A_734 : i1
        %or3A_737 = arith.constant false
        %or3A_738 = arith.ori %or3A_736, %or3A_737 : i1
        %or3A_739 = arith.ori %or3A_738, %eq3A_404 : i1
        %convert_element_type3A_740 = arith.extui %or3A_739 : i1 to i32
        %cond3A_741 = arith.constant 0 : i32
        %cond3A_742 = arith.cmpi ne, %convert_element_type3A_740, %cond3A_741 : i32
        scf.if %cond3A_742 {
        } else {
        }
        %and3A_743 = arith.constant false
        %and3A_744 = arith.andi %or3A_739, %and3A_743 : i1
        %add3A_745 = arith.constant 832 : i32
        %add3A_746 = arith.addi %add3A_405, %add3A_745 : i32
        %add3A_747 = arith.constant 832 : i32
        %add3A_748 = arith.addi %add3A_423, %add3A_747 : i32
        %ne3A_749 = arith.cmpi ne, %add3A_746, %add3A_748 : i32
        %or3A_750 = arith.constant false
        %or3A_751 = arith.ori %or3A_750, %ne3A_749 : i1
        %or3A_752 = arith.constant false
        %or3A_753 = arith.ori %or3A_751, %or3A_752 : i1
        %or3A_754 = arith.ori %or3A_753, %eq3A_404 : i1
        %convert_element_type3A_755 = arith.extui %or3A_754 : i1 to i32
        %cond3A_756 = arith.constant 0 : i32
        %cond3A_757 = arith.cmpi ne, %convert_element_type3A_755, %cond3A_756 : i32
        scf.if %cond3A_757 {
        } else {
        }
        %and3A_758 = arith.constant false
        %and3A_759 = arith.andi %or3A_754, %and3A_758 : i1
        %add3A_760 = arith.constant 832 : i32
        %add3A_761 = arith.addi %add3A_405, %add3A_760 : i32
        %add3A_762 = arith.constant 832 : i32
        %add3A_763 = arith.addi %add3A_423, %add3A_762 : i32
        %ne3A_764 = arith.cmpi ne, %add3A_761, %add3A_763 : i32
        %or3A_765 = arith.constant false
        %or3A_766 = arith.ori %or3A_765, %ne3A_764 : i1
        %or3A_767 = arith.constant false
        %or3A_768 = arith.ori %or3A_766, %or3A_767 : i1
        %or3A_769 = arith.ori %or3A_768, %eq3A_404 : i1
        %convert_element_type3A_770 = arith.extui %or3A_769 : i1 to i32
        %cond3A_771 = arith.constant 0 : i32
        %cond3A_772 = arith.cmpi ne, %convert_element_type3A_770, %cond3A_771 : i32
        scf.if %cond3A_772 {
        } else {
        }
        %and3A_773 = arith.constant false
        %and3A_774 = arith.andi %or3A_769, %and3A_773 : i1
        %add3A_775 = arith.constant 832 : i32
        %add3A_776 = arith.addi %add3A_405, %add3A_775 : i32
        %add3A_777 = arith.constant 832 : i32
        %add3A_778 = arith.addi %add3A_423, %add3A_777 : i32
        %ne3A_779 = arith.cmpi ne, %add3A_776, %add3A_778 : i32
        %or3A_780 = arith.constant false
        %or3A_781 = arith.ori %or3A_780, %ne3A_779 : i1
        %or3A_782 = arith.constant false
        %or3A_783 = arith.ori %or3A_781, %or3A_782 : i1
        %or3A_784 = arith.ori %or3A_783, %eq3A_404 : i1
        %convert_element_type3A_785 = arith.extui %or3A_784 : i1 to i32
        %cond3A_786 = arith.constant 0 : i32
        %cond3A_787 = arith.cmpi ne, %convert_element_type3A_785, %cond3A_786 : i32
        scf.if %cond3A_787 {
        } else {
        }
        %and3A_788 = arith.constant false
        %and3A_789 = arith.andi %or3A_784, %and3A_788 : i1
        %ne3A_790 = arith.cmpi ne, %add3A_405, %add3A_423 : i32
        %or3A_791 = arith.constant false
        %or3A_792 = arith.ori %or3A_791, %ne3A_790 : i1
        %or3A_793 = arith.constant false
        %or3A_794 = arith.ori %or3A_792, %or3A_793 : i1
        %or3A_795 = arith.ori %or3A_794, %eq3A_404 : i1
        %convert_element_type3A_796 = arith.extui %or3A_795 : i1 to i32
        %cond3A_797 = arith.constant 0 : i32
        %cond3A_798 = arith.cmpi ne, %convert_element_type3A_796, %cond3A_797 : i32
        scf.if %cond3A_798 {
          "tpu.trace_start"() <{level = 10 : i32, message = "ep_copy_out"}> : () -> ()
          %rem3A_1068 = arith.constant 2 : i32
          %rem3A_1069 = arith.remui %scan3A_392, %rem3A_1068 : i32
          %mul3A_1070 = arith.constant 4 : i32
          %mul3A_1071 = arith.muli %mul3A_1070, %add3A_405 : i32
          %dma_start3A_1072 = arith.constant 0 : i32
          %dma_start3A_1073 = arith.constant 0 : i32
          %dma_start3A_1074 = tpu.memref_slice %run_scoped3A_24[%rem3A_1069, %dma_start3A_1072, %dma_start3A_1073] : memref<2x4x1024xf32, #tpu.memory_space<vmem>> -> memref<1x4x1024xf32, #tpu.memory_space<vmem>>
          %dma_start3A_1075 = tpu.memref_squeeze %dma_start3A_1074 : memref<1x4x1024xf32, #tpu.memory_space<vmem>> -> memref<4x1024xf32, #tpu.memory_space<vmem>>
          %dma_start3A_1076 = arith.constant 0 : i32
          %dma_start3A_1077 = arith.constant 0 : i32
          %dma_start3A_1078 = tpu.memref_slice %arg4[%dma_start3A_1076, %run_scoped3A_10, %dma_start3A_1077] : memref<768x4x1024xf32, #tpu.memory_space<hbm>> -> memref<768x1x1024xf32, #tpu.memory_space<hbm>>
          %dma_start3A_1079 = tpu.memref_squeeze %dma_start3A_1078 : memref<768x1x1024xf32, #tpu.memory_space<hbm>> -> memref<768x1024xf32, #tpu.memory_space<hbm>>
          %dma_start3A_1080 = arith.constant 0 : i32
          %dma_start3A_1081 = tpu.memref_slice %dma_start3A_1079[%mul3A_1071, %dma_start3A_1080] : memref<768x1024xf32, #tpu.memory_space<hbm>> -> memref<4x1024xf32, #tpu.memory_space<hbm>>
          %dma_start3A_1082 = tpu.memref_slice %run_scoped3A_25[%rem3A_1069] : memref<2x!tpu.dma_semaphore, #tpu.memory_space<semaphore_mem>> -> memref<1x!tpu.dma_semaphore, #tpu.memory_space<semaphore_mem>>
          %dma_start3A_1083 = tpu.memref_squeeze %dma_start3A_1082 : memref<1x!tpu.dma_semaphore, #tpu.memory_space<semaphore_mem>> -> memref<!tpu.dma_semaphore, #tpu.memory_space<semaphore_mem>>
          %dma_start3A_1084 = arith.constant 0 : i32
          %dma_start3A_1085 = arith.constant 0 : i32
          %dma_start3A_1086 = tpu.memref_slice %arg4[%dma_start3A_1084, %run_scoped3A_10, %dma_start3A_1085] : memref<768x4x1024xf32, #tpu.memory_space<hbm>> -> memref<768x1x1024xf32, #tpu.memory_space<hbm>>
          %dma_start3A_1087 = tpu.memref_squeeze %dma_start3A_1086 : memref<768x1x1024xf32, #tpu.memory_space<hbm>> -> memref<768x1024xf32, #tpu.memory_space<hbm>>
          %dma_start3A_1088 = arith.constant 0 : i32
          %dma_start3A_1089 = tpu.memref_slice %dma_start3A_1087[%mul3A_1071, %dma_start3A_1088] : memref<768x1024xf32, #tpu.memory_space<hbm>> -> memref<4x1024xf32, #tpu.memory_space<hbm>>
          %dma_start3A_1090 = arith.constant 0 : i32
          %dma_start3A_1091 = arith.constant 0 : i32
          %dma_start3A_1092 = tpu.memref_slice %run_scoped3A_24[%rem3A_1069, %dma_start3A_1090, %dma_start3A_1091] : memref<2x4x1024xf32, #tpu.memory_space<vmem>> -> memref<1x4x1024xf32, #tpu.memory_space<vmem>>
          %dma_start3A_1093 = tpu.memref_squeeze %dma_start3A_1092 : memref<1x4x1024xf32, #tpu.memory_space<vmem>> -> memref<4x1024xf32, #tpu.memory_space<vmem>>
          tpu.enqueue_dma source(%dma_start3A_1093 : memref<4x1024xf32, #tpu.memory_space<vmem>>) target(%dma_start3A_1089 : memref<4x1024xf32, #tpu.memory_space<hbm>>) target_semaphore(%dma_start3A_1083 : memref<!tpu.dma_semaphore, #tpu.memory_space<semaphore_mem>>)
          "tpu.trace_stop"() : () -> ()
        } else {
        }
        %and3A_799 = arith.constant true
        %and3A_800 = arith.andi %or3A_795, %and3A_799 : i1
        %add3A_801 = arith.constant 1 : i32
        %add3A_802 = arith.addi %scan3A_392, %add3A_801 : i32
        %select_n3A_803 = arith.select %and3A_800, %add3A_802, %scan3A_392 : i32
        %ne3A_804 = arith.cmpi ne, %add3A_405, %add3A_423 : i32
        %or3A_805 = arith.constant false
        %or3A_806 = arith.ori %or3A_805, %ne3A_804 : i1
        %or3A_807 = arith.constant false
        %or3A_808 = arith.ori %or3A_806, %or3A_807 : i1
        %or3A_809 = arith.ori %or3A_808, %eq3A_404 : i1
        %convert_element_type3A_810 = arith.extui %or3A_809 : i1 to i32
        %cond3A_811 = arith.constant 0 : i32
        %cond3A_812 = arith.cmpi ne, %convert_element_type3A_810, %cond3A_811 : i32
        scf.if %cond3A_812 {
          "tpu.trace_start"() <{level = 10 : i32, message = "ep_copy_out"}> : () -> ()
          %rem3A_1068 = arith.constant 2 : i32
          %rem3A_1069 = arith.remui %scan3A_394, %rem3A_1068 : i32
          %mul3A_1070 = arith.constant 4 : i32
          %mul3A_1071 = arith.muli %mul3A_1070, %add3A_405 : i32
          %dma_start3A_1072 = arith.constant 0 : i32
          %dma_start3A_1073 = arith.constant 0 : i32
          %dma_start3A_1074 = tpu.memref_slice %run_scoped3A_26[%rem3A_1069, %dma_start3A_1072, %dma_start3A_1073] : memref<2x4x1024xf32, #tpu.memory_space<vmem>> -> memref<1x4x1024xf32, #tpu.memory_space<vmem>>
          %dma_start3A_1075 = tpu.memref_squeeze %dma_start3A_1074 : memref<1x4x1024xf32, #tpu.memory_space<vmem>> -> memref<4x1024xf32, #tpu.memory_space<vmem>>
          %dma_start3A_1076 = arith.constant 0 : i32
          %dma_start3A_1077 = arith.constant 0 : i32
          %dma_start3A_1078 = tpu.memref_slice %arg4[%dma_start3A_1076, %run_scoped3A_11, %dma_start3A_1077] : memref<768x4x1024xf32, #tpu.memory_space<hbm>> -> memref<768x1x1024xf32, #tpu.memory_space<hbm>>
          %dma_start3A_1079 = tpu.memref_squeeze %dma_start3A_1078 : memref<768x1x1024xf32, #tpu.memory_space<hbm>> -> memref<768x1024xf32, #tpu.memory_space<hbm>>
          %dma_start3A_1080 = arith.constant 0 : i32
          %dma_start3A_1081 = tpu.memref_slice %dma_start3A_1079[%mul3A_1071, %dma_start3A_1080] : memref<768x1024xf32, #tpu.memory_space<hbm>> -> memref<4x1024xf32, #tpu.memory_space<hbm>>
          %dma_start3A_1082 = tpu.memref_slice %run_scoped3A_27[%rem3A_1069] : memref<2x!tpu.dma_semaphore, #tpu.memory_space<semaphore_mem>> -> memref<1x!tpu.dma_semaphore, #tpu.memory_space<semaphore_mem>>
          %dma_start3A_1083 = tpu.memref_squeeze %dma_start3A_1082 : memref<1x!tpu.dma_semaphore, #tpu.memory_space<semaphore_mem>> -> memref<!tpu.dma_semaphore, #tpu.memory_space<semaphore_mem>>
          %dma_start3A_1084 = arith.constant 0 : i32
          %dma_start3A_1085 = arith.constant 0 : i32
          %dma_start3A_1086 = tpu.memref_slice %arg4[%dma_start3A_1084, %run_scoped3A_11, %dma_start3A_1085] : memref<768x4x1024xf32, #tpu.memory_space<hbm>> -> memref<768x1x1024xf32, #tpu.memory_space<hbm>>
          %dma_start3A_1087 = tpu.memref_squeeze %dma_start3A_1086 : memref<768x1x1024xf32, #tpu.memory_space<hbm>> -> memref<768x1024xf32, #tpu.memory_space<hbm>>
          %dma_start3A_1088 = arith.constant 0 : i32
          %dma_start3A_1089 = tpu.memref_slice %dma_start3A_1087[%mul3A_1071, %dma_start3A_1088] : memref<768x1024xf32, #tpu.memory_space<hbm>> -> memref<4x1024xf32, #tpu.memory_space<hbm>>
          %dma_start3A_1090 = arith.constant 0 : i32
          %dma_start3A_1091 = arith.constant 0 : i32
          %dma_start3A_1092 = tpu.memref_slice %run_scoped3A_26[%rem3A_1069, %dma_start3A_1090, %dma_start3A_1091] : memref<2x4x1024xf32, #tpu.memory_space<vmem>> -> memref<1x4x1024xf32, #tpu.memory_space<vmem>>
          %dma_start3A_1093 = tpu.memref_squeeze %dma_start3A_1092 : memref<1x4x1024xf32, #tpu.memory_space<vmem>> -> memref<4x1024xf32, #tpu.memory_space<vmem>>
          tpu.enqueue_dma source(%dma_start3A_1093 : memref<4x1024xf32, #tpu.memory_space<vmem>>) target(%dma_start3A_1089 : memref<4x1024xf32, #tpu.memory_space<hbm>>) target_semaphore(%dma_start3A_1083 : memref<!tpu.dma_semaphore, #tpu.memory_space<semaphore_mem>>)
          "tpu.trace_stop"() : () -> ()
        } else {
        }
        %and3A_813 = arith.constant true
        %and3A_814 = arith.andi %or3A_809, %and3A_813 : i1
        %add3A_815 = arith.constant 1 : i32
        %add3A_816 = arith.addi %scan3A_394, %add3A_815 : i32
        %select_n3A_817 = arith.select %and3A_814, %add3A_816, %scan3A_394 : i32
        %ne3A_818 = arith.cmpi ne, %add3A_405, %add3A_423 : i32
        %or3A_819 = arith.constant false
        %or3A_820 = arith.ori %or3A_819, %ne3A_818 : i1
        %or3A_821 = arith.constant false
        %or3A_822 = arith.ori %or3A_820, %or3A_821 : i1
        %or3A_823 = arith.ori %or3A_822, %eq3A_404 : i1
        %convert_element_type3A_824 = arith.extui %or3A_823 : i1 to i32
        %cond3A_825 = arith.constant 0 : i32
        %cond3A_826 = arith.cmpi ne, %convert_element_type3A_824, %cond3A_825 : i32
        scf.if %cond3A_826 {
          "tpu.trace_start"() <{level = 10 : i32, message = "ep_copy_out"}> : () -> ()
          %rem3A_1068 = arith.constant 2 : i32
          %rem3A_1069 = arith.remui %scan3A_396, %rem3A_1068 : i32
          %mul3A_1070 = arith.constant 4 : i32
          %mul3A_1071 = arith.muli %mul3A_1070, %add3A_405 : i32
          %dma_start3A_1072 = arith.constant 0 : i32
          %dma_start3A_1073 = arith.constant 0 : i32
          %dma_start3A_1074 = tpu.memref_slice %run_scoped3A_28[%rem3A_1069, %dma_start3A_1072, %dma_start3A_1073] : memref<2x4x1024xf32, #tpu.memory_space<vmem>> -> memref<1x4x1024xf32, #tpu.memory_space<vmem>>
          %dma_start3A_1075 = tpu.memref_squeeze %dma_start3A_1074 : memref<1x4x1024xf32, #tpu.memory_space<vmem>> -> memref<4x1024xf32, #tpu.memory_space<vmem>>
          %dma_start3A_1076 = arith.constant 0 : i32
          %dma_start3A_1077 = arith.constant 0 : i32
          %dma_start3A_1078 = tpu.memref_slice %arg4[%dma_start3A_1076, %run_scoped3A_12, %dma_start3A_1077] : memref<768x4x1024xf32, #tpu.memory_space<hbm>> -> memref<768x1x1024xf32, #tpu.memory_space<hbm>>
          %dma_start3A_1079 = tpu.memref_squeeze %dma_start3A_1078 : memref<768x1x1024xf32, #tpu.memory_space<hbm>> -> memref<768x1024xf32, #tpu.memory_space<hbm>>
          %dma_start3A_1080 = arith.constant 0 : i32
          %dma_start3A_1081 = tpu.memref_slice %dma_start3A_1079[%mul3A_1071, %dma_start3A_1080] : memref<768x1024xf32, #tpu.memory_space<hbm>> -> memref<4x1024xf32, #tpu.memory_space<hbm>>
          %dma_start3A_1082 = tpu.memref_slice %run_scoped3A_29[%rem3A_1069] : memref<2x!tpu.dma_semaphore, #tpu.memory_space<semaphore_mem>> -> memref<1x!tpu.dma_semaphore, #tpu.memory_space<semaphore_mem>>
          %dma_start3A_1083 = tpu.memref_squeeze %dma_start3A_1082 : memref<1x!tpu.dma_semaphore, #tpu.memory_space<semaphore_mem>> -> memref<!tpu.dma_semaphore, #tpu.memory_space<semaphore_mem>>
          %dma_start3A_1084 = arith.constant 0 : i32
          %dma_start3A_1085 = arith.constant 0 : i32
          %dma_start3A_1086 = tpu.memref_slice %arg4[%dma_start3A_1084, %run_scoped3A_12, %dma_start3A_1085] : memref<768x4x1024xf32, #tpu.memory_space<hbm>> -> memref<768x1x1024xf32, #tpu.memory_space<hbm>>
          %dma_start3A_1087 = tpu.memref_squeeze %dma_start3A_1086 : memref<768x1x1024xf32, #tpu.memory_space<hbm>> -> memref<768x1024xf32, #tpu.memory_space<hbm>>
          %dma_start3A_1088 = arith.constant 0 : i32
          %dma_start3A_1089 = tpu.memref_slice %dma_start3A_1087[%mul3A_1071, %dma_start3A_1088] : memref<768x1024xf32, #tpu.memory_space<hbm>> -> memref<4x1024xf32, #tpu.memory_space<hbm>>
          %dma_start3A_1090 = arith.constant 0 : i32
          %dma_start3A_1091 = arith.constant 0 : i32
          %dma_start3A_1092 = tpu.memref_slice %run_scoped3A_28[%rem3A_1069, %dma_start3A_1090, %dma_start3A_1091] : memref<2x4x1024xf32, #tpu.memory_space<vmem>> -> memref<1x4x1024xf32, #tpu.memory_space<vmem>>
          %dma_start3A_1093 = tpu.memref_squeeze %dma_start3A_1092 : memref<1x4x1024xf32, #tpu.memory_space<vmem>> -> memref<4x1024xf32, #tpu.memory_space<vmem>>
          tpu.enqueue_dma source(%dma_start3A_1093 : memref<4x1024xf32, #tpu.memory_space<vmem>>) target(%dma_start3A_1089 : memref<4x1024xf32, #tpu.memory_space<hbm>>) target_semaphore(%dma_start3A_1083 : memref<!tpu.dma_semaphore, #tpu.memory_space<semaphore_mem>>)
          "tpu.trace_stop"() : () -> ()
        } else {
        }
        %and3A_827 = arith.constant true
        %and3A_828 = arith.andi %or3A_823, %and3A_827 : i1
        %add3A_829 = arith.constant 1 : i32
        %add3A_830 = arith.addi %scan3A_396, %add3A_829 : i32
        %select_n3A_831 = arith.select %and3A_828, %add3A_830, %scan3A_396 : i32
        %ne3A_832 = arith.cmpi ne, %add3A_405, %add3A_423 : i32
        %or3A_833 = arith.constant false
        %or3A_834 = arith.ori %or3A_833, %ne3A_832 : i1
        %or3A_835 = arith.constant false
        %or3A_836 = arith.ori %or3A_834, %or3A_835 : i1
        %or3A_837 = arith.ori %or3A_836, %eq3A_404 : i1
        %convert_element_type3A_838 = arith.extui %or3A_837 : i1 to i32
        %cond3A_839 = arith.constant 0 : i32
        %cond3A_840 = arith.cmpi ne, %convert_element_type3A_838, %cond3A_839 : i32
        scf.if %cond3A_840 {
          "tpu.trace_start"() <{level = 10 : i32, message = "ep_copy_out"}> : () -> ()
          %rem3A_1068 = arith.constant 2 : i32
          %rem3A_1069 = arith.remui %scan3A_398, %rem3A_1068 : i32
          %mul3A_1070 = arith.constant 4 : i32
          %mul3A_1071 = arith.muli %mul3A_1070, %add3A_405 : i32
          %dma_start3A_1072 = arith.constant 0 : i32
          %dma_start3A_1073 = arith.constant 0 : i32
          %dma_start3A_1074 = tpu.memref_slice %run_scoped3A_30[%rem3A_1069, %dma_start3A_1072, %dma_start3A_1073] : memref<2x4x1024xf32, #tpu.memory_space<vmem>> -> memref<1x4x1024xf32, #tpu.memory_space<vmem>>
          %dma_start3A_1075 = tpu.memref_squeeze %dma_start3A_1074 : memref<1x4x1024xf32, #tpu.memory_space<vmem>> -> memref<4x1024xf32, #tpu.memory_space<vmem>>
          %dma_start3A_1076 = arith.constant 0 : i32
          %dma_start3A_1077 = arith.constant 0 : i32
          %dma_start3A_1078 = tpu.memref_slice %arg4[%dma_start3A_1076, %run_scoped3A_13, %dma_start3A_1077] : memref<768x4x1024xf32, #tpu.memory_space<hbm>> -> memref<768x1x1024xf32, #tpu.memory_space<hbm>>
          %dma_start3A_1079 = tpu.memref_squeeze %dma_start3A_1078 : memref<768x1x1024xf32, #tpu.memory_space<hbm>> -> memref<768x1024xf32, #tpu.memory_space<hbm>>
          %dma_start3A_1080 = arith.constant 0 : i32
          %dma_start3A_1081 = tpu.memref_slice %dma_start3A_1079[%mul3A_1071, %dma_start3A_1080] : memref<768x1024xf32, #tpu.memory_space<hbm>> -> memref<4x1024xf32, #tpu.memory_space<hbm>>
          %dma_start3A_1082 = tpu.memref_slice %run_scoped3A_31[%rem3A_1069] : memref<2x!tpu.dma_semaphore, #tpu.memory_space<semaphore_mem>> -> memref<1x!tpu.dma_semaphore, #tpu.memory_space<semaphore_mem>>
          %dma_start3A_1083 = tpu.memref_squeeze %dma_start3A_1082 : memref<1x!tpu.dma_semaphore, #tpu.memory_space<semaphore_mem>> -> memref<!tpu.dma_semaphore, #tpu.memory_space<semaphore_mem>>
          %dma_start3A_1084 = arith.constant 0 : i32
          %dma_start3A_1085 = arith.constant 0 : i32
          %dma_start3A_1086 = tpu.memref_slice %arg4[%dma_start3A_1084, %run_scoped3A_13, %dma_start3A_1085] : memref<768x4x1024xf32, #tpu.memory_space<hbm>> -> memref<768x1x1024xf32, #tpu.memory_space<hbm>>
          %dma_start3A_1087 = tpu.memref_squeeze %dma_start3A_1086 : memref<768x1x1024xf32, #tpu.memory_space<hbm>> -> memref<768x1024xf32, #tpu.memory_space<hbm>>
          %dma_start3A_1088 = arith.constant 0 : i32
          %dma_start3A_1089 = tpu.memref_slice %dma_start3A_1087[%mul3A_1071, %dma_start3A_1088] : memref<768x1024xf32, #tpu.memory_space<hbm>> -> memref<4x1024xf32, #tpu.memory_space<hbm>>
          %dma_start3A_1090 = arith.constant 0 : i32
          %dma_start3A_1091 = arith.constant 0 : i32
          %dma_start3A_1092 = tpu.memref_slice %run_scoped3A_30[%rem3A_1069, %dma_start3A_1090, %dma_start3A_1091] : memref<2x4x1024xf32, #tpu.memory_space<vmem>> -> memref<1x4x1024xf32, #tpu.memory_space<vmem>>
          %dma_start3A_1093 = tpu.memref_squeeze %dma_start3A_1092 : memref<1x4x1024xf32, #tpu.memory_space<vmem>> -> memref<4x1024xf32, #tpu.memory_space<vmem>>
          tpu.enqueue_dma source(%dma_start3A_1093 : memref<4x1024xf32, #tpu.memory_space<vmem>>) target(%dma_start3A_1089 : memref<4x1024xf32, #tpu.memory_space<hbm>>) target_semaphore(%dma_start3A_1083 : memref<!tpu.dma_semaphore, #tpu.memory_space<semaphore_mem>>)
          "tpu.trace_stop"() : () -> ()
        } else {
        }
        %and3A_841 = arith.constant true
        %and3A_842 = arith.andi %or3A_837, %and3A_841 : i1
        %add3A_843 = arith.constant 1 : i32
        %add3A_844 = arith.addi %scan3A_398, %add3A_843 : i32
        %select_n3A_845 = arith.select %and3A_842, %add3A_844, %scan3A_398 : i32
        %add3A_846 = arith.constant 832 : i32
        %add3A_847 = arith.addi %add3A_405, %add3A_846 : i32
        %add3A_848 = arith.constant 832 : i32
        %add3A_849 = arith.addi %add3A_414, %add3A_848 : i32
        %ne3A_850 = arith.cmpi ne, %add3A_847, %add3A_849 : i32
        %or3A_851 = arith.constant false
        %or3A_852 = arith.ori %or3A_851, %ne3A_850 : i1
        %or3A_853 = arith.constant false
        %or3A_854 = arith.ori %or3A_852, %or3A_853 : i1
        %not3A_855 = arith.constant true
        %not3A_856 = arith.xori %eq3A_402, %not3A_855 : i1
        %and3A_857 = arith.andi %or3A_854, %not3A_856 : i1
        %convert_element_type3A_858 = arith.extui %and3A_857 : i1 to i32
        %cond3A_859 = arith.constant 0 : i32
        %cond3A_860 = arith.cmpi ne, %convert_element_type3A_858, %cond3A_859 : i32
        scf.if %cond3A_860 {
        } else {
        }
        %and3A_861 = arith.constant false
        %and3A_862 = arith.andi %and3A_857, %and3A_861 : i1
        %add3A_863 = arith.constant 832 : i32
        %add3A_864 = arith.addi %add3A_405, %add3A_863 : i32
        %add3A_865 = arith.constant 832 : i32
        %add3A_866 = arith.addi %add3A_414, %add3A_865 : i32
        %ne3A_867 = arith.cmpi ne, %add3A_864, %add3A_866 : i32
        %or3A_868 = arith.constant false
        %or3A_869 = arith.ori %or3A_868, %ne3A_867 : i1
        %or3A_870 = arith.constant false
        %or3A_871 = arith.ori %or3A_869, %or3A_870 : i1
        %not3A_872 = arith.constant true
        %not3A_873 = arith.xori %eq3A_402, %not3A_872 : i1
        %and3A_874 = arith.andi %or3A_871, %not3A_873 : i1
        %convert_element_type3A_875 = arith.extui %and3A_874 : i1 to i32
        %cond3A_876 = arith.constant 0 : i32
        %cond3A_877 = arith.cmpi ne, %convert_element_type3A_875, %cond3A_876 : i32
        scf.if %cond3A_877 {
        } else {
        }
        %and3A_878 = arith.constant false
        %and3A_879 = arith.andi %and3A_874, %and3A_878 : i1
        %add3A_880 = arith.constant 832 : i32
        %add3A_881 = arith.addi %add3A_405, %add3A_880 : i32
        %add3A_882 = arith.constant 832 : i32
        %add3A_883 = arith.addi %add3A_414, %add3A_882 : i32
        %ne3A_884 = arith.cmpi ne, %add3A_881, %add3A_883 : i32
        %or3A_885 = arith.constant false
        %or3A_886 = arith.ori %or3A_885, %ne3A_884 : i1
        %or3A_887 = arith.constant false
        %or3A_888 = arith.ori %or3A_886, %or3A_887 : i1
        %not3A_889 = arith.constant true
        %not3A_890 = arith.xori %eq3A_402, %not3A_889 : i1
        %and3A_891 = arith.andi %or3A_888, %not3A_890 : i1
        %convert_element_type3A_892 = arith.extui %and3A_891 : i1 to i32
        %cond3A_893 = arith.constant 0 : i32
        %cond3A_894 = arith.cmpi ne, %convert_element_type3A_892, %cond3A_893 : i32
        scf.if %cond3A_894 {
        } else {
        }
        %and3A_895 = arith.constant false
        %and3A_896 = arith.andi %and3A_891, %and3A_895 : i1
        %add3A_897 = arith.constant 832 : i32
        %add3A_898 = arith.addi %add3A_405, %add3A_897 : i32
        %add3A_899 = arith.constant 832 : i32
        %add3A_900 = arith.addi %add3A_414, %add3A_899 : i32
        %ne3A_901 = arith.cmpi ne, %add3A_898, %add3A_900 : i32
        %or3A_902 = arith.constant false
        %or3A_903 = arith.ori %or3A_902, %ne3A_901 : i1
        %or3A_904 = arith.constant false
        %or3A_905 = arith.ori %or3A_903, %or3A_904 : i1
        %not3A_906 = arith.constant true
        %not3A_907 = arith.xori %eq3A_402, %not3A_906 : i1
        %and3A_908 = arith.andi %or3A_905, %not3A_907 : i1
        %convert_element_type3A_909 = arith.extui %and3A_908 : i1 to i32
        %cond3A_910 = arith.constant 0 : i32
        %cond3A_911 = arith.cmpi ne, %convert_element_type3A_909, %cond3A_910 : i32
        scf.if %cond3A_911 {
        } else {
        }
        %and3A_912 = arith.constant false
        %and3A_913 = arith.andi %and3A_908, %and3A_912 : i1
        %add3A_914 = arith.constant 832 : i32
        %add3A_915 = arith.addi %add3A_405, %add3A_914 : i32
        %add3A_916 = arith.constant 832 : i32
        %add3A_917 = arith.addi %add3A_414, %add3A_916 : i32
        %ne3A_918 = arith.cmpi ne, %add3A_915, %add3A_917 : i32
        %or3A_919 = arith.constant false
        %or3A_920 = arith.ori %or3A_919, %ne3A_918 : i1
        %or3A_921 = arith.constant false
        %or3A_922 = arith.ori %or3A_920, %or3A_921 : i1
        %not3A_923 = arith.constant true
        %not3A_924 = arith.xori %eq3A_402, %not3A_923 : i1
        %and3A_925 = arith.andi %or3A_922, %not3A_924 : i1
        %convert_element_type3A_926 = arith.extui %and3A_925 : i1 to i32
        %cond3A_927 = arith.constant 0 : i32
        %cond3A_928 = arith.cmpi ne, %convert_element_type3A_926, %cond3A_927 : i32
        scf.if %cond3A_928 {
        } else {
        }
        %and3A_929 = arith.constant false
        %and3A_930 = arith.andi %and3A_925, %and3A_929 : i1
        %ne3A_931 = arith.cmpi ne, %add3A_405, %add3A_414 : i32
        %or3A_932 = arith.constant false
        %or3A_933 = arith.ori %or3A_932, %ne3A_931 : i1
        %or3A_934 = arith.constant false
        %or3A_935 = arith.ori %or3A_933, %or3A_934 : i1
        %not3A_936 = arith.constant true
        %not3A_937 = arith.xori %eq3A_402, %not3A_936 : i1
        %and3A_938 = arith.andi %or3A_935, %not3A_937 : i1
        %convert_element_type3A_939 = arith.extui %and3A_938 : i1 to i32
        %cond3A_940 = arith.constant 0 : i32
        %cond3A_941 = arith.cmpi ne, %convert_element_type3A_939, %cond3A_940 : i32
        scf.if %cond3A_941 {
          "tpu.trace_start"() <{level = 10 : i32, message = "ep_wait_out"}> : () -> ()
          %rem3A_1068 = arith.constant 2 : i32
          %rem3A_1069 = arith.remui %scan3A_393, %rem3A_1068 : i32
          %mul3A_1070 = arith.constant 4 : i32
          %mul3A_1071 = arith.muli %mul3A_1070, %add3A_414 : i32
          %dma_wait3A_1072 = arith.constant 0 : i32
          %dma_wait3A_1073 = arith.constant 0 : i32
          %dma_wait3A_1074 = tpu.memref_slice %run_scoped3A_24[%rem3A_1069, %dma_wait3A_1072, %dma_wait3A_1073] : memref<2x4x1024xf32, #tpu.memory_space<vmem>> -> memref<1x4x1024xf32, #tpu.memory_space<vmem>>
          %dma_wait3A_1075 = tpu.memref_squeeze %dma_wait3A_1074 : memref<1x4x1024xf32, #tpu.memory_space<vmem>> -> memref<4x1024xf32, #tpu.memory_space<vmem>>
          %dma_wait3A_1076 = arith.constant 0 : i32
          %dma_wait3A_1077 = arith.constant 0 : i32
          %dma_wait3A_1078 = tpu.memref_slice %arg4[%dma_wait3A_1076, %run_scoped3A_10, %dma_wait3A_1077] : memref<768x4x1024xf32, #tpu.memory_space<hbm>> -> memref<768x1x1024xf32, #tpu.memory_space<hbm>>
          %dma_wait3A_1079 = tpu.memref_squeeze %dma_wait3A_1078 : memref<768x1x1024xf32, #tpu.memory_space<hbm>> -> memref<768x1024xf32, #tpu.memory_space<hbm>>
          %dma_wait3A_1080 = arith.constant 0 : i32
          %dma_wait3A_1081 = tpu.memref_slice %dma_wait3A_1079[%mul3A_1071, %dma_wait3A_1080] : memref<768x1024xf32, #tpu.memory_space<hbm>> -> memref<4x1024xf32, #tpu.memory_space<hbm>>
          %dma_wait3A_1082 = tpu.memref_slice %run_scoped3A_25[%rem3A_1069] : memref<2x!tpu.dma_semaphore, #tpu.memory_space<semaphore_mem>> -> memref<1x!tpu.dma_semaphore, #tpu.memory_space<semaphore_mem>>
          %dma_wait3A_1083 = tpu.memref_squeeze %dma_wait3A_1082 : memref<1x!tpu.dma_semaphore, #tpu.memory_space<semaphore_mem>> -> memref<!tpu.dma_semaphore, #tpu.memory_space<semaphore_mem>>
          %dma_wait3A_1084 = arith.constant 0 : i32
          %dma_wait3A_1085 = arith.constant 0 : i32
          %dma_wait3A_1086 = tpu.memref_slice %arg4[%dma_wait3A_1084, %run_scoped3A_10, %dma_wait3A_1085] : memref<768x4x1024xf32, #tpu.memory_space<hbm>> -> memref<768x1x1024xf32, #tpu.memory_space<hbm>>
          %dma_wait3A_1087 = tpu.memref_squeeze %dma_wait3A_1086 : memref<768x1x1024xf32, #tpu.memory_space<hbm>> -> memref<768x1024xf32, #tpu.memory_space<hbm>>
          %dma_wait3A_1088 = arith.constant 0 : i32
          %dma_wait3A_1089 = tpu.memref_slice %dma_wait3A_1087[%mul3A_1071, %dma_wait3A_1088] : memref<768x1024xf32, #tpu.memory_space<hbm>> -> memref<4x1024xf32, #tpu.memory_space<hbm>>
          %dma_wait3A_1090 = arith.constant 0 : i32
          %dma_wait3A_1091 = arith.constant 0 : i32
          %dma_wait3A_1092 = tpu.memref_slice %run_scoped3A_24[%rem3A_1069, %dma_wait3A_1090, %dma_wait3A_1091] : memref<2x4x1024xf32, #tpu.memory_space<vmem>> -> memref<1x4x1024xf32, #tpu.memory_space<vmem>>
          %dma_wait3A_1093 = tpu.memref_squeeze %dma_wait3A_1092 : memref<1x4x1024xf32, #tpu.memory_space<vmem>> -> memref<4x1024xf32, #tpu.memory_space<vmem>>
          tpu.wait_dma2 semaphore(%dma_wait3A_1083 : memref<!tpu.dma_semaphore, #tpu.memory_space<semaphore_mem>>) src(%dma_wait3A_1093 : memref<4x1024xf32, #tpu.memory_space<vmem>>) dst(%dma_wait3A_1089 : memref<4x1024xf32, #tpu.memory_space<hbm>>)
          "tpu.trace_stop"() : () -> ()
        } else {
        }
        %and3A_942 = arith.constant true
        %and3A_943 = arith.andi %and3A_938, %and3A_942 : i1
        %add3A_944 = arith.constant 1 : i32
        %add3A_945 = arith.addi %scan3A_393, %add3A_944 : i32
        %select_n3A_946 = arith.select %and3A_943, %add3A_945, %scan3A_393 : i32
        %ne3A_947 = arith.cmpi ne, %add3A_405, %add3A_414 : i32
        %or3A_948 = arith.constant false
        %or3A_949 = arith.ori %or3A_948, %ne3A_947 : i1
        %or3A_950 = arith.constant false
        %or3A_951 = arith.ori %or3A_949, %or3A_950 : i1
        %not3A_952 = arith.constant true
        %not3A_953 = arith.xori %eq3A_402, %not3A_952 : i1
        %and3A_954 = arith.andi %or3A_951, %not3A_953 : i1
        %convert_element_type3A_955 = arith.extui %and3A_954 : i1 to i32
        %cond3A_956 = arith.constant 0 : i32
        %cond3A_957 = arith.cmpi ne, %convert_element_type3A_955, %cond3A_956 : i32
        scf.if %cond3A_957 {
          "tpu.trace_start"() <{level = 10 : i32, message = "ep_wait_out"}> : () -> ()
          %rem3A_1068 = arith.constant 2 : i32
          %rem3A_1069 = arith.remui %scan3A_395, %rem3A_1068 : i32
          %mul3A_1070 = arith.constant 4 : i32
          %mul3A_1071 = arith.muli %mul3A_1070, %add3A_414 : i32
          %dma_wait3A_1072 = arith.constant 0 : i32
          %dma_wait3A_1073 = arith.constant 0 : i32
          %dma_wait3A_1074 = tpu.memref_slice %run_scoped3A_26[%rem3A_1069, %dma_wait3A_1072, %dma_wait3A_1073] : memref<2x4x1024xf32, #tpu.memory_space<vmem>> -> memref<1x4x1024xf32, #tpu.memory_space<vmem>>
          %dma_wait3A_1075 = tpu.memref_squeeze %dma_wait3A_1074 : memref<1x4x1024xf32, #tpu.memory_space<vmem>> -> memref<4x1024xf32, #tpu.memory_space<vmem>>
          %dma_wait3A_1076 = arith.constant 0 : i32
          %dma_wait3A_1077 = arith.constant 0 : i32
          %dma_wait3A_1078 = tpu.memref_slice %arg4[%dma_wait3A_1076, %run_scoped3A_11, %dma_wait3A_1077] : memref<768x4x1024xf32, #tpu.memory_space<hbm>> -> memref<768x1x1024xf32, #tpu.memory_space<hbm>>
          %dma_wait3A_1079 = tpu.memref_squeeze %dma_wait3A_1078 : memref<768x1x1024xf32, #tpu.memory_space<hbm>> -> memref<768x1024xf32, #tpu.memory_space<hbm>>
          %dma_wait3A_1080 = arith.constant 0 : i32
          %dma_wait3A_1081 = tpu.memref_slice %dma_wait3A_1079[%mul3A_1071, %dma_wait3A_1080] : memref<768x1024xf32, #tpu.memory_space<hbm>> -> memref<4x1024xf32, #tpu.memory_space<hbm>>
          %dma_wait3A_1082 = tpu.memref_slice %run_scoped3A_27[%rem3A_1069] : memref<2x!tpu.dma_semaphore, #tpu.memory_space<semaphore_mem>> -> memref<1x!tpu.dma_semaphore, #tpu.memory_space<semaphore_mem>>
          %dma_wait3A_1083 = tpu.memref_squeeze %dma_wait3A_1082 : memref<1x!tpu.dma_semaphore, #tpu.memory_space<semaphore_mem>> -> memref<!tpu.dma_semaphore, #tpu.memory_space<semaphore_mem>>
          %dma_wait3A_1084 = arith.constant 0 : i32
          %dma_wait3A_1085 = arith.constant 0 : i32
          %dma_wait3A_1086 = tpu.memref_slice %arg4[%dma_wait3A_1084, %run_scoped3A_11, %dma_wait3A_1085] : memref<768x4x1024xf32, #tpu.memory_space<hbm>> -> memref<768x1x1024xf32, #tpu.memory_space<hbm>>
          %dma_wait3A_1087 = tpu.memref_squeeze %dma_wait3A_1086 : memref<768x1x1024xf32, #tpu.memory_space<hbm>> -> memref<768x1024xf32, #tpu.memory_space<hbm>>
          %dma_wait3A_1088 = arith.constant 0 : i32
          %dma_wait3A_1089 = tpu.memref_slice %dma_wait3A_1087[%mul3A_1071, %dma_wait3A_1088] : memref<768x1024xf32, #tpu.memory_space<hbm>> -> memref<4x1024xf32, #tpu.memory_space<hbm>>
          %dma_wait3A_1090 = arith.constant 0 : i32
          %dma_wait3A_1091 = arith.constant 0 : i32
          %dma_wait3A_1092 = tpu.memref_slice %run_scoped3A_26[%rem3A_1069, %dma_wait3A_1090, %dma_wait3A_1091] : memref<2x4x1024xf32, #tpu.memory_space<vmem>> -> memref<1x4x1024xf32, #tpu.memory_space<vmem>>
          %dma_wait3A_1093 = tpu.memref_squeeze %dma_wait3A_1092 : memref<1x4x1024xf32, #tpu.memory_space<vmem>> -> memref<4x1024xf32, #tpu.memory_space<vmem>>
          tpu.wait_dma2 semaphore(%dma_wait3A_1083 : memref<!tpu.dma_semaphore, #tpu.memory_space<semaphore_mem>>) src(%dma_wait3A_1093 : memref<4x1024xf32, #tpu.memory_space<vmem>>) dst(%dma_wait3A_1089 : memref<4x1024xf32, #tpu.memory_space<hbm>>)
          "tpu.trace_stop"() : () -> ()
        } else {
        }
        %and3A_958 = arith.constant true
        %and3A_959 = arith.andi %and3A_954, %and3A_958 : i1
        %add3A_960 = arith.constant 1 : i32
        %add3A_961 = arith.addi %scan3A_395, %add3A_960 : i32
        %select_n3A_962 = arith.select %and3A_959, %add3A_961, %scan3A_395 : i32
        %ne3A_963 = arith.cmpi ne, %add3A_405, %add3A_414 : i32
        %or3A_964 = arith.constant false
        %or3A_965 = arith.ori %or3A_964, %ne3A_963 : i1
        %or3A_966 = arith.constant false
        %or3A_967 = arith.ori %or3A_965, %or3A_966 : i1
        %not3A_968 = arith.constant true
        %not3A_969 = arith.xori %eq3A_402, %not3A_968 : i1
        %and3A_970 = arith.andi %or3A_967, %not3A_969 : i1
        %convert_element_type3A_971 = arith.extui %and3A_970 : i1 to i32
        %cond3A_972 = arith.constant 0 : i32
        %cond3A_973 = arith.cmpi ne, %convert_element_type3A_971, %cond3A_972 : i32
        scf.if %cond3A_973 {
          "tpu.trace_start"() <{level = 10 : i32, message = "ep_wait_out"}> : () -> ()
          %rem3A_1068 = arith.constant 2 : i32
          %rem3A_1069 = arith.remui %scan3A_397, %rem3A_1068 : i32
          %mul3A_1070 = arith.constant 4 : i32
          %mul3A_1071 = arith.muli %mul3A_1070, %add3A_414 : i32
          %dma_wait3A_1072 = arith.constant 0 : i32
          %dma_wait3A_1073 = arith.constant 0 : i32
          %dma_wait3A_1074 = tpu.memref_slice %run_scoped3A_28[%rem3A_1069, %dma_wait3A_1072, %dma_wait3A_1073] : memref<2x4x1024xf32, #tpu.memory_space<vmem>> -> memref<1x4x1024xf32, #tpu.memory_space<vmem>>
          %dma_wait3A_1075 = tpu.memref_squeeze %dma_wait3A_1074 : memref<1x4x1024xf32, #tpu.memory_space<vmem>> -> memref<4x1024xf32, #tpu.memory_space<vmem>>
          %dma_wait3A_1076 = arith.constant 0 : i32
          %dma_wait3A_1077 = arith.constant 0 : i32
          %dma_wait3A_1078 = tpu.memref_slice %arg4[%dma_wait3A_1076, %run_scoped3A_12, %dma_wait3A_1077] : memref<768x4x1024xf32, #tpu.memory_space<hbm>> -> memref<768x1x1024xf32, #tpu.memory_space<hbm>>
          %dma_wait3A_1079 = tpu.memref_squeeze %dma_wait3A_1078 : memref<768x1x1024xf32, #tpu.memory_space<hbm>> -> memref<768x1024xf32, #tpu.memory_space<hbm>>
          %dma_wait3A_1080 = arith.constant 0 : i32
          %dma_wait3A_1081 = tpu.memref_slice %dma_wait3A_1079[%mul3A_1071, %dma_wait3A_1080] : memref<768x1024xf32, #tpu.memory_space<hbm>> -> memref<4x1024xf32, #tpu.memory_space<hbm>>
          %dma_wait3A_1082 = tpu.memref_slice %run_scoped3A_29[%rem3A_1069] : memref<2x!tpu.dma_semaphore, #tpu.memory_space<semaphore_mem>> -> memref<1x!tpu.dma_semaphore, #tpu.memory_space<semaphore_mem>>
          %dma_wait3A_1083 = tpu.memref_squeeze %dma_wait3A_1082 : memref<1x!tpu.dma_semaphore, #tpu.memory_space<semaphore_mem>> -> memref<!tpu.dma_semaphore, #tpu.memory_space<semaphore_mem>>
          %dma_wait3A_1084 = arith.constant 0 : i32
          %dma_wait3A_1085 = arith.constant 0 : i32
          %dma_wait3A_1086 = tpu.memref_slice %arg4[%dma_wait3A_1084, %run_scoped3A_12, %dma_wait3A_1085] : memref<768x4x1024xf32, #tpu.memory_space<hbm>> -> memref<768x1x1024xf32, #tpu.memory_space<hbm>>
          %dma_wait3A_1087 = tpu.memref_squeeze %dma_wait3A_1086 : memref<768x1x1024xf32, #tpu.memory_space<hbm>> -> memref<768x1024xf32, #tpu.memory_space<hbm>>
          %dma_wait3A_1088 = arith.constant 0 : i32
          %dma_wait3A_1089 = tpu.memref_slice %dma_wait3A_1087[%mul3A_1071, %dma_wait3A_1088] : memref<768x1024xf32, #tpu.memory_space<hbm>> -> memref<4x1024xf32, #tpu.memory_space<hbm>>
          %dma_wait3A_1090 = arith.constant 0 : i32
          %dma_wait3A_1091 = arith.constant 0 : i32
          %dma_wait3A_1092 = tpu.memref_slice %run_scoped3A_28[%rem3A_1069, %dma_wait3A_1090, %dma_wait3A_1091] : memref<2x4x1024xf32, #tpu.memory_space<vmem>> -> memref<1x4x1024xf32, #tpu.memory_space<vmem>>
          %dma_wait3A_1093 = tpu.memref_squeeze %dma_wait3A_1092 : memref<1x4x1024xf32, #tpu.memory_space<vmem>> -> memref<4x1024xf32, #tpu.memory_space<vmem>>
          tpu.wait_dma2 semaphore(%dma_wait3A_1083 : memref<!tpu.dma_semaphore, #tpu.memory_space<semaphore_mem>>) src(%dma_wait3A_1093 : memref<4x1024xf32, #tpu.memory_space<vmem>>) dst(%dma_wait3A_1089 : memref<4x1024xf32, #tpu.memory_space<hbm>>)
          "tpu.trace_stop"() : () -> ()
        } else {
        }
        %and3A_974 = arith.constant true
        %and3A_975 = arith.andi %and3A_970, %and3A_974 : i1
        %add3A_976 = arith.constant 1 : i32
        %add3A_977 = arith.addi %scan3A_397, %add3A_976 : i32
        %select_n3A_978 = arith.select %and3A_975, %add3A_977, %scan3A_397 : i32
        %ne3A_979 = arith.cmpi ne, %add3A_405, %add3A_414 : i32
        %or3A_980 = arith.constant false
        %or3A_981 = arith.ori %or3A_980, %ne3A_979 : i1
        %or3A_982 = arith.constant false
        %or3A_983 = arith.ori %or3A_981, %or3A_982 : i1
        %not3A_984 = arith.constant true
        %not3A_985 = arith.xori %eq3A_402, %not3A_984 : i1
        %and3A_986 = arith.andi %or3A_983, %not3A_985 : i1
        %convert_element_type3A_987 = arith.extui %and3A_986 : i1 to i32
        %cond3A_988 = arith.constant 0 : i32
        %cond3A_989 = arith.cmpi ne, %convert_element_type3A_987, %cond3A_988 : i32
        scf.if %cond3A_989 {
          "tpu.trace_start"() <{level = 10 : i32, message = "ep_wait_out"}> : () -> ()
          %rem3A_1068 = arith.constant 2 : i32
          %rem3A_1069 = arith.remui %scan3A_399, %rem3A_1068 : i32
          %mul3A_1070 = arith.constant 4 : i32
          %mul3A_1071 = arith.muli %mul3A_1070, %add3A_414 : i32
          %dma_wait3A_1072 = arith.constant 0 : i32
          %dma_wait3A_1073 = arith.constant 0 : i32
          %dma_wait3A_1074 = tpu.memref_slice %run_scoped3A_30[%rem3A_1069, %dma_wait3A_1072, %dma_wait3A_1073] : memref<2x4x1024xf32, #tpu.memory_space<vmem>> -> memref<1x4x1024xf32, #tpu.memory_space<vmem>>
          %dma_wait3A_1075 = tpu.memref_squeeze %dma_wait3A_1074 : memref<1x4x1024xf32, #tpu.memory_space<vmem>> -> memref<4x1024xf32, #tpu.memory_space<vmem>>
          %dma_wait3A_1076 = arith.constant 0 : i32
          %dma_wait3A_1077 = arith.constant 0 : i32
          %dma_wait3A_1078 = tpu.memref_slice %arg4[%dma_wait3A_1076, %run_scoped3A_13, %dma_wait3A_1077] : memref<768x4x1024xf32, #tpu.memory_space<hbm>> -> memref<768x1x1024xf32, #tpu.memory_space<hbm>>
          %dma_wait3A_1079 = tpu.memref_squeeze %dma_wait3A_1078 : memref<768x1x1024xf32, #tpu.memory_space<hbm>> -> memref<768x1024xf32, #tpu.memory_space<hbm>>
          %dma_wait3A_1080 = arith.constant 0 : i32
          %dma_wait3A_1081 = tpu.memref_slice %dma_wait3A_1079[%mul3A_1071, %dma_wait3A_1080] : memref<768x1024xf32, #tpu.memory_space<hbm>> -> memref<4x1024xf32, #tpu.memory_space<hbm>>
          %dma_wait3A_1082 = tpu.memref_slice %run_scoped3A_31[%rem3A_1069] : memref<2x!tpu.dma_semaphore, #tpu.memory_space<semaphore_mem>> -> memref<1x!tpu.dma_semaphore, #tpu.memory_space<semaphore_mem>>
          %dma_wait3A_1083 = tpu.memref_squeeze %dma_wait3A_1082 : memref<1x!tpu.dma_semaphore, #tpu.memory_space<semaphore_mem>> -> memref<!tpu.dma_semaphore, #tpu.memory_space<semaphore_mem>>
          %dma_wait3A_1084 = arith.constant 0 : i32
          %dma_wait3A_1085 = arith.constant 0 : i32
          %dma_wait3A_1086 = tpu.memref_slice %arg4[%dma_wait3A_1084, %run_scoped3A_13, %dma_wait3A_1085] : memref<768x4x1024xf32, #tpu.memory_space<hbm>> -> memref<768x1x1024xf32, #tpu.memory_space<hbm>>
          %dma_wait3A_1087 = tpu.memref_squeeze %dma_wait3A_1086 : memref<768x1x1024xf32, #tpu.memory_space<hbm>> -> memref<768x1024xf32, #tpu.memory_space<hbm>>
          %dma_wait3A_1088 = arith.constant 0 : i32
          %dma_wait3A_1089 = tpu.memref_slice %dma_wait3A_1087[%mul3A_1071, %dma_wait3A_1088] : memref<768x1024xf32, #tpu.memory_space<hbm>> -> memref<4x1024xf32, #tpu.memory_space<hbm>>
          %dma_wait3A_1090 = arith.constant 0 : i32
          %dma_wait3A_1091 = arith.constant 0 : i32
          %dma_wait3A_1092 = tpu.memref_slice %run_scoped3A_30[%rem3A_1069, %dma_wait3A_1090, %dma_wait3A_1091] : memref<2x4x1024xf32, #tpu.memory_space<vmem>> -> memref<1x4x1024xf32, #tpu.memory_space<vmem>>
          %dma_wait3A_1093 = tpu.memref_squeeze %dma_wait3A_1092 : memref<1x4x1024xf32, #tpu.memory_space<vmem>> -> memref<4x1024xf32, #tpu.memory_space<vmem>>
          tpu.wait_dma2 semaphore(%dma_wait3A_1083 : memref<!tpu.dma_semaphore, #tpu.memory_space<semaphore_mem>>) src(%dma_wait3A_1093 : memref<4x1024xf32, #tpu.memory_space<vmem>>) dst(%dma_wait3A_1089 : memref<4x1024xf32, #tpu.memory_space<hbm>>)
          "tpu.trace_stop"() : () -> ()
        } else {
        }
        %and3A_990 = arith.constant true
        %and3A_991 = arith.andi %and3A_986, %and3A_990 : i1
        %add3A_992 = arith.constant 1 : i32
        %add3A_993 = arith.addi %scan3A_399, %add3A_992 : i32
        %select_n3A_994 = arith.select %and3A_991, %add3A_993, %scan3A_399 : i32
        %add3A_995 = arith.constant 832 : i32
        %add3A_996 = arith.addi %add3A_405, %add3A_995 : i32
        %add3A_997 = arith.constant 832 : i32
        %add3A_998 = arith.addi %add3A_423, %add3A_997 : i32
        %ne3A_999 = arith.cmpi ne, %add3A_996, %add3A_998 : i32
        %or3A_1000 = arith.constant false
        %or3A_1001 = arith.ori %or3A_1000, %ne3A_999 : i1
        %or3A_1002 = arith.constant false
        %or3A_1003 = arith.ori %or3A_1001, %or3A_1002 : i1
        %or3A_1004 = arith.ori %or3A_1003, %eq3A_404 : i1
        %add3A_1005 = arith.constant 1 : i32
        %add3A_1006 = arith.addi %scan3A_383, %add3A_1005 : i32
        %select_n3A_1007 = arith.select %or3A_1004, %add3A_1006, %scan3A_383 : i32
        %add3A_1008 = arith.constant 832 : i32
        %add3A_1009 = arith.addi %add3A_405, %add3A_1008 : i32
        %add3A_1010 = arith.constant 832 : i32
        %add3A_1011 = arith.addi %add3A_423, %add3A_1010 : i32
        %ne3A_1012 = arith.cmpi ne, %add3A_1009, %add3A_1011 : i32
        %or3A_1013 = arith.constant false
        %or3A_1014 = arith.ori %or3A_1013, %ne3A_1012 : i1
        %or3A_1015 = arith.constant false
        %or3A_1016 = arith.ori %or3A_1014, %or3A_1015 : i1
        %or3A_1017 = arith.ori %or3A_1016, %eq3A_404 : i1
        %add3A_1018 = arith.constant 1 : i32
        %add3A_1019 = arith.addi %scan3A_385, %add3A_1018 : i32
        %select_n3A_1020 = arith.select %or3A_1017, %add3A_1019, %scan3A_385 : i32
        %add3A_1021 = arith.constant 832 : i32
        %add3A_1022 = arith.addi %add3A_405, %add3A_1021 : i32
        %add3A_1023 = arith.constant 832 : i32
        %add3A_1024 = arith.addi %add3A_423, %add3A_1023 : i32
        %ne3A_1025 = arith.cmpi ne, %add3A_1022, %add3A_1024 : i32
        %or3A_1026 = arith.constant false
        %or3A_1027 = arith.ori %or3A_1026, %ne3A_1025 : i1
        %or3A_1028 = arith.constant false
        %or3A_1029 = arith.ori %or3A_1027, %or3A_1028 : i1
        %or3A_1030 = arith.ori %or3A_1029, %eq3A_404 : i1
        %add3A_1031 = arith.constant 1 : i32
        %add3A_1032 = arith.addi %scan3A_387, %add3A_1031 : i32
        %select_n3A_1033 = arith.select %or3A_1030, %add3A_1032, %scan3A_387 : i32
        %add3A_1034 = arith.constant 832 : i32
        %add3A_1035 = arith.addi %add3A_405, %add3A_1034 : i32
        %add3A_1036 = arith.constant 832 : i32
        %add3A_1037 = arith.addi %add3A_423, %add3A_1036 : i32
        %ne3A_1038 = arith.cmpi ne, %add3A_1035, %add3A_1037 : i32
        %or3A_1039 = arith.constant false
        %or3A_1040 = arith.ori %or3A_1039, %ne3A_1038 : i1
        %or3A_1041 = arith.constant false
        %or3A_1042 = arith.ori %or3A_1040, %or3A_1041 : i1
        %or3A_1043 = arith.ori %or3A_1042, %eq3A_404 : i1
        %add3A_1044 = arith.constant 1 : i32
        %add3A_1045 = arith.addi %scan3A_389, %add3A_1044 : i32
        %select_n3A_1046 = arith.select %or3A_1043, %add3A_1045, %scan3A_389 : i32
        %add3A_1047 = arith.constant 832 : i32
        %add3A_1048 = arith.addi %add3A_405, %add3A_1047 : i32
        %add3A_1049 = arith.constant 832 : i32
        %add3A_1050 = arith.addi %add3A_423, %add3A_1049 : i32
        %ne3A_1051 = arith.cmpi ne, %add3A_1048, %add3A_1050 : i32
        %or3A_1052 = arith.constant false
        %or3A_1053 = arith.ori %or3A_1052, %ne3A_1051 : i1
        %or3A_1054 = arith.constant false
        %or3A_1055 = arith.ori %or3A_1053, %or3A_1054 : i1
        %or3A_1056 = arith.ori %or3A_1055, %eq3A_404 : i1
        %add3A_1057 = arith.constant 1 : i32
        %add3A_1058 = arith.addi %scan3A_391, %add3A_1057 : i32
        %select_n3A_1059 = arith.select %or3A_1056, %add3A_1058, %scan3A_391 : i32
        %add3A_1060 = arith.constant 1 : i32
        %add3A_1061 = arith.addi %scan3A_400, %add3A_1060 : i32
        %select_n3A_1062 = arith.constant true
        %select_n3A_1063 = arith.select %select_n3A_1062, %add3A_1061, %scan3A_400 : i32
        %eq3A_1064 = arith.constant 6 : i32
        %eq3A_1065 = arith.cmpi eq, %select_n3A_1063, %eq3A_1064 : i32
        %select_n3A_1066 = arith.constant 0 : i32
        %select_n3A_1067 = arith.select %eq3A_1065, %select_n3A_1066, %select_n3A_1063 : i32
        scf.yield %select_n3A_447, %select_n3A_1007, %select_n3A_469, %select_n3A_1020, %select_n3A_491, %select_n3A_1033, %select_n3A_513, %select_n3A_1046, %select_n3A_535, %select_n3A_1059, %select_n3A_803, %select_n3A_946, %select_n3A_817, %select_n3A_962, %select_n3A_831, %select_n3A_978, %select_n3A_845, %select_n3A_994, %select_n3A_1067 : i32, i32, i32, i32, i32, i32, i32, i32, i32, i32, i32, i32, i32, i32, i32, i32, i32, i32, i32
      }
      %scan3A_242 = arith.constant 6 : i32
      %sub3A = arith.constant 1 : i32
      %sub3A_243 = arith.subi %scan3A_241#18, %sub3A : i32
      %select_n3A_244 = arith.constant true
      %select_n3A_245 = arith.select %select_n3A_244, %sub3A_243, %scan3A_241#18 : i32
      %eq3A_246 = arith.constant -1 : i32
      %eq3A_247 = arith.cmpi eq, %select_n3A_245, %eq3A_246 : i32
      %select_n3A_248 = arith.constant 5 : i32
      %select_n3A_249 = arith.select %eq3A_247, %select_n3A_248, %select_n3A_245 : i32
      %add3A_250 = arith.addi %select_n3A_249, %mul3A_6 : i32
      %sub3A_251 = arith.constant 1 : i32
      %sub3A_252 = arith.subi %select_n3A_249, %sub3A_251 : i32
      %select_n3A_253 = arith.constant true
      %select_n3A_254 = arith.select %select_n3A_253, %sub3A_252, %select_n3A_249 : i32
      %eq3A_255 = arith.constant -1 : i32
      %eq3A_256 = arith.cmpi eq, %select_n3A_254, %eq3A_255 : i32
      %select_n3A_257 = arith.constant 5 : i32
      %select_n3A_258 = arith.select %eq3A_256, %select_n3A_257, %select_n3A_254 : i32
      %add3A_259 = arith.addi %select_n3A_258, %mul3A_6 : i32
      %add3A_260 = arith.constant 1 : i32
      %add3A_261 = arith.addi %select_n3A_249, %add3A_260 : i32
      %select_n3A_262 = arith.constant true
      %select_n3A_263 = arith.select %select_n3A_262, %add3A_261, %select_n3A_249 : i32
      %eq3A_264 = arith.constant 6 : i32
      %eq3A_265 = arith.cmpi eq, %select_n3A_263, %eq3A_264 : i32
      %select_n3A_266 = arith.constant 0 : i32
      %select_n3A_267 = arith.select %eq3A_265, %select_n3A_266, %select_n3A_263 : i32
      %add3A_268 = arith.addi %select_n3A_267, %mul3A_6 : i32
      %add3A_269 = arith.constant 1 : i32
      %add3A_270 = arith.addi %select_n3A_267, %add3A_269 : i32
      %select_n3A_271 = arith.constant true
      %select_n3A_272 = arith.select %select_n3A_271, %add3A_270, %select_n3A_267 : i32
      %eq3A_273 = arith.constant 6 : i32
      %eq3A_274 = arith.cmpi eq, %select_n3A_272, %eq3A_273 : i32
      %select_n3A_275 = arith.constant 0 : i32
      %select_n3A_276 = arith.select %eq3A_274, %select_n3A_275, %select_n3A_272 : i32
      %add3A_277 = arith.addi %select_n3A_276, %mul3A_6 : i32
      "tpu.trace_start"() <{level = 10 : i32, message = "ep_finalize"}> : () -> ()
      %rem3A_278 = arith.constant 2 : i32
      %rem3A_279 = arith.remui %scan3A_241#11, %rem3A_278 : i32
      %mul3A_280 = arith.constant 4 : i32
      %mul3A_281 = arith.muli %mul3A_280, %add3A_250 : i32
      %dma_wait3A = arith.constant 0 : i32
      %dma_wait3A_282 = arith.constant 0 : i32
      %dma_wait3A_283 = tpu.memref_slice %run_scoped3A_24[%rem3A_279, %dma_wait3A, %dma_wait3A_282] : memref<2x4x1024xf32, #tpu.memory_space<vmem>> -> memref<1x4x1024xf32, #tpu.memory_space<vmem>>
      %dma_wait3A_284 = tpu.memref_squeeze %dma_wait3A_283 : memref<1x4x1024xf32, #tpu.memory_space<vmem>> -> memref<4x1024xf32, #tpu.memory_space<vmem>>
      %dma_wait3A_285 = arith.constant 0 : i32
      %dma_wait3A_286 = arith.constant 0 : i32
      %dma_wait3A_287 = tpu.memref_slice %arg4[%dma_wait3A_285, %run_scoped3A_10, %dma_wait3A_286] : memref<768x4x1024xf32, #tpu.memory_space<hbm>> -> memref<768x1x1024xf32, #tpu.memory_space<hbm>>
      %dma_wait3A_288 = tpu.memref_squeeze %dma_wait3A_287 : memref<768x1x1024xf32, #tpu.memory_space<hbm>> -> memref<768x1024xf32, #tpu.memory_space<hbm>>
      %dma_wait3A_289 = arith.constant 0 : i32
      %dma_wait3A_290 = tpu.memref_slice %dma_wait3A_288[%mul3A_281, %dma_wait3A_289] : memref<768x1024xf32, #tpu.memory_space<hbm>> -> memref<4x1024xf32, #tpu.memory_space<hbm>>
      %dma_wait3A_291 = tpu.memref_slice %run_scoped3A_25[%rem3A_279] : memref<2x!tpu.dma_semaphore, #tpu.memory_space<semaphore_mem>> -> memref<1x!tpu.dma_semaphore, #tpu.memory_space<semaphore_mem>>
      %dma_wait3A_292 = tpu.memref_squeeze %dma_wait3A_291 : memref<1x!tpu.dma_semaphore, #tpu.memory_space<semaphore_mem>> -> memref<!tpu.dma_semaphore, #tpu.memory_space<semaphore_mem>>
      %dma_wait3A_293 = arith.constant 0 : i32
      %dma_wait3A_294 = arith.constant 0 : i32
      %dma_wait3A_295 = tpu.memref_slice %arg4[%dma_wait3A_293, %run_scoped3A_10, %dma_wait3A_294] : memref<768x4x1024xf32, #tpu.memory_space<hbm>> -> memref<768x1x1024xf32, #tpu.memory_space<hbm>>
      %dma_wait3A_296 = tpu.memref_squeeze %dma_wait3A_295 : memref<768x1x1024xf32, #tpu.memory_space<hbm>> -> memref<768x1024xf32, #tpu.memory_space<hbm>>
      %dma_wait3A_297 = arith.constant 0 : i32
      %dma_wait3A_298 = tpu.memref_slice %dma_wait3A_296[%mul3A_281, %dma_wait3A_297] : memref<768x1024xf32, #tpu.memory_space<hbm>> -> memref<4x1024xf32, #tpu.memory_space<hbm>>
      %dma_wait3A_299 = arith.constant 0 : i32
      %dma_wait3A_300 = arith.constant 0 : i32
      %dma_wait3A_301 = tpu.memref_slice %run_scoped3A_24[%rem3A_279, %dma_wait3A_299, %dma_wait3A_300] : memref<2x4x1024xf32, #tpu.memory_space<vmem>> -> memref<1x4x1024xf32, #tpu.memory_space<vmem>>
      %dma_wait3A_302 = tpu.memref_squeeze %dma_wait3A_301 : memref<1x4x1024xf32, #tpu.memory_space<vmem>> -> memref<4x1024xf32, #tpu.memory_space<vmem>>
      tpu.wait_dma2 semaphore(%dma_wait3A_292 : memref<!tpu.dma_semaphore, #tpu.memory_space<semaphore_mem>>) src(%dma_wait3A_302 : memref<4x1024xf32, #tpu.memory_space<vmem>>) dst(%dma_wait3A_298 : memref<4x1024xf32, #tpu.memory_space<hbm>>)
      %rem3A_303 = arith.constant 2 : i32
      %rem3A_304 = arith.remui %scan3A_241#13, %rem3A_303 : i32
      %mul3A_305 = arith.constant 4 : i32
      %mul3A_306 = arith.muli %mul3A_305, %add3A_250 : i32
      %dma_wait3A_307 = arith.constant 0 : i32
      %dma_wait3A_308 = arith.constant 0 : i32
      %dma_wait3A_309 = tpu.memref_slice %run_scoped3A_26[%rem3A_304, %dma_wait3A_307, %dma_wait3A_308] : memref<2x4x1024xf32, #tpu.memory_space<vmem>> -> memref<1x4x1024xf32, #tpu.memory_space<vmem>>
      %dma_wait3A_310 = tpu.memref_squeeze %dma_wait3A_309 : memref<1x4x1024xf32, #tpu.memory_space<vmem>> -> memref<4x1024xf32, #tpu.memory_space<vmem>>
      %dma_wait3A_311 = arith.constant 0 : i32
      %dma_wait3A_312 = arith.constant 0 : i32
      %dma_wait3A_313 = tpu.memref_slice %arg4[%dma_wait3A_311, %run_scoped3A_11, %dma_wait3A_312] : memref<768x4x1024xf32, #tpu.memory_space<hbm>> -> memref<768x1x1024xf32, #tpu.memory_space<hbm>>
      %dma_wait3A_314 = tpu.memref_squeeze %dma_wait3A_313 : memref<768x1x1024xf32, #tpu.memory_space<hbm>> -> memref<768x1024xf32, #tpu.memory_space<hbm>>
      %dma_wait3A_315 = arith.constant 0 : i32
      %dma_wait3A_316 = tpu.memref_slice %dma_wait3A_314[%mul3A_306, %dma_wait3A_315] : memref<768x1024xf32, #tpu.memory_space<hbm>> -> memref<4x1024xf32, #tpu.memory_space<hbm>>
      %dma_wait3A_317 = tpu.memref_slice %run_scoped3A_27[%rem3A_304] : memref<2x!tpu.dma_semaphore, #tpu.memory_space<semaphore_mem>> -> memref<1x!tpu.dma_semaphore, #tpu.memory_space<semaphore_mem>>
      %dma_wait3A_318 = tpu.memref_squeeze %dma_wait3A_317 : memref<1x!tpu.dma_semaphore, #tpu.memory_space<semaphore_mem>> -> memref<!tpu.dma_semaphore, #tpu.memory_space<semaphore_mem>>
      %dma_wait3A_319 = arith.constant 0 : i32
      %dma_wait3A_320 = arith.constant 0 : i32
      %dma_wait3A_321 = tpu.memref_slice %arg4[%dma_wait3A_319, %run_scoped3A_11, %dma_wait3A_320] : memref<768x4x1024xf32, #tpu.memory_space<hbm>> -> memref<768x1x1024xf32, #tpu.memory_space<hbm>>
      %dma_wait3A_322 = tpu.memref_squeeze %dma_wait3A_321 : memref<768x1x1024xf32, #tpu.memory_space<hbm>> -> memref<768x1024xf32, #tpu.memory_space<hbm>>
      %dma_wait3A_323 = arith.constant 0 : i32
      %dma_wait3A_324 = tpu.memref_slice %dma_wait3A_322[%mul3A_306, %dma_wait3A_323] : memref<768x1024xf32, #tpu.memory_space<hbm>> -> memref<4x1024xf32, #tpu.memory_space<hbm>>
      %dma_wait3A_325 = arith.constant 0 : i32
      %dma_wait3A_326 = arith.constant 0 : i32
      %dma_wait3A_327 = tpu.memref_slice %run_scoped3A_26[%rem3A_304, %dma_wait3A_325, %dma_wait3A_326] : memref<2x4x1024xf32, #tpu.memory_space<vmem>> -> memref<1x4x1024xf32, #tpu.memory_space<vmem>>
      %dma_wait3A_328 = tpu.memref_squeeze %dma_wait3A_327 : memref<1x4x1024xf32, #tpu.memory_space<vmem>> -> memref<4x1024xf32, #tpu.memory_space<vmem>>
      tpu.wait_dma2 semaphore(%dma_wait3A_318 : memref<!tpu.dma_semaphore, #tpu.memory_space<semaphore_mem>>) src(%dma_wait3A_328 : memref<4x1024xf32, #tpu.memory_space<vmem>>) dst(%dma_wait3A_324 : memref<4x1024xf32, #tpu.memory_space<hbm>>)
      %rem3A_329 = arith.constant 2 : i32
      %rem3A_330 = arith.remui %scan3A_241#15, %rem3A_329 : i32
      %mul3A_331 = arith.constant 4 : i32
      %mul3A_332 = arith.muli %mul3A_331, %add3A_250 : i32
      %dma_wait3A_333 = arith.constant 0 : i32
      %dma_wait3A_334 = arith.constant 0 : i32
      %dma_wait3A_335 = tpu.memref_slice %run_scoped3A_28[%rem3A_330, %dma_wait3A_333, %dma_wait3A_334] : memref<2x4x1024xf32, #tpu.memory_space<vmem>> -> memref<1x4x1024xf32, #tpu.memory_space<vmem>>
      %dma_wait3A_336 = tpu.memref_squeeze %dma_wait3A_335 : memref<1x4x1024xf32, #tpu.memory_space<vmem>> -> memref<4x1024xf32, #tpu.memory_space<vmem>>
      %dma_wait3A_337 = arith.constant 0 : i32
      %dma_wait3A_338 = arith.constant 0 : i32
      %dma_wait3A_339 = tpu.memref_slice %arg4[%dma_wait3A_337, %run_scoped3A_12, %dma_wait3A_338] : memref<768x4x1024xf32, #tpu.memory_space<hbm>> -> memref<768x1x1024xf32, #tpu.memory_space<hbm>>
      %dma_wait3A_340 = tpu.memref_squeeze %dma_wait3A_339 : memref<768x1x1024xf32, #tpu.memory_space<hbm>> -> memref<768x1024xf32, #tpu.memory_space<hbm>>
      %dma_wait3A_341 = arith.constant 0 : i32
      %dma_wait3A_342 = tpu.memref_slice %dma_wait3A_340[%mul3A_332, %dma_wait3A_341] : memref<768x1024xf32, #tpu.memory_space<hbm>> -> memref<4x1024xf32, #tpu.memory_space<hbm>>
      %dma_wait3A_343 = tpu.memref_slice %run_scoped3A_29[%rem3A_330] : memref<2x!tpu.dma_semaphore, #tpu.memory_space<semaphore_mem>> -> memref<1x!tpu.dma_semaphore, #tpu.memory_space<semaphore_mem>>
      %dma_wait3A_344 = tpu.memref_squeeze %dma_wait3A_343 : memref<1x!tpu.dma_semaphore, #tpu.memory_space<semaphore_mem>> -> memref<!tpu.dma_semaphore, #tpu.memory_space<semaphore_mem>>
      %dma_wait3A_345 = arith.constant 0 : i32
      %dma_wait3A_346 = arith.constant 0 : i32
      %dma_wait3A_347 = tpu.memref_slice %arg4[%dma_wait3A_345, %run_scoped3A_12, %dma_wait3A_346] : memref<768x4x1024xf32, #tpu.memory_space<hbm>> -> memref<768x1x1024xf32, #tpu.memory_space<hbm>>
      %dma_wait3A_348 = tpu.memref_squeeze %dma_wait3A_347 : memref<768x1x1024xf32, #tpu.memory_space<hbm>> -> memref<768x1024xf32, #tpu.memory_space<hbm>>
      %dma_wait3A_349 = arith.constant 0 : i32
      %dma_wait3A_350 = tpu.memref_slice %dma_wait3A_348[%mul3A_332, %dma_wait3A_349] : memref<768x1024xf32, #tpu.memory_space<hbm>> -> memref<4x1024xf32, #tpu.memory_space<hbm>>
      %dma_wait3A_351 = arith.constant 0 : i32
      %dma_wait3A_352 = arith.constant 0 : i32
      %dma_wait3A_353 = tpu.memref_slice %run_scoped3A_28[%rem3A_330, %dma_wait3A_351, %dma_wait3A_352] : memref<2x4x1024xf32, #tpu.memory_space<vmem>> -> memref<1x4x1024xf32, #tpu.memory_space<vmem>>
      %dma_wait3A_354 = tpu.memref_squeeze %dma_wait3A_353 : memref<1x4x1024xf32, #tpu.memory_space<vmem>> -> memref<4x1024xf32, #tpu.memory_space<vmem>>
      tpu.wait_dma2 semaphore(%dma_wait3A_344 : memref<!tpu.dma_semaphore, #tpu.memory_space<semaphore_mem>>) src(%dma_wait3A_354 : memref<4x1024xf32, #tpu.memory_space<vmem>>) dst(%dma_wait3A_350 : memref<4x1024xf32, #tpu.memory_space<hbm>>)
      %rem3A_355 = arith.constant 2 : i32
      %rem3A_356 = arith.remui %scan3A_241#17, %rem3A_355 : i32
      %mul3A_357 = arith.constant 4 : i32
      %mul3A_358 = arith.muli %mul3A_357, %add3A_250 : i32
      %dma_wait3A_359 = arith.constant 0 : i32
      %dma_wait3A_360 = arith.constant 0 : i32
      %dma_wait3A_361 = tpu.memref_slice %run_scoped3A_30[%rem3A_356, %dma_wait3A_359, %dma_wait3A_360] : memref<2x4x1024xf32, #tpu.memory_space<vmem>> -> memref<1x4x1024xf32, #tpu.memory_space<vmem>>
      %dma_wait3A_362 = tpu.memref_squeeze %dma_wait3A_361 : memref<1x4x1024xf32, #tpu.memory_space<vmem>> -> memref<4x1024xf32, #tpu.memory_space<vmem>>
      %dma_wait3A_363 = arith.constant 0 : i32
      %dma_wait3A_364 = arith.constant 0 : i32
      %dma_wait3A_365 = tpu.memref_slice %arg4[%dma_wait3A_363, %run_scoped3A_13, %dma_wait3A_364] : memref<768x4x1024xf32, #tpu.memory_space<hbm>> -> memref<768x1x1024xf32, #tpu.memory_space<hbm>>
      %dma_wait3A_366 = tpu.memref_squeeze %dma_wait3A_365 : memref<768x1x1024xf32, #tpu.memory_space<hbm>> -> memref<768x1024xf32, #tpu.memory_space<hbm>>
      %dma_wait3A_367 = arith.constant 0 : i32
      %dma_wait3A_368 = tpu.memref_slice %dma_wait3A_366[%mul3A_358, %dma_wait3A_367] : memref<768x1024xf32, #tpu.memory_space<hbm>> -> memref<4x1024xf32, #tpu.memory_space<hbm>>
      %dma_wait3A_369 = tpu.memref_slice %run_scoped3A_31[%rem3A_356] : memref<2x!tpu.dma_semaphore, #tpu.memory_space<semaphore_mem>> -> memref<1x!tpu.dma_semaphore, #tpu.memory_space<semaphore_mem>>
      %dma_wait3A_370 = tpu.memref_squeeze %dma_wait3A_369 : memref<1x!tpu.dma_semaphore, #tpu.memory_space<semaphore_mem>> -> memref<!tpu.dma_semaphore, #tpu.memory_space<semaphore_mem>>
      %dma_wait3A_371 = arith.constant 0 : i32
      %dma_wait3A_372 = arith.constant 0 : i32
      %dma_wait3A_373 = tpu.memref_slice %arg4[%dma_wait3A_371, %run_scoped3A_13, %dma_wait3A_372] : memref<768x4x1024xf32, #tpu.memory_space<hbm>> -> memref<768x1x1024xf32, #tpu.memory_space<hbm>>
      %dma_wait3A_374 = tpu.memref_squeeze %dma_wait3A_373 : memref<768x1x1024xf32, #tpu.memory_space<hbm>> -> memref<768x1024xf32, #tpu.memory_space<hbm>>
      %dma_wait3A_375 = arith.constant 0 : i32
      %dma_wait3A_376 = tpu.memref_slice %dma_wait3A_374[%mul3A_358, %dma_wait3A_375] : memref<768x1024xf32, #tpu.memory_space<hbm>> -> memref<4x1024xf32, #tpu.memory_space<hbm>>
      %dma_wait3A_377 = arith.constant 0 : i32
      %dma_wait3A_378 = arith.constant 0 : i32
      %dma_wait3A_379 = tpu.memref_slice %run_scoped3A_30[%rem3A_356, %dma_wait3A_377, %dma_wait3A_378] : memref<2x4x1024xf32, #tpu.memory_space<vmem>> -> memref<1x4x1024xf32, #tpu.memory_space<vmem>>
      %dma_wait3A_380 = tpu.memref_squeeze %dma_wait3A_379 : memref<1x4x1024xf32, #tpu.memory_space<vmem>> -> memref<4x1024xf32, #tpu.memory_space<vmem>>
      tpu.wait_dma2 semaphore(%dma_wait3A_370 : memref<!tpu.dma_semaphore, #tpu.memory_space<semaphore_mem>>) src(%dma_wait3A_380 : memref<4x1024xf32, #tpu.memory_space<vmem>>) dst(%dma_wait3A_376 : memref<4x1024xf32, #tpu.memory_space<hbm>>)
      "tpu.trace_stop"() : () -> ()
      tpu.yield
    }) : () -> ()
    return
  }
}

module attributes {stable_mosaic.version = 14 : i64} {
  func.func @_tc_add_body(%arg0: i32, %arg1: i32, %arg2: memref<832x4x512xf32, #tpu.memory_space<vmem>>, %arg3: memref<832x512xf32, #tpu.memory_space<vmem>>, %arg4: memref<832x4x512xf32, #tpu.memory_space<vmem>>) attributes {dimension_semantics = [#tpu.dimension_semantics<arbitrary>, #tpu.dimension_semantics<arbitrary>], iteration_bounds = array<i64: 4, 2>, scalar_prefetch = 0 : i64, scratch_operands = 0 : i64, tpu.core_type = #tpu.core_type<tc>, window_params = [{transform_indices = @transform_0, window_bounds = array<i64: 832, 4, 512>}, {transform_indices = @transform_1, window_bounds = array<i64: 832, 512>}, {transform_indices = @transform_2, window_bounds = array<i64: 832, 4, 512>}]} {
    %get3A = arith.constant 0 : index
    %get3A_0 = arith.constant 0 : index
    %get3A_1 = arith.constant 0 : index
    %get3A_2 = vector.load %arg2[%get3A, %get3A_0, %get3A_1] : memref<832x4x512xf32, #tpu.memory_space<vmem>>, vector<832x4x512xf32>
    %get3A_3 = arith.constant 0 : index
    %get3A_4 = arith.constant 0 : index
    %get3A_5 = vector.load %arg3[%get3A_3, %get3A_4] : memref<832x512xf32, #tpu.memory_space<vmem>>, vector<832x512xf32>
    %broadcast_in_dim3A = vector.shape_cast %get3A_5 : vector<832x512xf32> to vector<832x1x512xf32>
    %add3A = vector.broadcast %broadcast_in_dim3A : vector<832x1x512xf32> to vector<832x4x512xf32>
    %add3A_6 = arith.addf %get3A_2, %add3A : vector<832x4x512xf32>
    %swap3A = arith.constant 0 : index
    %swap3A_7 = arith.constant 0 : index
    %swap3A_8 = arith.constant 0 : index
    %swap3A_9 = vector.load %arg4[%swap3A, %swap3A_7, %swap3A_8] : memref<832x4x512xf32, #tpu.memory_space<vmem>>, vector<832x4x512xf32>
    tpu.vector_store %arg4[%swap3A, %swap3A_7, %swap3A_8], %add3A_6 {strides = array<i32>} : memref<832x4x512xf32, #tpu.memory_space<vmem>>, vector<832x4x512xf32>,
    return
  }
  func.func @transform_0(%arg0: i32, %arg1: i32) -> (i32, i32, i32) {
    %c0_i32 = arith.constant 0 : i32
    %c0_i32_0 = arith.constant 0 : i32
    return %arg0, %c0_i32, %arg1 : i32, i32, i32
  }
  func.func @transform_1(%arg0: i32, %arg1: i32) -> (i32, i32) {
    %c0_i32 = arith.constant 0 : i32
    return %arg0, %arg1 : i32, i32
  }
  func.func @transform_2(%arg0: i32, %arg1: i32) -> (i32, i32, i32) {
    %c0_i32 = arith.constant 0 : i32
    %c0_i32_0 = arith.constant 0 : i32
    return %arg0, %c0_i32, %arg1 : i32, i32, i32
  }
}

</mosaic_0001>

<sc_bundles>
// kernel: kernel.4.cloned.1.call-start
scs
__scs_entry_jumppad:
0x0: {  	(pc) =	sbr.rel $0x88, $3  }
0x1: {  	(tag) =	ssettag $0x0;
	lr =	simm.s32 $0x1  }
0x2: {  	[smem:$0x3F9F] =	sst lr;
	_ =	strace $0xD0000000  }
0x3: {  	_ = 	snop  }
0x4: {  	_ = 	snop  }
0x5: {  	_ = 	snop  }
0x6: {  	_ = 	snop  }
0x7: {  	_ = 	snop  }
__scs_overlays_trampoline_lowered:
0x8: {  	[smem:$0x3FAE] =	sst s0  }
0x9: {  	[smem:$0x3FAF] =	sst s1  }
0xa: {  	[smem:$0x3FB0] =	sst s2  }
0xb: {  	[smem:$0x3FB1] =	sst s3  }
0xc: {  	[smem:$0x3FB2] =	sst s4  }
0xd: {  	[smem:$0x3FB3] =	sst s5  }
0xe: {  	[smem:$0x3FB4] =	sst s6  }
0xf: {  	[smem:$0x3FB5] =	sst s7  }
0x10: {  	[smem:$0x3FB6] =	sst s8  }
0x11: {  	[smem:$0x3FB7] =	sst s9;
	s0 =	simm.s32 @!p0 $0x0  }
0x12: {  	s1 =	sld [smem:$0x3F9D];
	s0 =	simm.s32 @p0 $0x1  }
0x13: {  	[smem:$0x3FB8] =	sst s0;
	s0 =	simm.s32 @!p1 $0x0  }
0x14: {  	s2 =	sld [smem:$0x3F9C];
	s0 =	simm.s32 @p1 $0x1  }
0x15: {  	[smem:$0x3FB9] =	sst s0;
	s0 =	simm.s32 @!p2 $0x0  }
0x16: {  	s3 =	sld [smem:$0x3FDB];
	s0 =	simm.s32 @p2 $0x1  }
0x17: {  	s4 =	simm.s32 $0x1BF5;
	[smem:$0x3FBB] =	sst s0  }
0x18: {  	s0 =	sld [smem:$0x3F9E];
	_ =	swait.ge [sflag:s4], $0x0  }
0x19: {  	s7 =	sld [smem:$0x3F9F]  }
0x1a: {  	s8 =	sadd.s32 $0xFFFFE003, lr  }
0x1b: {  	s9 =	sadd.s32 $0xFFFFFEF7, lr;
	s5 =	simm.s32 $0xFFFFFFFF;
	p2 =	slt.u32 s8, $0xFFFFF086  }
0x1c: {  	p1 =	slt.u32 s9, $0xF7A;
	s5 =	simm.s32 @!p2 $0x0  }
0x1d: {  	s5 =	simm.s32 @p1 $0x1;
	p0 =	seq.s32 s7, s2  }
0x1e: {  	s7 =	smul.u32 @!p0 $0xF7A, s2;
	p2 =	seq.s32 @!p0 s5, $0x0  }
0x1f: {  	s9 =	smul.u32 $0xF7A, s1;
	s8 =	simm.s32 @!p0 $0x1BF5;
	p2 =	por !p2, p0  }
0x20: {  	[sflag:s8] =	ssyncset.s32 @!p0 $0xFFFFF086;
	s6 =	sadd.s32 @!p0 s3, s7;
	s7 =	simm.s32 @!p0 $0x108  }
0x21: {  	s3 =	sadd.s32 s3, s9;
	s6 =	sadd.s32 @!p0 $0x88, s6;
	s7 =	simm.s32 @p2 $0x1082  }
0x22: {  	[simem:s7], [sflag:s8] =	dma.local @!p0 [hbm:s6], $0xF7A  }
0x23: {  	s9 =	sor.u32 $0xD0000000, s2;
	s6 =	simm.s32 $0x108;
	_ =	swait.ge @!p0 [sflag:s8], $0x0  }
0x24: {  	s3 =	sadd.s32 $0x88, s3;
	s6 =	simm.s32 @!p1 $0x1082;
	[sflag:s4] =	ssyncset.s32 $0xFFFFF086  }
0x25: {  	[simem:s6], [sflag:s4] =	dma.local [hbm:s3], $0xF7A  }
0x26: {  	[smem:$0x3F9F] =	sst s1;
	(tag) =	ssettag s2;
	_ =	strace s9  }
0x27: {  	s1 =	sld [smem:$0x3FAF]  }
0x28: {  	s2 =	sld [smem:$0x3FB0]  }
0x29: {  	s4 =	sld [smem:$0x3FB2]  }
0x2a: {  	p0 =	seq.s32 s5, $0x0;
	s5 =	sld [smem:$0x3FB3]  }
0x2b: {  	s6 =	sld [smem:$0x3FB4]  }
0x2c: {  	s7 =	sld [smem:$0x3FB5]  }
0x2d: {  	s3 =	simm.s32 $0x108;
	s8 =	sld [smem:$0x3FB6]  }
0x2e: {  	s3 =	simm.s32 @!p0 $0x1082;
	s9 =	sld [smem:$0x3FB7]  }
0x2f: {  	lr =	sadd.s32 s0, s3;
	s0 =	sld [smem:$0x3FAE]  }
0x30: {  	s3 =	sld [smem:$0x3FB1]  }
0x31: {  	[smem:$0x3FBA] =	sst s10  }
0x32: {  	s10 =	sld [smem:$0x3FB8];
	_ =	sdelay $0x3  }
0x33: {  	p0 =	seq.s32 s10, $0x1;
	s10 =	sld [smem:$0x3FBA];
	_ =	sdelay $0x3  }
0x34: {  	[smem:$0x3FBA] =	sst s10  }
0x35: {  	s10 =	sld [smem:$0x3FB9];
	_ =	sdelay $0x3  }
0x36: {  	p1 =	seq.s32 s10, $0x1;
	s10 =	sld [smem:$0x3FBA];
	_ =	sdelay $0x3  }
0x37: {  	[smem:$0x3FBA] =	sst s10  }
0x38: {  	s10 =	sld [smem:$0x3FBB]  }
0x39: {  	_ = 	snop;
	(pc) =	sbr.ind lr, $3  }
0x3a: {  	_ = 	snop  }
0x3b: {  	_ = 	snop  }
0x3c: {  	p2 =	seq.s32 s10, $0x1;
	s10 =	sld [smem:$0x3FBA]  }
0x3d: {  	_ =	shalt  }
0x3e: {  	_ =	shalt  }
0x3f: {  	_ =	shalt  }
0x40: {  	_ =	shalt  }
0x41: {  	_ =	shalt  }
0x42: {  	_ =	shalt  }
0x43: {  	_ =	shalt  }
0x44: {  	_ =	shalt  }
0x45: {  	_ =	shalt  }
0x46: {  	_ =	shalt  }
0x47: {  	_ =	shalt  }
0x48: {  	_ =	shalt  }
0x49: {  	_ =	shalt  }
0x4a: {  	_ =	shalt  }
0x4b: {  	_ =	shalt  }
0x4c: {  	_ =	shalt  }
0x4d: {  	_ =	shalt  }
0x4e: {  	_ =	shalt  }
0x4f: {  	_ =	shalt  }
0x50: {  	_ =	shalt  }
0x51: {  	_ =	shalt  }
0x52: {  	_ =	shalt  }
0x53: {  	_ =	shalt  }
0x54: {  	_ =	shalt  }
0x55: {  	_ =	shalt  }
0x56: {  	_ =	shalt  }
0x57: {  	_ =	shalt  }
0x58: {  	_ =	shalt  }
0x59: {  	_ =	shalt  }
0x5a: {  	_ =	shalt  }
0x5b: {  	_ =	shalt  }
0x5c: {  	_ =	shalt  }
0x5d: {  	_ =	shalt  }
0x5e: {  	_ =	shalt  }
0x5f: {  	_ =	shalt  }
0x60: {  	_ =	shalt  }
0x61: {  	_ =	shalt  }
0x62: {  	_ =	shalt  }
0x63: {  	_ =	shalt  }
0x64: {  	_ =	shalt  }
0x65: {  	_ =	shalt  }
0x66: {  	_ =	shalt  }
0x67: {  	_ =	shalt  }
0x68: {  	_ =	shalt  }
0x69: {  	_ =	shalt  }
0x6a: {  	_ =	shalt  }
0x6b: {  	_ =	shalt  }
0x6c: {  	_ =	shalt  }
0x6d: {  	_ =	shalt  }
0x6e: {  	_ =	shalt  }
0x6f: {  	_ =	shalt  }
0x70: {  	_ =	shalt  }
0x71: {  	_ =	shalt  }
0x72: {  	_ =	shalt  }
0x73: {  	_ =	shalt  }
0x74: {  	_ =	shalt  }
0x75: {  	_ =	shalt  }
0x76: {  	_ =	shalt  }
0x77: {  	_ =	shalt  }
0x78: {  	_ =	shalt  }
0x79: {  	_ =	shalt  }
0x7a: {  	_ =	shalt  }
0x7b: {  	_ =	shalt  }
0x7c: {  	_ =	shalt  }
0x7d: {  	_ =	shalt  }
0x7e: {  	_ =	shalt  }
0x7f: {  	_ =	shalt  }
0x80: {  	_ =	shalt  }
0x81: {  	_ =	shalt  }
0x82: {  	_ =	shalt  }
0x83: {  	_ =	shalt  }
0x84: {  	_ =	shalt  }
0x85: {  	_ =	shalt  }
0x86: {  	_ =	shalt  }
0x87: {  	_ =	shalt  }
.Lfunc_end0:
.L_simem_size_0:
called_computation_lowered:
.L_overlay_start_0:
0x88: {  	s2 =	sld [smem:$0x3FD9]  }
0x89: {  	s3 =	sld [smem:$0x3FFE];
	_ =	sdelay $0x1  }
0x8a: {  	s1 =	srdreg.scid  }
0x8b: {  	s0 =	sand.u32 $0x1, s1  }
0x8c: {  	s17 =	sshll.u32 s0, $0xA;
	s2 =	sadd.s32 s3, s2  }
0x8d: {  	s2 =	sadd.s32 s2, s17  }
0x8e: {  	[smem:$0x3FC6] =	sst s2  }
0x8f: {  	_ = 	snop  }
0x90: {  	s2 =	sld [smem:$0x3FC9]  }
0x91: {  	s18 =	sld [smem:$0x3FC8];
	(tm) =	ssettm $0x1  }
0x92: {  	s4 =	sld [smem:$0x3FFB];
	_ =	sdelay $0x3  }
0x93: {  	_ =	strace s4  }
0x94: {  	s4 =	sld [smem:$0x3FFC];
	_ =	sdelay $0x3  }
0x95: {  	_ =	strace s4  }
0x96: {  	s4 =	sld [smem:$0x3FFD];
	_ =	sdelay $0x3  }
0x97: {  	_ =	strace s4  }
0x98: {  	_ =	strace $0x8FFFFFFF  }
0x99: {  	s19 =	sld [smem:$0x3FDB];
	_ =	sdelay $0x1  }
0x9a: {  	s5 =	simm.s32 $_scs_section_size  }
0x9b: {  	s6 =	simm.s32 $_size__tile_overlayer_lowered;
	s7 =	simm.s32 $_tile_overlayer_lowered  }
0x9c: {  	s22 =	simm.s32 $0x1BFF;
	s21 =	sshll.u32 s7, $0x1;
	s4 =	sadd.s32 s5, s19  }
0x9d: {  	s8 =	simm.s32 $0x0;
	s20 =	sshll.u32 s6, $0x1;
	s6 =	sadd.s32 s21, s4  }
0x9e: {  	[timem:s8], [sflag:s22] =	dma.local [hbm:s6], s20  }
0x9f: {  	_ =	swait.ge [sflag:s22], s20  }
0xa0: {  	s5 =	ssub.s32 $0x0, s20;
	[sflag:s22] =	ssyncset.done $0x0  }
0xa1: {  	[sflag:s22] =	ssyncadd.s32 s5;
	_ =	sdelay $0x1  }
0xa2: {  	s23 =	simm.s32 $0x1B8B  }
0xa3: {  	_ =	swait.ge [sflag:s23], $0x1  }
0xa4: {  	[sflag:s23] =	ssyncset.done $0x0  }
0xa5: {  	s25 =	simm.s32 $0x1B8E;
	s24 =	sld [smem:$0x3FFE];
	[sflag:s23] =	ssyncadd.s32 $0xFFFFFFFF  }
0xa6: {  	s26 =	simm.s32 $execute0_lowered;
	[smem:$0x3FD2] =	sst s25  }
0xa7: {  	s6 =	sshll.u32 s26, $0x1;
	_ =	strace $0x80000046;
	[dreg:$0x1] =	wrdreg $0xFFFFFFFF  }
0xa8: {  	s28 =	simm.s32 $_size_execute0_lowered;
	s4 =	sadd.s32 s4, s6;
	[dreg:$0x0] =	wrdreg $0x0  }
0xa9: {  	s6 =	sshll.u32 s28, $0x1;
	[dreg:$0x2] =	wrdreg s4  }
0xaa: {  	[dreg:$0x3] =	wrdreg s6  }
0xab: {  	[dreg:$0x4] =	wrdreg $0xC0  }
0xac: {  	_ =	task [dreg:s8], $0x5FFFF  }
0xad: {  	[dreg:$0x1] =	wrdreg $0xFFFFFFFF  }
0xae: {  	[dreg:$0x0] =	wrdreg $0x60  }
0xaf: {  	[dreg:$0x2] =	wrdreg s2  }
0xb0: {  	[dreg:$0x3] =	wrdreg s18  }
0xb1: {  	[dreg:$0x4] =	wrdreg s24  }
0xb2: {  	[dreg:$0x5] =	wrdreg $0x9  }
0xb3: {  	_ =	task.clear_ibuf [dreg:s8], $0x6FFFF;
	_ =	strace $0x90000046  }
0xb4: {  	s29 =	simm.s32 $0x9;
	_ =	strace $0x8000005D  }
0xb5: {  	_ =	swait.ge [sflag:s29], $0x1  }
0xb6: {  	[sflag:s29] =	ssyncadd.s32 $0xFFFFFFFF  }
0xb7: {  	_ =	strace $0x9000005D  }
0xb8: {  	_ =	sfence  }
0xb9: {  	s30 =	sld [smem:$0x0];
	_ =	sdelay $0x2  }
0xba: {  	s31 =	sshll.u32 s1, $0xD;
	s1 =	sshrl.u32 s1, $0x2  }
0xbb: {  	s3 =	sand.u32 $0x4000, s31;
	s1 =	sadd.s32 s1, s30  }
0xbc: {  	s0 =	sor.u32 s3, s0;
	s1 =	sshll.u32 s1, $0x11  }
0xbd: {  	s0 =	sor.u32 s1, s0  }
0xbe: {  	s0 =	sadd.s32 $0x8F2B, s0  }
0xbf: {  	[sflag:s0] =	ssyncadd.remote.s32 $0x1  }
0xc0: {  	_ =	sfence.sel $0xFFFF  }
0xc1: {  	[dreg:$0x0] =	wrdreg $0xFFFFFFFF;
	(pc) =	sbr.abs _section_cstart, $3  }
0xc2: {  	[dreg:$0x1] =	wrdreg $0xFFFFFFFF  }
0xc3: {  	_ =	task.clear_ibuf [dreg:s8], $0x2FFFF;
	_ =	strace $0x9FFFFFFF  }
0xc4: {  	(tm) =	ssettm $0x7FFFFFFF  }
0xc5: {  	_ =	shalt  }
tec
execute0_lowered:
.L_overlay_start_1:
0x0: {  	(tag) =	ssettag $0x1  }
0x1: {  	s5 =	rddreg [dreg:$0x0]  }
0x2: {  	s0 =	srdreg.scid;
	s6 =	rddreg [dreg:$0x1]  }
0x3: {  	s3 =	stileid.u32;
	s2 =	rddreg [dreg:$0x2];
	s4 =	simm.s32 $0x0  }
0x4: {  	s0 =	sand.u32 $0x1, s0;
	[smem:$0x7FF] =	sst s4;
	s17 =	sadd.s32 $0x400, s2  }
0x5: {  	s20 =	sadd.s32 $0x10, s5;
	_ =	strace $0x80000047;
	[dreg:$0x4] =	wrdreg s17  }
0x6: {  	s21 =	sadd.s32 $0x20, s5;
	s23 =	sadd.s32 $0x30, s5;
	[dreg:$0x8] =	wrdreg s20  }
0x7: {  	s25 =	sadd.s32 $0x410, s2;
	s26 =	sadd.s32 $0x420, s2;
	[dreg:$0x9] =	wrdreg s21  }
0x8: {  	s28 =	sadd.s32 $0x430, s2;
	s1 =	sshll.u32 s0, $0x4;
	[dreg:$0xa] =	wrdreg s23  }
0x9: {  	s0 =	ssub.s32 $0x2, s0;
	[dreg:$0xd] =	wrdreg s25;
	s1 =	sor.u32 s3, s1  }
0xa: {  	[dreg:$0xe] =	wrdreg s26;
	s18 =	sshrl.u32 s0, $0x1;
	s19 =	smul.u32 $0x6, s1  }
0xb: {  	[dreg:$0xf] =	wrdreg s28;
	s3 =	smul.u32 $0x18, s1;
	s0 =	ssub.s32 s0, s18  }
0xc: {  	s0 =	smax.u32 s0, $0x1;
	[dreg:$0x6] =	wrdreg s19  }
0xd: {  	s3 =	sadd.s32 $0xD00, s3;
	s24 =	sadd.s32 $0x340, s19;
	[dreg:$0x10] =	wrdreg s0  }
0xe: {  	s7 =	sshll.u32 s3, $0x9;
	s22 =	sshll.u32 s3, $0x7;
	[dreg:$0xc] =	wrdreg s24  }
0xf: {  	[dreg:$0x5] =	wrdreg s7;
	s1 =	sadd.s32 s6, s22  }
.Ltmp0:
0x10: {  	s7 =	sadd.s32 s5, s7;
	[dreg:$0xb] =	wrdreg s1;
	(pc) =	sbr.rel .LBB2_1-.Ltmp0, $4  }
0x11: {  	s29 =	sadd.s32 $0x40, s7;
	[dreg:$0x7] =	wrdreg s7  }
0x12: {  	s30 =	sadd.s32 $0x80, s7;
	[dreg:$0x11] =	wrdreg s29  }
0x13: {  	s18 =	simm.s32 $0x80;
	s31 =	sadd.s32 $0xC0, s7;
	[dreg:$0x12] =	wrdreg s30  }
0x14: {  	s19 =	simm.s32 $0x1000;
	s1 =	simm.s32 $0x0;
	[dreg:$0x13] =	wrdreg s31  }
.LBB2_41:
0x15: {  	s0 =	sand.u32 $0x1, s10  }
0x16: {  	_ =	strace $0x8000005C;
	s0 =	sadd.s32 $0xB, s0  }
0x17: {  	_ =	swait.ge [sflag:s0], $0x1000  }
0x18: {  	s1 =	sand.u32 $0x1, s7;
	[sflag:s0] =	ssyncset.done $0x0  }
0x19: {  	s24 =	sadd.s32 $0xD, s1;
	[sflag:s0] =	ssyncadd.s32 $0xFFFFF000  }
0x1a: {  	_ =	swait.ge [sflag:s24], $0x1000  }
0x1b: {  	s25 =	sand.u32 $0x1, s3;
	[sflag:s24] =	ssyncset.done $0x0  }
0x1c: {  	s26 =	sadd.s32 $0xF, s25;
	[sflag:s24] =	ssyncadd.s32 $0xFFFFF000  }
0x1d: {  	_ =	swait.ge [sflag:s26], $0x1000  }
0x1e: {  	s28 =	sand.u32 $0x1, s31;
	[sflag:s26] =	ssyncset.done $0x0  }
0x1f: {  	s29 =	sadd.s32 $0x11, s28;
	[sflag:s26] =	ssyncadd.s32 $0xFFFFF000  }
0x20: {  	_ =	swait.ge [sflag:s29], $0x1000  }
0x21: {  	s30 =	rddreg [dreg:$0x14]  }
0x22: {  	s31 =	rddreg [dreg:$0x10];
	s1 =	sadd.s32 $0x1, s30  }
0x23: {  	p0 =	sne.s32 s1, s31  }
.Ltmp1:
0x24: {  	_ = 	snop;
	(pc) =	sbr.rel @!p0 .LBB2_42-.Ltmp1, $4  }
0x25: {  	_ = 	snop  }
0x26: {  	[sflag:s29] =	ssyncset.done $0x0  }
0x27: {  	[sflag:s29] =	ssyncadd.s32 $0xFFFFF000  }
0x28: {  	_ =	strace $0x9000005C  }
.LBB2_1:
0x29: {  	[dreg:$0x14] =	wrdreg s1  }
0x2a: {  	_ =	strace $0x80000048  }
0x2b: {  	s0 =	simm.s32 $0x0;
	s7 =	rddreg [dreg:$0x7]  }
0x2c: {  	[tilespmem:s0], [sflag:$0x1] =	stream.strided.gather [hbm4b:s7+s18], $0x200, s19, s18, $0x200038;
	[tilespmem:$0x12000] =	vst v63  }
0x2d: {  	s3 =	simm.s32 $0x200;
	s8 =	rddreg [dreg:$0x11]  }
0x2e: {  	[tilespmem:s3], [sflag:$0x1] =	stream.strided.gather [hbm4b:s8+s18], $0x200, s19, s18, $0x200038;
	[tilespmem:$0x12000] =	vst v63  }
0x2f: {  	s4 =	simm.s32 $0x400;
	s9 =	rddreg [dreg:$0x12]  }
0x30: {  	[tilespmem:s4], [sflag:$0x1] =	stream.strided.gather [hbm4b:s9+s18], $0x200, s19, s18, $0x200038;
	[tilespmem:$0x12000] =	vst v63  }
0x31: {  	s2 =	simm.s32 $0x600;
	s10 =	rddreg [dreg:$0x13]  }
0x32: {  	[tilespmem:s2], [sflag:$0x1] =	stream.strided.gather [hbm4b:s10+s18], $0x200, s19, s18, $0x200038;
	[tilespmem:$0x12000] =	vst v63  }
0x33: {  	s12 =	simm.s32 $0x800;
	s11 =	sadd.s32 $0x100, s7  }
0x34: {  	[tilespmem:s12], [sflag:$0x1] =	stream.strided.gather [hbm4b:s11+s18], $0x200, s19, s18, $0x200038;
	[tilespmem:$0x12000] =	vst v63  }
0x35: {  	s14 =	simm.s32 $0xA00;
	s13 =	sadd.s32 $0x140, s7  }
0x36: {  	[tilespmem:s14], [sflag:$0x1] =	stream.strided.gather [hbm4b:s13+s18], $0x200, s19, s18, $0x200038;
	[tilespmem:$0x12000] =	vst v63  }
0x37: {  	s16 =	simm.s32 $0xC00;
	s21 =	rddreg [dreg:$0x8];
	s15 =	sadd.s32 $0x180, s7  }
0x38: {  	[tilespmem:s16], [sflag:$0x1] =	stream.strided.gather [hbm4b:s15+s18], $0x200, s19, s18, $0x200038;
	[tilespmem:$0x12000] =	vst v63  }
0x39: {  	s20 =	simm.s32 $0xE00;
	s17 =	sadd.s32 $0x1C0, s7;
	s2 =	rddreg [dreg:$0x5]  }
0x3a: {  	[tilespmem:s20], [sflag:$0x1] =	stream.strided.gather [hbm4b:s17+s18], $0x200, s19, s18, $0x200038;
	[tilespmem:$0x12000] =	vst v63  }
0x3b: {  	s22 =	simm.s32 $0x2000;
	s0 =	sadd.s32 s2, s21  }
0x3c: {  	[tilespmem:s22], [sflag:$0x3] =	stream.strided.gather [hbm4b:s0+s18], $0x200, s19, s18, $0x200038;
	[tilespmem:$0x12000] =	vst v63  }
0x3d: {  	s5 =	simm.s32 $0x2200;
	s23 =	sadd.s32 $0x40, s0  }
0x3e: {  	[tilespmem:s5], [sflag:$0x3] =	stream.strided.gather [hbm4b:s23+s18], $0x200, s19, s18, $0x200038;
	[tilespmem:$0x12000] =	vst v63  }
0x3f: {  	s25 =	simm.s32 $0x2400;
	s24 =	sadd.s32 $0x80, s0  }
0x40: {  	[tilespmem:s25], [sflag:$0x3] =	stream.strided.gather [hbm4b:s24+s18], $0x200, s19, s18, $0x200038;
	[tilespmem:$0x12000] =	vst v63  }
0x41: {  	s30 =	simm.s32 $0x2600;
	s26 =	sadd.s32 $0xC0, s0  }
0x42: {  	[tilespmem:s30], [sflag:$0x3] =	stream.strided.gather [hbm4b:s26+s18], $0x200, s19, s18, $0x200038;
	[tilespmem:$0x12000] =	vst v63  }
0x43: {  	s6 =	simm.s32 $0x2800;
	s5 =	sadd.s32 $0x100, s0  }
0x44: {  	[tilespmem:s6], [sflag:$0x3] =	stream.strided.gather [hbm4b:s5+s18], $0x200, s19, s18, $0x200038;
	[tilespmem:$0x12000] =	vst v63  }
0x45: {  	s8 =	simm.s32 $0x2A00;
	s7 =	sadd.s32 $0x140, s0  }
0x46: {  	[tilespmem:s8], [sflag:$0x3] =	stream.strided.gather [hbm4b:s7+s18], $0x200, s19, s18, $0x200038;
	[tilespmem:$0x12000] =	vst v63  }
0x47: {  	s10 =	simm.s32 $0x2C00;
	s9 =	sadd.s32 $0x180, s0  }
0x48: {  	[tilespmem:s10], [sflag:$0x3] =	stream.strided.gather [hbm4b:s9+s18], $0x200, s19, s18, $0x200038;
	[tilespmem:$0x12000] =	vst v63  }
0x49: {  	s11 =	simm.s32 $0x2E00;
	s12 =	rddreg [dreg:$0x9];
	s0 =	sadd.s32 $0x1C0, s0  }
0x4a: {  	[tilespmem:s11], [sflag:$0x3] =	stream.strided.gather [hbm4b:s0+s18], $0x200, s19, s18, $0x200038;
	[tilespmem:$0x12000] =	vst v63  }
0x4b: {  	s31 =	simm.s32 $0x0;
	s13 =	simm.s32 $0x4000;
	s0 =	sadd.s32 s2, s12  }
0x4c: {  	[tilespmem:s13], [sflag:$0x5] =	stream.strided.gather [hbm4b:s0+s18], $0x200, s19, s18, $0x200038;
	[tilespmem:$0x12000] =	vst v63  }
0x4d: {  	s28 =	simm.s32 $0x0;
	s15 =	simm.s32 $0x4200;
	s14 =	sadd.s32 $0x40, s0  }
0x4e: {  	[tilespmem:s15], [sflag:$0x5] =	stream.strided.gather [hbm4b:s14+s18], $0x200, s19, s18, $0x200038;
	[tilespmem:$0x12000] =	vst v63  }
0x4f: {  	s29 =	simm.s32 $0x0;
	s17 =	simm.s32 $0x4400;
	s16 =	sadd.s32 $0x80, s0  }
0x50: {  	[tilespmem:s17], [sflag:$0x5] =	stream.strided.gather [hbm4b:s16+s18], $0x200, s19, s18, $0x200038;
	[tilespmem:$0x12000] =	vst v63  }
0x51: {  	s1 =	simm.s32 $0x0;
	s21 =	simm.s32 $0x4600;
	s20 =	sadd.s32 $0xC0, s0  }
0x52: {  	[tilespmem:s21], [sflag:$0x5] =	stream.strided.gather [hbm4b:s20+s18], $0x200, s19, s18, $0x200038;
	[tilespmem:$0x12000] =	vst v63  }
0x53: {  	s23 =	simm.s32 $0x4800;
	s25 =	simm.s32 $0x4A00;
	s22 =	sadd.s32 $0x100, s0  }
0x54: {  	[tilespmem:s23], [sflag:$0x5] =	stream.strided.gather [hbm4b:s22+s18], $0x200, s19, s18, $0x200038;
	[tilespmem:$0x12000] =	vst v63  }
0x55: {  	s30 =	simm.s32 $0x4C00;
	s5 =	simm.s32 $0x4E00;
	s24 =	sadd.s32 $0x140, s0  }
0x56: {  	[tilespmem:s25], [sflag:$0x5] =	stream.strided.gather [hbm4b:s24+s18], $0x200, s19, s18, $0x200038;
	[tilespmem:$0x12000] =	vst v63  }
0x57: {  	s6 =	rddreg [dreg:$0xa];
	s7 =	simm.s32 $0x6000;
	s26 =	sadd.s32 $0x180, s0  }
0x58: {  	[tilespmem:s30], [sflag:$0x5] =	stream.strided.gather [hbm4b:s26+s18], $0x200, s19, s18, $0x200038;
	[tilespmem:$0x12000] =	vst v63  }
0x59: {  	s9 =	simm.s32 $0x6200;
	s11 =	simm.s32 $0x6400;
	s0 =	sadd.s32 $0x1C0, s0  }
0x5a: {  	[tilespmem:s5], [sflag:$0x5] =	stream.strided.gather [hbm4b:s0+s18], $0x200, s19, s18, $0x200038;
	[tilespmem:$0x12000] =	vst v63  }
0x5b: {  	s13 =	simm.s32 $0x6600;
	s15 =	simm.s32 $0x6800;
	s0 =	sadd.s32 s2, s6  }
0x5c: {  	[tilespmem:s7], [sflag:$0x7] =	stream.strided.gather [hbm4b:s0+s18], $0x200, s19, s18, $0x200038;
	[tilespmem:$0x12000] =	vst v63  }
0x5d: {  	s17 =	simm.s32 $0x6A00;
	s21 =	simm.s32 $0x6C00;
	s8 =	sadd.s32 $0x40, s0  }
0x5e: {  	[tilespmem:s9], [sflag:$0x7] =	stream.strided.gather [hbm4b:s8+s18], $0x200, s19, s18, $0x200038;
	[tilespmem:$0x12000] =	vst v63  }
0x5f: {  	s22 =	simm.s32 $0x6E00;
	s23 =	rddreg [dreg:$0xb];
	s10 =	sadd.s32 $0x80, s0  }
0x60: {  	[tilespmem:s11], [sflag:$0x7] =	stream.strided.gather [hbm4b:s10+s18], $0x200, s19, s18, $0x200038;
	[tilespmem:$0x12000] =	vst v63  }
0x61: {  	s24 =	simm.s32 $0x8000;
	s25 =	simm.s32 $0x0;
	s12 =	sadd.s32 $0xC0, s0  }
0x62: {  	[tilespmem:s13], [sflag:$0x7] =	stream.strided.gather [hbm4b:s12+s18], $0x200, s19, s18, $0x200038;
	[tilespmem:$0x12000] =	vst v63  }
0x63: {  	s26 =	simm.s32 $0x0;
	s30 =	simm.s32 $0x0;
	s14 =	sadd.s32 $0x100, s0  }
0x64: {  	[tilespmem:s15], [sflag:$0x7] =	stream.strided.gather [hbm4b:s14+s18], $0x200, s19, s18, $0x200038;
	[tilespmem:$0x12000] =	vst v63  }
0x65: {  	s2 =	simm.s32 $0x1;
	s5 =	simm.s32 $0x0;
	s16 =	sadd.s32 $0x140, s0  }
0x66: {  	[tilespmem:s17], [sflag:$0x7] =	stream.strided.gather [hbm4b:s16+s18], $0x200, s19, s18, $0x200038;
	[tilespmem:$0x12000] =	vst v63  }
0x67: {  	s20 =	sadd.s32 $0x180, s0;
	s0 =	sadd.s32 $0x1C0, s0;
	s8 =	simm.s32 $0x0  }
0x68: {  	[tilespmem:s21], [sflag:$0x7] =	stream.strided.gather [hbm4b:s20+s18], $0x200, s19, s18, $0x200038;
	[tilespmem:$0x12000] =	vst v63  }
0x69: {  	s13 =	simm.s32 $0x1;
	s15 =	simm.s32 $0x1;
	s17 =	simm.s32 $0x0  }
0x6a: {  	[tilespmem:s22], [sflag:$0x7] =	stream.strided.gather [hbm4b:s0+s18], $0x200, s19, s18, $0x200038;
	[tilespmem:$0x12000] =	vst v63  }
.Ltmp2:
0x6b: {  	s16 =	simm.s32 $0x1;
	s20 =	simm.s32 $0x1;
	(pc) =	sbr.rel .LBB2_2-.Ltmp2, $4  }
0x6c: {  	[tilespmem:s24], [sflag:$0x9] =	stream.strided.gather [hbm4b:s23+s3], $0x1000, s4, s3, $0x200038;
	[tilespmem:$0x12000] =	vst v63  }
0x6d: {  	s0 =	simm.s32 $0x0;
	_ =	strace $0x90000048;
	[dreg:$0x15] =	wrdreg s25  }
0x6e: {  	s22 =	simm.s32 $0x0;
	s4 =	simm.s32 $0x0;
	[dreg:$0x16] =	wrdreg s26  }
0x6f: {  	s24 =	simm.s32 $0x0;
	s23 =	simm.s32 $0x0;
	[dreg:$0x17] =	wrdreg s30  }
.LBB2_39:
0x70: {  	s3 =	rddreg [dreg:$0x1f];
	_ =	strace $0x80000054  }
0x71: {  	s11 =	sld [smem:$0x7FD]  }
0x72: {  	s3 =	sshll.u32 s3, $0xB  }
0x73: {  	s6 =	rddreg [dreg:$0x4];
	s9 =	sand.u32 $0x1FFFF800, s3  }
0x74: {  	s6 =	sadd.s32 s6, s9;
	s3 =	sadd.s32 $0xB, s11  }
0x75: {  	[hbm4b:s6+s18] =	stream.strided.scatter [tilespmem:s13], [sflag:s3], $0x200, s19, s18, $0x200038;
	[tilespmem:$0x12000] =	vst v63  }
0x76: {  	s11 =	sadd.s32 $0xA200, s16;
	s15 =	sadd.s32 $0x40, s6  }
0x77: {  	[hbm4b:s15+s18] =	stream.strided.scatter [tilespmem:s11], [sflag:s3], $0x200, s19, s18, $0x200038;
	[tilespmem:$0x12000] =	vst v63  }
0x78: {  	s23 =	sadd.s32 $0xA400, s16;
	s24 =	sadd.s32 $0x80, s6  }
0x79: {  	[hbm4b:s24+s18] =	stream.strided.scatter [tilespmem:s23], [sflag:s3], $0x200, s19, s18, $0x200038;
	[tilespmem:$0x12000] =	vst v63  }
0x7a: {  	s26 =	sadd.s32 $0xA600, s16;
	s30 =	sadd.s32 $0xC0, s6  }
0x7b: {  	[hbm4b:s30+s18] =	stream.strided.scatter [tilespmem:s26], [sflag:s3], $0x200, s19, s18, $0x200038;
	[tilespmem:$0x12000] =	vst v63  }
0x7c: {  	s13 =	sadd.s32 $0xA800, s16;
	s15 =	sadd.s32 $0x100, s6  }
0x7d: {  	[hbm4b:s15+s18] =	stream.strided.scatter [tilespmem:s13], [sflag:s3], $0x200, s19, s18, $0x200038;
	[tilespmem:$0x12000] =	vst v63  }
0x7e: {  	s23 =	sadd.s32 $0xAA00, s16;
	s24 =	sadd.s32 $0x140, s6  }
0x7f: {  	[hbm4b:s24+s18] =	stream.strided.scatter [tilespmem:s23], [sflag:s3], $0x200, s19, s18, $0x200038;
	[tilespmem:$0x12000] =	vst v63  }
0x80: {  	s26 =	sadd.s32 $0xAC00, s16;
	s30 =	sadd.s32 $0x180, s6  }
0x81: {  	[hbm4b:s30+s18] =	stream.strided.scatter [tilespmem:s26], [sflag:s3], $0x200, s19, s18, $0x200038;
	[tilespmem:$0x12000] =	vst v63  }
0x82: {  	s6 =	sadd.s32 $0x1C0, s6;
	s13 =	sadd.s32 $0xAE00, s16  }
0x83: {  	[hbm4b:s6+s18] =	stream.strided.scatter [tilespmem:s13], [sflag:s3], $0x200, s19, s18, $0x200038;
	[tilespmem:$0x12000] =	vst v63  }
0x84: {  	_ =	strace $0x90000054  }
0x85: {  	_ =	strace $0x80000055  }
0x86: {  	s15 =	sld [smem:$0x7FC];
	_ =	sdelay $0x1  }
0x87: {  	s16 =	rddreg [dreg:$0xd]  }
0x88: {  	s6 =	sadd.s32 s9, s16;
	s3 =	sadd.s32 $0xD, s15  }
0x89: {  	[hbm4b:s6+s18] =	stream.strided.scatter [tilespmem:s7], [sflag:s3], $0x200, s19, s18, $0x200038;
	[tilespmem:$0x12000] =	vst v63  }
0x8a: {  	s23 =	sadd.s32 $0xC200, s10;
	s24 =	sadd.s32 $0x40, s6  }
0x8b: {  	[hbm4b:s24+s18] =	stream.strided.scatter [tilespmem:s23], [sflag:s3], $0x200, s19, s18, $0x200038;
	[tilespmem:$0x12000] =	vst v63  }
0x8c: {  	s26 =	sadd.s32 $0xC400, s10;
	s30 =	sadd.s32 $0x80, s6  }
0x8d: {  	[hbm4b:s30+s18] =	stream.strided.scatter [tilespmem:s26], [sflag:s3], $0x200, s19, s18, $0x200038;
	[tilespmem:$0x12000] =	vst v63  }
0x8e: {  	s11 =	sadd.s32 $0xC600, s10;
	s13 =	sadd.s32 $0xC0, s6  }
0x8f: {  	[hbm4b:s13+s18] =	stream.strided.scatter [tilespmem:s11], [sflag:s3], $0x200, s19, s18, $0x200038;
	[tilespmem:$0x12000] =	vst v63  }
0x90: {  	s16 =	sadd.s32 $0x100, s6;
	s15 =	sadd.s32 $0xC800, s10  }
0x91: {  	[hbm4b:s16+s18] =	stream.strided.scatter [tilespmem:s15], [sflag:s3], $0x200, s19, s18, $0x200038;
	[tilespmem:$0x12000] =	vst v63  }
0x92: {  	s23 =	sadd.s32 $0xCA00, s10;
	s24 =	sadd.s32 $0x140, s6  }
0x93: {  	[hbm4b:s24+s18] =	stream.strided.scatter [tilespmem:s23], [sflag:s3], $0x200, s19, s18, $0x200038;
	[tilespmem:$0x12000] =	vst v63  }
0x94: {  	s26 =	sadd.s32 $0xCC00, s10;
	s30 =	sadd.s32 $0x180, s6  }
0x95: {  	[hbm4b:s30+s18] =	stream.strided.scatter [tilespmem:s26], [sflag:s3], $0x200, s19, s18, $0x200038;
	[tilespmem:$0x12000] =	vst v63  }
0x96: {  	s10 =	sadd.s32 $0xCE00, s10;
	s6 =	sadd.s32 $0x1C0, s6  }
0x97: {  	[hbm4b:s6+s18] =	stream.strided.scatter [tilespmem:s10], [sflag:s3], $0x200, s19, s18, $0x200038;
	[tilespmem:$0x12000] =	vst v63  }
0x98: {  	_ =	strace $0x90000055  }
0x99: {  	_ =	strace $0x80000056  }
0x9a: {  	s11 =	sld [smem:$0x7FB];
	_ =	sdelay $0x1  }
0x9b: {  	s13 =	rddreg [dreg:$0xe]  }
0x9c: {  	s6 =	sadd.s32 s9, s13;
	s3 =	sadd.s32 $0xF, s11  }
0x9d: {  	[hbm4b:s6+s18] =	stream.strided.scatter [tilespmem:s4], [sflag:s3], $0x200, s19, s18, $0x200038;
	[tilespmem:$0x12000] =	vst v63  }
0x9e: {  	s15 =	sadd.s32 $0xE200, s25;
	s16 =	sadd.s32 $0x40, s6  }
0x9f: {  	[hbm4b:s16+s18] =	stream.strided.scatter [tilespmem:s15], [sflag:s3], $0x200, s19, s18, $0x200038;
	[tilespmem:$0x12000] =	vst v63  }
0xa0: {  	s23 =	sadd.s32 $0xE400, s25;
	s24 =	sadd.s32 $0x80, s6  }
0xa1: {  	[hbm4b:s24+s18] =	stream.strided.scatter [tilespmem:s23], [sflag:s3], $0x200, s19, s18, $0x200038;
	[tilespmem:$0x12000] =	vst v63  }
0xa2: {  	s26 =	sadd.s32 $0xE600, s25;
	s30 =	sadd.s32 $0xC0, s6  }
0xa3: {  	[hbm4b:s30+s18] =	stream.strided.scatter [tilespmem:s26], [sflag:s3], $0x200, s19, s18, $0x200038;
	[tilespmem:$0x12000] =	vst v63  }
0xa4: {  	s10 =	sadd.s32 $0xE800, s25;
	s11 =	sadd.s32 $0x100, s6  }
0xa5: {  	[hbm4b:s11+s18] =	stream.strided.scatter [tilespmem:s10], [sflag:s3], $0x200, s19, s18, $0x200038;
	[tilespmem:$0x12000] =	vst v63  }
0xa6: {  	s13 =	sadd.s32 $0xEA00, s25;
	s15 =	sadd.s32 $0x140, s6  }
0xa7: {  	[hbm4b:s15+s18] =	stream.strided.scatter [tilespmem:s13], [sflag:s3], $0x200, s19, s18, $0x200038;
	[tilespmem:$0x12000] =	vst v63  }
0xa8: {  	s16 =	sadd.s32 $0xEC00, s25;
	s23 =	sadd.s32 $0x180, s6  }
0xa9: {  	[hbm4b:s23+s18] =	stream.strided.scatter [tilespmem:s16], [sflag:s3], $0x200, s19, s18, $0x200038;
	[tilespmem:$0x12000] =	vst v63  }
0xaa: {  	s24 =	sadd.s32 $0xEE00, s25;
	s6 =	sadd.s32 $0x1C0, s6  }
0xab: {  	[hbm4b:s6+s18] =	stream.strided.scatter [tilespmem:s24], [sflag:s3], $0x200, s19, s18, $0x200038;
	[tilespmem:$0x12000] =	vst v63  }
0xac: {  	_ =	strace $0x90000056  }
0xad: {  	_ =	strace $0x80000057  }
0xae: {  	s25 =	rddreg [dreg:$0xf]  }
0xaf: {  	s3 =	sadd.s32 $0x11, s12;
	s4 =	sadd.s32 s9, s25  }
0xb0: {  	[hbm4b:s4+s18] =	stream.strided.scatter [tilespmem:s20], [sflag:s3], $0x200, s19, s18, $0x200038;
	[tilespmem:$0x12000] =	vst v63  }
0xb1: {  	s26 =	sadd.s32 $0x10200, s21;
	s30 =	sadd.s32 $0x40, s4  }
0xb2: {  	[hbm4b:s30+s18] =	stream.strided.scatter [tilespmem:s26], [sflag:s3], $0x200, s19, s18, $0x200038;
	[tilespmem:$0x12000] =	vst v63  }
0xb3: {  	s7 =	sadd.s32 $0x10400, s21;
	s9 =	sadd.s32 $0x80, s4  }
0xb4: {  	[hbm4b:s9+s18] =	stream.strided.scatter [tilespmem:s7], [sflag:s3], $0x200, s19, s18, $0x200038;
	[tilespmem:$0x12000] =	vst v63  }
0xb5: {  	s10 =	sadd.s32 $0x10600, s21;
	s11 =	sadd.s32 $0xC0, s4  }
0xb6: {  	[hbm4b:s11+s18] =	stream.strided.scatter [tilespmem:s10], [sflag:s3], $0x200, s19, s18, $0x200038;
	[tilespmem:$0x12000] =	vst v63  }
0xb7: {  	s12 =	sadd.s32 $0x10800, s21;
	s13 =	sadd.s32 $0x100, s4  }
0xb8: {  	[hbm4b:s13+s18] =	stream.strided.scatter [tilespmem:s12], [sflag:s3], $0x200, s19, s18, $0x200038;
	[tilespmem:$0x12000] =	vst v63  }
0xb9: {  	s15 =	sadd.s32 $0x10A00, s21;
	s16 =	sadd.s32 $0x140, s4  }
0xba: {  	[hbm4b:s16+s18] =	stream.strided.scatter [tilespmem:s15], [sflag:s3], $0x200, s19, s18, $0x200038;
	[tilespmem:$0x12000] =	vst v63  }
0xbb: {  	s25 =	rddreg [dreg:$0x17];
	s20 =	sadd.s32 $0x10C00, s21;
	s23 =	sadd.s32 $0x180, s4  }
0xbc: {  	[hbm4b:s23+s18] =	stream.strided.scatter [tilespmem:s20], [sflag:s3], $0x200, s19, s18, $0x200038;
	[tilespmem:$0x12000] =	vst v63  }
0xbd: {  	s24 =	sadd.s32 $0x10E00, s21;
	s4 =	sadd.s32 $0x1C0, s4;
	s26 =	rddreg [dreg:$0x16]  }
0xbe: {  	[hbm4b:s4+s18] =	stream.strided.scatter [tilespmem:s24], [sflag:s3], $0x200, s19, s18, $0x200038;
	[tilespmem:$0x12000] =	vst v63  }
0xbf: {  	s30 =	rddreg [dreg:$0x15];
	s3 =	sadd.s32 $0x1, s25  }
0xc0: {  	[dreg:$0x17] =	wrdreg s3;
	s3 =	sadd.s32 $0x1, s26  }
0xc1: {  	[dreg:$0x16] =	wrdreg s3;
	s3 =	sadd.s32 $0x1, s30  }
0xc2: {  	[dreg:$0x15] =	wrdreg s3  }
0xc3: {  	_ =	strace $0x90000057  }
0xc4: {  	s13 =	rddreg [dreg:$0x18]  }
0xc5: {  	s15 =	rddreg [dreg:$0x19]  }
0xc6: {  	s16 =	rddreg [dreg:$0x1a]  }
0xc7: {  	s6 =	rddreg [dreg:$0x1b]  }
0xc8: {  	s11 =	rddreg [dreg:$0x1c]  }
0xc9: {  	s20 =	rddreg [dreg:$0x1d]  }
0xca: {  	s9 =	simm.s32 $0x1;
	s4 =	rddreg [dreg:$0x1e]  }
.LBB2_40:
0xcb: {  	p0 =	seq.s32 s1, $0x0  }
0xcc: {  	s3 =	sand.u32 @!p0 $0x1, s5  }
0xcd: {  	_ =	strace @!p0 $0x80000058;
	s3 =	sadd.s32 @!p0 $0xB, s3  }
0xce: {  	_ =	swait.ge @!p0 [sflag:s3], $0x1000  }
0xcf: {  	[sflag:s3] =	ssyncset.done @!p0 $0x0  }
0xd0: {  	[sflag:s3] =	ssyncadd.s32 @!p0 $0xFFFFF000  }
0xd1: {  	s3 =	sand.u32 @!p0 $0x1, s6;
	_ =	strace @!p0 $0x90000058  }
0xd2: {  	s3 =	sadd.s32 @!p0 $0xD, s3;
	_ =	strace @!p0 $0x80000059  }
0xd3: {  	_ =	swait.ge @!p0 [sflag:s3], $0x1000  }
0xd4: {  	[sflag:s3] =	ssyncset.done @!p0 $0x0  }
0xd5: {  	[sflag:s3] =	ssyncadd.s32 @!p0 $0xFFFFF000  }
0xd6: {  	s3 =	sand.u32 @!p0 $0x1, s11;
	_ =	strace @!p0 $0x90000059  }
0xd7: {  	s3 =	sadd.s32 @!p0 $0xF, s3;
	_ =	strace @!p0 $0x8000005A  }
0xd8: {  	_ =	swait.ge @!p0 [sflag:s3], $0x1000  }
0xd9: {  	[sflag:s3] =	ssyncset.done @!p0 $0x0  }
0xda: {  	s2 =	sadd.s32 s2, s4;
	[sflag:s3] =	ssyncadd.s32 @!p0 $0xFFFFF000  }
0xdb: {  	s1 =	sadd.s32 $0x1, s1;
	s3 =	sand.u32 @!p0 $0x1, s31;
	_ =	strace @!p0 $0x9000005A  }
0xdc: {  	s10 =	sadd.s32 @!p0 $0x1, s5;
	s4 =	sadd.s32 @!p0 $0x11, s3;
	_ =	strace @!p0 $0x8000005B  }
0xdd: {  	s7 =	sadd.s32 @!p0 $0x1, s6;
	s10 =	smov.u32 @p0 s5;
	_ =	swait.ge @!p0 [sflag:s4], $0x1000  }
0xde: {  	s7 =	smov.u32 @p0 s6;
	s3 =	sadd.s32 @!p0 $0x1, s11;
	[sflag:s4] =	ssyncset.done @!p0 $0x0  }
0xdf: {  	s3 =	smov.u32 @p0 s11;
	[sflag:s4] =	ssyncadd.s32 @!p0 $0xFFFFF000;
	s4 =	simm.s32 @!p0 $0x1  }
0xe0: {  	_ =	strace @!p0 $0x9000005B;
	s4 =	simm.s32 @p0 $0x0;
	p0 =	sne.s32 s1, $0x6  }
.Ltmp3:
0xe1: {  	_ = 	snop;
	(pc) =	sbr.rel @!p0 .LBB2_41-.Ltmp3, $4  }
0xe2: {  	s0 =	sadd.s32 s0, s9;
	s8 =	sadd.s32 s8, s9  }
0xe3: {  	s22 =	sadd.s32 s22, s9;
	s17 =	sadd.s32 s17, s9;
	s29 =	sadd.s32 s29, s9  }
0xe4: {  	s28 =	sadd.s32 s28, s9;
	s23 =	smov.u32 s7;
	s5 =	smov.u32 s10  }
0xe5: {  	s24 =	smov.u32 s3;
	s31 =	sadd.s32 s31, s4;
	s4 =	smov.u32 s14  }
.LBB2_2:
0xe6: {  	s14 =	sadd.s32 $0x1, s4  }
0xe7: {  	p0 =	seq.s32 s14, $0x6  }
0xe8: {  	s14 =	simm.s32 @p0 $0x0;
	p0 =	seq.s32 s1, $0x5  }
0xe9: {  	p1 =	seq.s32 @!p0 s4, s14  }
0xea: {  	p2 =	por p0, p1  }
.Ltmp4:
0xeb: {  	_ = 	snop;
	(pc) =	sbr.rel @p2 .LBB2_3-.Ltmp4, $1  }
0xec: {  	_ =	sdelay $0x3  }
0xed: {  	s3 =	rddreg [dreg:$0xc]  }
0xee: {  	s7 =	sadd.s32 s14, s3  }
0xef: {  	_ =	strace $0x80000049;
	s3 =	sshll.u32 s7, $0xB  }
0xf0: {  	s6 =	sand.u32 $0x1, s20;
	s10 =	rddreg [dreg:$0x0];
	s9 =	sand.u32 $0x1FFFF800, s3  }
0xf1: {  	s3 =	sadd.s32 $0x1, s6;
	s6 =	sshll.u32 s6, $0xC;
	s10 =	sadd.s32 s10, s9  }
0xf2: {  	[tilespmem:s6], [sflag:s3] =	stream.strided.gather [hbm4b:s10+s18], $0x200, s19, s18, $0x200038;
	[tilespmem:$0x12000] =	vst v63  }
0xf3: {  	s12 =	sor.u32 $0x200, s6;
	s11 =	sadd.s32 $0x40, s10  }
0xf4: {  	[tilespmem:s12], [sflag:s3] =	stream.strided.gather [hbm4b:s11+s18], $0x200, s19, s18, $0x200038;
	[tilespmem:$0x12000] =	vst v63  }
0xf5: {  	s25 =	sor.u32 $0x400, s6;
	s21 =	sadd.s32 $0x80, s10  }
0xf6: {  	[tilespmem:s25], [sflag:s3] =	stream.strided.gather [hbm4b:s21+s18], $0x200, s19, s18, $0x200038;
	[tilespmem:$0x12000] =	vst v63  }
0xf7: {  	s30 =	sor.u32 $0x600, s6;
	s26 =	sadd.s32 $0xC0, s10  }
0xf8: {  	[tilespmem:s30], [sflag:s3] =	stream.strided.gather [hbm4b:s26+s18], $0x200, s19, s18, $0x200038;
	[tilespmem:$0x12000] =	vst v63  }
0xf9: {  	s21 =	sadd.s32 $0x100, s10;
	s25 =	sor.u32 $0x800, s6  }
0xfa: {  	[tilespmem:s25], [sflag:s3] =	stream.strided.gather [hbm4b:s21+s18], $0x200, s19, s18, $0x200038;
	[tilespmem:$0x12000] =	vst v63  }
0xfb: {  	s26 =	sadd.s32 $0x140, s10;
	s30 =	sor.u32 $0xA00, s6  }
0xfc: {  	[tilespmem:s30], [sflag:s3] =	stream.strided.gather [hbm4b:s26+s18], $0x200, s19, s18, $0x200038;
	[tilespmem:$0x12000] =	vst v63  }
0xfd: {  	s21 =	sadd.s32 $0x180, s10;
	s25 =	sor.u32 $0xC00, s6  }
0xfe: {  	[tilespmem:s25], [sflag:s3] =	stream.strided.gather [hbm4b:s21+s18], $0x200, s19, s18, $0x200038;
	[tilespmem:$0x12000] =	vst v63  }
0xff: {  	s10 =	sadd.s32 $0x1C0, s10;
	s6 =	sor.u32 $0xE00, s6  }
0x100: {  	[tilespmem:s6], [sflag:s3] =	stream.strided.gather [hbm4b:s10+s18], $0x200, s19, s18, $0x200038;
	[tilespmem:$0x12000] =	vst v63  }
0x101: {  	_ =	strace $0x90000049  }
0x102: {  	s26 =	sand.u32 $0x1, s16;
	_ =	strace $0x8000004A  }
0x103: {  	s6 =	sshll.u32 s26, $0xC;
	s12 =	rddreg [dreg:$0x8]  }
0x104: {  	s3 =	sadd.s32 $0x3, s26;
	s30 =	sor.u32 $0x2000, s6;
	s11 =	sadd.s32 s12, s9  }
0x105: {  	[tilespmem:s30], [sflag:s3] =	stream.strided.gather [hbm4b:s11+s18], $0x200, s19, s18, $0x200038;
	[tilespmem:$0x12000] =	vst v63  }
0x106: {  	s25 =	sor.u32 $0x2200, s6;
	s21 =	sadd.s32 $0x40, s11  }
0x107: {  	[tilespmem:s25], [sflag:s3] =	stream.strided.gather [hbm4b:s21+s18], $0x200, s19, s18, $0x200038;
	[tilespmem:$0x12000] =	vst v63  }
0x108: {  	s26 =	sadd.s32 $0x80, s11;
	s30 =	sor.u32 $0x2400, s6  }
0x109: {  	[tilespmem:s30], [sflag:s3] =	stream.strided.gather [hbm4b:s26+s18], $0x200, s19, s18, $0x200038;
	[tilespmem:$0x12000] =	vst v63  }
0x10a: {  	s21 =	sadd.s32 $0xC0, s11;
	s25 =	sor.u32 $0x2600, s6  }
0x10b: {  	[tilespmem:s25], [sflag:s3] =	stream.strided.gather [hbm4b:s21+s18], $0x200, s19, s18, $0x200038;
	[tilespmem:$0x12000] =	vst v63  }
0x10c: {  	s26 =	sadd.s32 $0x100, s11;
	s30 =	sor.u32 $0x2800, s6  }
0x10d: {  	[tilespmem:s30], [sflag:s3] =	stream.strided.gather [hbm4b:s26+s18], $0x200, s19, s18, $0x200038;
	[tilespmem:$0x12000] =	vst v63  }
0x10e: {  	s21 =	sadd.s32 $0x140, s11;
	s25 =	sor.u32 $0x2A00, s6  }
0x10f: {  	[tilespmem:s25], [sflag:s3] =	stream.strided.gather [hbm4b:s21+s18], $0x200, s19, s18, $0x200038;
	[tilespmem:$0x12000] =	vst v63  }
0x110: {  	s26 =	sadd.s32 $0x180, s11;
	s30 =	sor.u32 $0x2C00, s6  }
0x111: {  	[tilespmem:s30], [sflag:s3] =	stream.strided.gather [hbm4b:s26+s18], $0x200, s19, s18, $0x200038;
	[tilespmem:$0x12000] =	vst v63  }
0x112: {  	s11 =	sadd.s32 $0x1C0, s11;
	s6 =	sor.u32 $0x2E00, s6  }
0x113: {  	[tilespmem:s6], [sflag:s3] =	stream.strided.gather [hbm4b:s11+s18], $0x200, s19, s18, $0x200038;
	[tilespmem:$0x12000] =	vst v63  }
0x114: {  	_ =	strace $0x9000004A  }
0x115: {  	s12 =	sand.u32 $0x1, s15;
	_ =	strace $0x8000004B  }
0x116: {  	s6 =	sshll.u32 s12, $0xC;
	s25 =	rddreg [dreg:$0x9]  }
0x117: {  	s3 =	sadd.s32 $0x5, s12;
	s21 =	sor.u32 $0x4000, s6;
	s11 =	sadd.s32 s25, s9  }
0x118: {  	[tilespmem:s21], [sflag:s3] =	stream.strided.gather [hbm4b:s11+s18], $0x200, s19, s18, $0x200038;
	[tilespmem:$0x12000] =	vst v63  }
0x119: {  	s30 =	sor.u32 $0x4200, s6;
	s26 =	sadd.s32 $0x40, s11  }
0x11a: {  	[tilespmem:s30], [sflag:s3] =	stream.strided.gather [hbm4b:s26+s18], $0x200, s19, s18, $0x200038;
	[tilespmem:$0x12000] =	vst v63  }
0x11b: {  	s25 =	sor.u32 $0x4400, s6;
	s21 =	sadd.s32 $0x80, s11  }
0x11c: {  	[tilespmem:s25], [sflag:s3] =	stream.strided.gather [hbm4b:s21+s18], $0x200, s19, s18, $0x200038;
	[tilespmem:$0x12000] =	vst v63  }
0x11d: {  	s26 =	sadd.s32 $0xC0, s11;
	s30 =	sor.u32 $0x4600, s6  }
0x11e: {  	[tilespmem:s30], [sflag:s3] =	stream.strided.gather [hbm4b:s26+s18], $0x200, s19, s18, $0x200038;
	[tilespmem:$0x12000] =	vst v63  }
0x11f: {  	s21 =	sadd.s32 $0x100, s11;
	s25 =	sor.u32 $0x4800, s6  }
0x120: {  	[tilespmem:s25], [sflag:s3] =	stream.strided.gather [hbm4b:s21+s18], $0x200, s19, s18, $0x200038;
	[tilespmem:$0x12000] =	vst v63  }
0x121: {  	s26 =	sadd.s32 $0x140, s11;
	s30 =	sor.u32 $0x4A00, s6  }
0x122: {  	[tilespmem:s30], [sflag:s3] =	stream.strided.gather [hbm4b:s26+s18], $0x200, s19, s18, $0x200038;
	[tilespmem:$0x12000] =	vst v63  }
0x123: {  	s12 =	sadd.s32 $0x180, s11;
	s21 =	sor.u32 $0x4C00, s6  }
0x124: {  	[tilespmem:s21], [sflag:s3] =	stream.strided.gather [hbm4b:s12+s18], $0x200, s19, s18, $0x200038;
	[tilespmem:$0x12000] =	vst v63  }
0x125: {  	s25 =	sadd.s32 $0x1C0, s11;
	s6 =	sor.u32 $0x4E00, s6  }
0x126: {  	[tilespmem:s6], [sflag:s3] =	stream.strided.gather [hbm4b:s25+s18], $0x200, s19, s18, $0x200038;
	[tilespmem:$0x12000] =	vst v63  }
0x127: {  	_ =	strace $0x9000004B  }
0x128: {  	s26 =	sand.u32 $0x1, s13;
	_ =	strace $0x8000004C  }
0x129: {  	s6 =	sshll.u32 s26, $0xC;
	s12 =	rddreg [dreg:$0xa]  }
0x12a: {  	s3 =	sadd.s32 $0x7, s26;
	s30 =	sor.u32 $0x6000, s6;
	s9 =	sadd.s32 s12, s9  }
0x12b: {  	[tilespmem:s30], [sflag:s3] =	stream.strided.gather [hbm4b:s9+s18], $0x200, s19, s18, $0x200038;
	[tilespmem:$0x12000] =	vst v63  }
0x12c: {  	s25 =	sor.u32 $0x6200, s6;
	s21 =	sadd.s32 $0x40, s9  }
0x12d: {  	[tilespmem:s25], [sflag:s3] =	stream.strided.gather [hbm4b:s21+s18], $0x200, s19, s18, $0x200038;
	[tilespmem:$0x12000] =	vst v63  }
0x12e: {  	s12 =	sor.u32 $0x6600, s6;
	s26 =	sadd.s32 $0x80, s9;
	s30 =	sor.u32 $0x6400, s6  }
0x12f: {  	[tilespmem:s30], [sflag:s3] =	stream.strided.gather [hbm4b:s26+s18], $0x200, s19, s18, $0x200038;
	[tilespmem:$0x12000] =	vst v63  }
0x130: {  	s11 =	sadd.s32 $0xC0, s9;
	s21 =	sadd.s32 $0x100, s9;
	s25 =	sor.u32 $0x6800, s6  }
0x131: {  	[tilespmem:s12], [sflag:s3] =	stream.strided.gather [hbm4b:s11+s18], $0x200, s19, s18, $0x200038;
	[tilespmem:$0x12000] =	vst v63  }
0x132: {  	s26 =	sadd.s32 $0x140, s9;
	s30 =	sor.u32 $0x6A00, s6;
	s12 =	sadd.s32 $0x180, s9  }
0x133: {  	[tilespmem:s25], [sflag:s3] =	stream.strided.gather [hbm4b:s21+s18], $0x200, s19, s18, $0x200038;
	[tilespmem:$0x12000] =	vst v63  }
0x134: {  	s9 =	sadd.s32 $0x1C0, s9;
	s11 =	simm.s32 $0x200;
	s21 =	sor.u32 $0x6C00, s6  }
0x135: {  	[tilespmem:s30], [sflag:s3] =	stream.strided.gather [hbm4b:s26+s18], $0x200, s19, s18, $0x200038;
	[tilespmem:$0x12000] =	vst v63  }
0x136: {  	s6 =	sor.u32 $0x6E00, s6;
	s25 =	sshll.u32 s7, $0xC;
	s26 =	sshll.u32 s14, $0x9  }
0x137: {  	[tilespmem:s21], [sflag:s3] =	stream.strided.gather [hbm4b:s12+s18], $0x200, s19, s18, $0x200038;
	[tilespmem:$0x12000] =	vst v63  }
0x138: {  	s30 =	sand.u32 $0x1, s2;
	s12 =	simm.s32 $0x400;
	s21 =	sadd.s32 $0x1, s16  }
0x139: {  	[tilespmem:s6], [sflag:s3] =	stream.strided.gather [hbm4b:s9+s18], $0x200, s19, s18, $0x200038;
	[tilespmem:$0x12000] =	vst v63  }
0x13a: {  	s3 =	sand.u32 $0xFFFFE000, s25;
	s6 =	sand.u32 $0x200, s26;
	s9 =	sshll.u32 s30, $0xC  }
0x13b: {  	s25 =	sadd.s32 $0x1, s15;
	s26 =	sadd.s32 $0x1, s13;
	_ =	strace $0x9000004C  }
0x13c: {  	s3 =	sor.u32 s6, s3;
	_ =	strace $0x8000004D;
	[dreg:$0x1a] =	wrdreg s21  }
.Ltmp5:
0x13d: {  	s7 =	sor.u32 $0x8000, s9;
	[dreg:$0x19] =	wrdreg s25;
	(pc) =	sbr.rel .LBB2_5-.Ltmp5, $4  }
0x13e: {  	s6 =	sadd.s32 $0x9, s30;
	s3 =	sshrl.u32 s3, $0x3;
	s10 =	rddreg [dreg:$0x1]  }
0x13f: {  	s30 =	simm.s32 $0x1;
	[dreg:$0x18] =	wrdreg s26;
	s3 =	sadd.s32 s10, s3  }
0x140: {  	[tilespmem:s7], [sflag:s6] =	stream.strided.gather [hbm4b:s3+s11], $0x1000, s12, s11, $0x200038;
	[tilespmem:$0x12000] =	vst v63  }
0x141: {  	s20 =	sadd.s32 $0x1, s20;
	_ =	strace $0x9000004D;
	[dreg:$0x1e] =	wrdreg s30  }
.LBB2_3:
0x142: {  	s13 =	smov.u32 @p0 s13  }
0x143: {  	s16 =	smov.u32 @p0 s16;
	[dreg:$0x18] =	wrdreg s13  }
0x144: {  	s3 =	simm.s32 $0x0;
	s15 =	smov.u32 @p0 s15;
	[dreg:$0x1a] =	wrdreg s16  }
0x145: {  	s3 =	simm.s32 @p0 $0x0;
	[dreg:$0x19] =	wrdreg s15  }
0x146: {  	s20 =	smov.u32 @p0 s20;
	[dreg:$0x1e] =	wrdreg s3  }
.LBB2_5:
0x147: {  	s3 =	sand.u32 $0x1, s8  }
0x148: {  	_ =	strace $0x8000004E;
	s3 =	sadd.s32 $0x1, s3  }
0x149: {  	_ =	swait.ge [sflag:s3], $0x1000  }
0x14a: {  	[sflag:s3] =	ssyncset.done $0x0  }
0x14b: {  	[sflag:s3] =	ssyncadd.s32 $0xFFFFF000  }
0x14c: {  	s13 =	sand.u32 $0x1, s22;
	_ =	strace $0x9000004E  }
0x14d: {  	s3 =	sadd.s32 $0x3, s13;
	_ =	strace $0x8000004F  }
0x14e: {  	_ =	swait.ge [sflag:s3], $0x1000  }
0x14f: {  	[sflag:s3] =	ssyncset.done $0x0  }
0x150: {  	[sflag:s3] =	ssyncadd.s32 $0xFFFFF000  }
0x151: {  	s15 =	sand.u32 $0x1, s17;
	_ =	strace $0x9000004F  }
0x152: {  	s3 =	sadd.s32 $0x5, s15;
	_ =	strace $0x80000050  }
0x153: {  	_ =	swait.ge [sflag:s3], $0x1000  }
0x154: {  	[sflag:s3] =	ssyncset.done $0x0  }
0x155: {  	[sflag:s3] =	ssyncadd.s32 $0xFFFFF000  }
0x156: {  	s16 =	sand.u32 $0x1, s29;
	_ =	strace $0x90000050  }
0x157: {  	s3 =	sadd.s32 $0x7, s16;
	_ =	strace $0x80000051  }
0x158: {  	_ =	swait.ge [sflag:s3], $0x1000  }
0x159: {  	[sflag:s3] =	ssyncset.done $0x0  }
0x15a: {  	[sflag:s3] =	ssyncadd.s32 $0xFFFFF000  }
0x15b: {  	s21 =	sand.u32 $0x1, s28;
	_ =	strace $0x90000051  }
0x15c: {  	s6 =	sadd.s32 $0x9, s21;
	_ =	strace $0x80000052  }
0x15d: {  	_ =	swait.ge [sflag:s6], $0x1000  }
0x15e: {  	s25 =	rddreg [dreg:$0x6]  }
0x15f: {  	[sflag:s6] =	ssyncset.done $0x0;
	s4 =	sadd.s32 s25, s4  }
0x160: {  	s3 =	sshll.u32 s21, $0xC;
	[sflag:s6] =	ssyncadd.s32 $0xFFFFF000;
	[dreg:$0x1f] =	wrdreg s4  }
0x161: {  	s26 =	sshll.u32 s8, $0xC;
	s9 =	sor.u32 $0x8000, s3;
	_ =	strace $0x90000052  }
0x162: {  	v0 =	vmov s9;
	s4 =	sand.u32 $0x1000, s26;
	s30 =	rddreg [dreg:$0x17]  }
0x163: {  	s10 =	simm.s32 $0x0;
	v2 =	vmov s4;
	s6 =	sand.u32 $0x1, s30  }
0x164: {  	s7 =	sand.u32 $0xE00, s10;
	s16 =	sshll.u32 s6, $0xC  }
0x165: {  	s3 =	sand.u32 $0x70, s10;
	[smem:$0x7FD] =	sst s6;
	s13 =	sor.u32 $0xA000, s16  }
0x166: {  	s12 =	simm.s32 $0x10;
	s11 =	sor.u32 s3, s7;
	_ =	strace $0x80000053;
	v1 =	vmov s13  }
.LBB2_6:
0x167: {  	p2 =	sne.s32 s12, $0x3F0;
	v3 =	vld.idx.msk [tilespmem:v0+s11+$0x0 ss:$0x1], $0xffff  }
0x168: {  	v4 =	vld.idx.msk [tilespmem:v2+s11+$0x0 ss:$0x1], $0xffff;
	_ =	sdelay $0x3  }
.Ltmp6:
0x169: {  	(pc) =	sbr.rel @p2 .LBB2_6-.Ltmp6, $4  }
0x16a: {  	_ = 	snop  }
0x16b: {  	s10 =	sadd.s32 $0x40, s10;
	v3 =	vadd.f32 v3, v4  }
0x16c: {  	s6 =	sand.u32 $0x70, s12;
	s15 =	sand.u32 $0xE00, s10  }
0x16d: {  	s12 =	sadd.s32 $0x10, s12;
	[tilespmem:v1+s11+$0x0 ss:$0x1] =	vst.idx.msk $0xffff, v3;
	s11 =	sor.u32 s6, s15  }
0x16e: {  	_ =	sdelay $0x3  }
0x16f: {  	v3 =	vld.idx.msk [tilespmem:v0+s11+$0x0 ss:$0x1], $0xffff  }
0x170: {  	v2 =	vld.idx.msk [tilespmem:v2+s11+$0x0 ss:$0x1], $0xffff;
	_ =	sdelay $0x4  }
0x171: {  	s3 =	sor.u32 s3, s7;
	v2 =	vadd.f32 v3, v2  }
0x172: {  	s3 =	sor.u32 $0x80, s3  }
0x173: {  	s6 =	sadd.s32 s3, s9;
	[tilespmem:v1+s11+$0x0 ss:$0x1] =	vst.idx.msk $0xffff, v2  }
0x174: {  	s26 =	sadd.s32 s3, s4;
	v1 =	vld [tilespmem:s6+$0x0]  }
0x175: {  	v2 =	vld [tilespmem:s26+$0x0];
	_ =	sdelay $0x2  }
0x176: {  	s30 =	simm.s32 $0x10;
	s7 =	simm.s32 $0x40  }
0x177: {  	s10 =	sand.u32 $0xE00, s7;
	s6 =	sand.u32 $0x70, s30  }
0x178: {  	s11 =	sor.u32 s6, s10;
	s10 =	simm.s32 $0x20;
	v1 =	vadd.f32 v1, v2  }
.LBB2_8:
0x179: {  	p2 =	sne.s32 s10, $0x3F0;
	s6 =	sadd.s32 s3, s13;
	s3 =	sor.u32 $0x80, s11  }
0x17a: {  	s11 =	sadd.s32 s3, s9;
	[tilespmem:s6+$0x0] =	vst v1  }
0x17b: {  	s6 =	sadd.s32 s3, s4;
	v1 =	vld [tilespmem:s11+$0x0]  }
0x17c: {  	v2 =	vld [tilespmem:s6+$0x0]  }
.Ltmp7:
0x17d: {  	(pc) =	sbr.rel @p2 .LBB2_8-.Ltmp7, $4  }
0x17e: {  	_ = 	snop  }
0x17f: {  	s7 =	sadd.s32 $0x40, s7  }
0x180: {  	s11 =	sand.u32 $0xE00, s7;
	s6 =	sand.u32 $0x70, s10  }
0x181: {  	s10 =	sadd.s32 $0x10, s10;
	s11 =	sor.u32 s6, s11;
	v1 =	vadd.f32 v1, v2  }
0x182: {  	s6 =	sor.u32 $0x80, s11;
	s3 =	sadd.s32 s3, s13  }
0x183: {  	s7 =	sadd.s32 s6, s9;
	[tilespmem:s3+$0x0] =	vst v1  }
0x184: {  	s10 =	sadd.s32 s6, s4;
	v1 =	vld [tilespmem:s7+$0x0]  }
0x185: {  	v2 =	vld [tilespmem:s10+$0x0];
	_ =	sdelay $0x2  }
0x186: {  	s11 =	simm.s32 $0x0  }
0x187: {  	s12 =	sand.u32 $0x70, s11;
	s3 =	sand.u32 $0xE00, s11  }
0x188: {  	s7 =	sor.u32 s12, s3;
	v1 =	vadd.f32 v1, v2  }
0x189: {  	s15 =	sadd.s32 s6, s13;
	s10 =	sor.u32 $0x100, s7  }
0x18a: {  	s21 =	sadd.s32 s10, s9;
	[tilespmem:s15+$0x0] =	vst v1  }
0x18b: {  	s25 =	sadd.s32 s10, s4;
	v1 =	vld [tilespmem:s21+$0x0]  }
0x18c: {  	v2 =	vld [tilespmem:s25+$0x0];
	_ =	sdelay $0x2  }
0x18d: {  	s26 =	simm.s32 $0x10;
	s11 =	simm.s32 $0x40  }
0x18e: {  	s3 =	sand.u32 $0x70, s26;
	s30 =	sand.u32 $0xE00, s11  }
0x18f: {  	s12 =	simm.s32 $0x20;
	s15 =	sor.u32 s3, s30;
	v1 =	vadd.f32 v1, v2  }
.LBB2_10:
0x190: {  	p2 =	sne.s32 s12, $0x3F0;
	s6 =	sadd.s32 s10, s13;
	s10 =	sor.u32 $0x100, s15  }
0x191: {  	s15 =	sadd.s32 s10, s9;
	[tilespmem:s6+$0x0] =	vst v1  }
0x192: {  	s6 =	sadd.s32 s10, s4;
	v1 =	vld [tilespmem:s15+$0x0]  }
0x193: {  	v2 =	vld [tilespmem:s6+$0x0]  }
.Ltmp8:
0x194: {  	(pc) =	sbr.rel @p2 .LBB2_10-.Ltmp8, $4  }
0x195: {  	_ = 	snop  }
0x196: {  	s11 =	sadd.s32 $0x40, s11  }
0x197: {  	s15 =	sand.u32 $0xE00, s11;
	s6 =	sand.u32 $0x70, s12  }
0x198: {  	s12 =	sadd.s32 $0x10, s12;
	s15 =	sor.u32 s6, s15;
	v1 =	vadd.f32 v1, v2  }
0x199: {  	s6 =	sor.u32 $0x100, s15;
	s10 =	sadd.s32 s10, s13  }
0x19a: {  	s11 =	sadd.s32 s6, s9;
	[tilespmem:s10+$0x0] =	vst v1  }
0x19b: {  	s21 =	sadd.s32 s6, s4;
	v1 =	vld [tilespmem:s11+$0x0]  }
0x19c: {  	v2 =	vld [tilespmem:s21+$0x0];
	_ =	sdelay $0x4  }
0x19d: {  	v1 =	vadd.f32 v1, v2  }
0x19e: {  	s7 =	sor.u32 $0x180, s7;
	s6 =	sadd.s32 s6, s13  }
0x19f: {  	s25 =	sadd.s32 s7, s9;
	[tilespmem:s6+$0x0] =	vst v1  }
0x1a0: {  	s26 =	sadd.s32 s7, s4;
	v1 =	vld [tilespmem:s25+$0x0]  }
0x1a1: {  	v2 =	vld [tilespmem:s26+$0x0];
	_ =	sdelay $0x2  }
0x1a2: {  	s10 =	simm.s32 $0x40  }
0x1a3: {  	s30 =	sand.u32 $0xE00, s10  }
0x1a4: {  	[dreg:$0x1d] =	wrdreg s20;
	s11 =	sor.u32 s3, s30;
	s3 =	simm.s32 $0x20;
	v1 =	vadd.f32 v1, v2  }
.LBB2_12:
0x1a5: {  	p2 =	sne.s32 s3, $0x3F0;
	s6 =	sadd.s32 s7, s13;
	s7 =	sor.u32 $0x180, s11  }
0x1a6: {  	s11 =	sadd.s32 s7, s9;
	[tilespmem:s6+$0x0] =	vst v1  }
0x1a7: {  	s6 =	sadd.s32 s7, s4;
	v1 =	vld [tilespmem:s11+$0x0]  }
0x1a8: {  	v2 =	vld [tilespmem:s6+$0x0]  }
.Ltmp9:
0x1a9: {  	(pc) =	sbr.rel @p2 .LBB2_12-.Ltmp9, $4  }
0x1aa: {  	_ = 	snop  }
0x1ab: {  	s10 =	sadd.s32 $0x40, s10  }
0x1ac: {  	s11 =	sand.u32 $0xE00, s10;
	s6 =	sand.u32 $0x70, s3  }
0x1ad: {  	s3 =	sadd.s32 $0x10, s3;
	s11 =	sor.u32 s6, s11;
	v1 =	vadd.f32 v1, v2  }
0x1ae: {  	s3 =	sor.u32 $0x180, s11;
	s6 =	sadd.s32 s7, s13  }
0x1af: {  	s15 =	sadd.s32 s3, s9;
	[tilespmem:s6+$0x0] =	vst v1  }
0x1b0: {  	s4 =	sadd.s32 s3, s4;
	v1 =	vld [tilespmem:s15+$0x0]  }
0x1b1: {  	v2 =	vld [tilespmem:s4+$0x0];
	_ =	sdelay $0x1  }
0x1b2: {  	s20 =	sshll.u32 s22, $0xC  }
0x1b3: {  	s30 =	sand.u32 $0x1000, s20  }
0x1b4: {  	s25 =	rddreg [dreg:$0x16];
	s4 =	sor.u32 $0x2000, s30  }
0x1b5: {  	s26 =	sand.u32 $0x1, s25;
	v1 =	vadd.f32 v1, v2;
	v2 =	vmov s4  }
0x1b6: {  	s21 =	sadd.s32 s3, s13;
	s10 =	sshll.u32 s26, $0xC;
	s15 =	simm.s32 $0x0  }
0x1b7: {  	s7 =	sor.u32 $0xC000, s10;
	s3 =	sand.u32 $0x70, s15;
	s12 =	sand.u32 $0xE00, s15  }
0x1b8: {  	s20 =	simm.s32 $0x10;
	[smem:$0x7FC] =	sst s26;
	s11 =	sor.u32 s3, s12;
	[tilespmem:s21+$0x0] =	vst v1;
	v1 =	vmov s7  }
.LBB2_14:
0x1b9: {  	p2 =	sne.s32 s20, $0x3F0;
	v3 =	vld.idx.msk [tilespmem:v0+s11+$0x0 ss:$0x1], $0xffff  }
0x1ba: {  	v4 =	vld.idx.msk [tilespmem:v2+s11+$0x0 ss:$0x1], $0xffff;
	_ =	sdelay $0x3  }
.Ltmp10:
0x1bb: {  	(pc) =	sbr.rel @p2 .LBB2_14-.Ltmp10, $4  }
0x1bc: {  	_ = 	snop  }
0x1bd: {  	s15 =	sadd.s32 $0x40, s15;
	v3 =	vadd.f32 v3, v4  }
0x1be: {  	s6 =	sand.u32 $0x70, s20;
	s21 =	sand.u32 $0xE00, s15  }
0x1bf: {  	s20 =	sadd.s32 $0x10, s20;
	[tilespmem:v1+s11+$0x0 ss:$0x1] =	vst.idx.msk $0xffff, v3;
	s11 =	sor.u32 s6, s21  }
0x1c0: {  	_ =	sdelay $0x3  }
0x1c1: {  	v3 =	vld.idx.msk [tilespmem:v0+s11+$0x0 ss:$0x1], $0xffff  }
0x1c2: {  	v2 =	vld.idx.msk [tilespmem:v2+s11+$0x0 ss:$0x1], $0xffff;
	_ =	sdelay $0x4  }
0x1c3: {  	s3 =	sor.u32 s3, s12;
	v2 =	vadd.f32 v3, v2  }
0x1c4: {  	s3 =	sor.u32 $0x80, s3  }
0x1c5: {  	s6 =	sadd.s32 s3, s9;
	[tilespmem:v1+s11+$0x0 ss:$0x1] =	vst.idx.msk $0xffff, v2  }
0x1c6: {  	s25 =	sadd.s32 s3, s4;
	v1 =	vld [tilespmem:s6+$0x0]  }
0x1c7: {  	v2 =	vld [tilespmem:s25+$0x0];
	_ =	sdelay $0x2  }
0x1c8: {  	s26 =	simm.s32 $0x10;
	s12 =	simm.s32 $0x40  }
0x1c9: {  	s30 =	sand.u32 $0xE00, s12;
	s6 =	sand.u32 $0x70, s26  }
0x1ca: {  	s11 =	simm.s32 $0x20;
	s15 =	sor.u32 s6, s30;
	v1 =	vadd.f32 v1, v2  }
.LBB2_16:
0x1cb: {  	p2 =	sne.s32 s11, $0x3F0;
	s6 =	sadd.s32 s3, s7;
	s3 =	sor.u32 $0x80, s15  }
0x1cc: {  	s15 =	sadd.s32 s3, s9;
	[tilespmem:s6+$0x0] =	vst v1  }
0x1cd: {  	s6 =	sadd.s32 s3, s4;
	v1 =	vld [tilespmem:s15+$0x0]  }
0x1ce: {  	v2 =	vld [tilespmem:s6+$0x0]  }
.Ltmp11:
0x1cf: {  	(pc) =	sbr.rel @p2 .LBB2_16-.Ltmp11, $4  }
0x1d0: {  	_ = 	snop  }
0x1d1: {  	s12 =	sadd.s32 $0x40, s12  }
0x1d2: {  	s15 =	sand.u32 $0xE00, s12;
	s6 =	sand.u32 $0x70, s11  }
0x1d3: {  	s11 =	sadd.s32 $0x10, s11;
	s15 =	sor.u32 s6, s15;
	v1 =	vadd.f32 v1, v2  }
0x1d4: {  	s6 =	sor.u32 $0x80, s15;
	s3 =	sadd.s32 s3, s7  }
0x1d5: {  	s11 =	sadd.s32 s6, s9;
	[tilespmem:s3+$0x0] =	vst v1  }
0x1d6: {  	s30 =	sadd.s32 s6, s4;
	v1 =	vld [tilespmem:s11+$0x0]  }
0x1d7: {  	v2 =	vld [tilespmem:s30+$0x0];
	_ =	sdelay $0x2  }
0x1d8: {  	s12 =	simm.s32 $0x0  }
0x1d9: {  	s15 =	sand.u32 $0x70, s12;
	s3 =	sand.u32 $0xE00, s12  }
0x1da: {  	s12 =	sor.u32 s15, s3;
	v1 =	vadd.f32 v1, v2  }
0x1db: {  	s20 =	sadd.s32 s6, s7;
	s15 =	sor.u32 $0x100, s12  }
0x1dc: {  	s21 =	sadd.s32 s15, s9;
	[tilespmem:s20+$0x0] =	vst v1  }
0x1dd: {  	s25 =	sadd.s32 s15, s4;
	v1 =	vld [tilespmem:s21+$0x0]  }
0x1de: {  	v2 =	vld [tilespmem:s25+$0x0];
	_ =	sdelay $0x2  }
0x1df: {  	s26 =	simm.s32 $0x10;
	s20 =	simm.s32 $0x40  }
0x1e0: {  	s3 =	sand.u32 $0x70, s26;
	s30 =	sand.u32 $0xE00, s20  }
0x1e1: {  	s11 =	simm.s32 $0x20;
	s21 =	sor.u32 s3, s30;
	v1 =	vadd.f32 v1, v2  }
.LBB2_18:
0x1e2: {  	p2 =	sne.s32 s11, $0x3F0;
	s6 =	sadd.s32 s15, s7;
	s15 =	sor.u32 $0x100, s21  }
0x1e3: {  	s21 =	sadd.s32 s15, s9;
	[tilespmem:s6+$0x0] =	vst v1  }
0x1e4: {  	s6 =	sadd.s32 s15, s4;
	v1 =	vld [tilespmem:s21+$0x0]  }
0x1e5: {  	v2 =	vld [tilespmem:s6+$0x0]  }
.Ltmp12:
0x1e6: {  	(pc) =	sbr.rel @p2 .LBB2_18-.Ltmp12, $4  }
0x1e7: {  	_ = 	snop  }
0x1e8: {  	s20 =	sadd.s32 $0x40, s20  }
0x1e9: {  	s21 =	sand.u32 $0xE00, s20;
	s6 =	sand.u32 $0x70, s11  }
0x1ea: {  	s11 =	sadd.s32 $0x10, s11;
	s21 =	sor.u32 s6, s21;
	v1 =	vadd.f32 v1, v2  }
0x1eb: {  	s6 =	sor.u32 $0x100, s21;
	s11 =	sadd.s32 s15, s7  }
0x1ec: {  	s21 =	sadd.s32 s6, s9;
	[tilespmem:s11+$0x0] =	vst v1  }
0x1ed: {  	[dreg:$0x1b] =	wrdreg s23;
	s23 =	sadd.s32 s6, s4;
	v1 =	vld [tilespmem:s21+$0x0]  }
0x1ee: {  	v2 =	vld [tilespmem:s23+$0x0];
	_ =	sdelay $0x4  }
0x1ef: {  	v1 =	vadd.f32 v1, v2  }
0x1f0: {  	s12 =	sor.u32 $0x180, s12;
	s6 =	sadd.s32 s6, s7  }
0x1f1: {  	s25 =	sadd.s32 s12, s9;
	[tilespmem:s6+$0x0] =	vst v1  }
0x1f2: {  	s26 =	sadd.s32 s12, s4;
	v1 =	vld [tilespmem:s25+$0x0]  }
0x1f3: {  	v2 =	vld [tilespmem:s26+$0x0];
	_ =	sdelay $0x2  }
0x1f4: {  	s11 =	simm.s32 $0x40  }
0x1f5: {  	s30 =	sand.u32 $0xE00, s11  }
0x1f6: {  	s15 =	sor.u32 s3, s30;
	s3 =	simm.s32 $0x20;
	v1 =	vadd.f32 v1, v2  }
.LBB2_20:
0x1f7: {  	p2 =	sne.s32 s3, $0x3F0;
	s6 =	sadd.s32 s12, s7;
	s12 =	sor.u32 $0x180, s15  }
0x1f8: {  	s15 =	sadd.s32 s12, s9;
	[tilespmem:s6+$0x0] =	vst v1  }
0x1f9: {  	s6 =	sadd.s32 s12, s4;
	v1 =	vld [tilespmem:s15+$0x0]  }
0x1fa: {  	v2 =	vld [tilespmem:s6+$0x0]  }
.Ltmp13:
0x1fb: {  	(pc) =	sbr.rel @p2 .LBB2_20-.Ltmp13, $4  }
0x1fc: {  	_ = 	snop  }
0x1fd: {  	s11 =	sadd.s32 $0x40, s11  }
0x1fe: {  	s15 =	sand.u32 $0xE00, s11;
	s6 =	sand.u32 $0x70, s3  }
0x1ff: {  	s3 =	sadd.s32 $0x10, s3;
	s15 =	sor.u32 s6, s15;
	v1 =	vadd.f32 v1, v2  }
0x200: {  	s3 =	sor.u32 $0x180, s15;
	s6 =	sadd.s32 s12, s7  }
0x201: {  	s11 =	sadd.s32 s3, s9;
	[tilespmem:s6+$0x0] =	vst v1  }
0x202: {  	s4 =	sadd.s32 s3, s4;
	v1 =	vld [tilespmem:s11+$0x0]  }
0x203: {  	v2 =	vld [tilespmem:s4+$0x0];
	_ =	sdelay $0x1  }
0x204: {  	s21 =	sshll.u32 s17, $0xC  }
0x205: {  	s30 =	sand.u32 $0x1000, s21  }
0x206: {  	s25 =	rddreg [dreg:$0x15];
	s12 =	sor.u32 $0x4000, s30  }
0x207: {  	s26 =	sand.u32 $0x1, s25;
	v1 =	vadd.f32 v1, v2;
	v2 =	vmov s12  }
0x208: {  	s20 =	simm.s32 $0x0;
	s23 =	sadd.s32 s3, s7;
	s25 =	sshll.u32 s26, $0xC  }
0x209: {  	s3 =	sand.u32 $0x70, s20;
	s15 =	sand.u32 $0xE00, s20;
	s4 =	sor.u32 $0xE000, s25  }
0x20a: {  	s21 =	simm.s32 $0x10;
	[smem:$0x7FB] =	sst s26;
	s11 =	sor.u32 s3, s15;
	[tilespmem:s23+$0x0] =	vst v1;
	v1 =	vmov s4  }
.LBB2_22:
0x20b: {  	p2 =	sne.s32 s21, $0x3F0;
	v3 =	vld.idx.msk [tilespmem:v0+s11+$0x0 ss:$0x1], $0xffff  }
0x20c: {  	v4 =	vld.idx.msk [tilespmem:v2+s11+$0x0 ss:$0x1], $0xffff;
	_ =	sdelay $0x3  }
.Ltmp14:
0x20d: {  	(pc) =	sbr.rel @p2 .LBB2_22-.Ltmp14, $4  }
0x20e: {  	_ = 	snop  }
0x20f: {  	s20 =	sadd.s32 $0x40, s20;
	v3 =	vadd.f32 v3, v4  }
0x210: {  	s6 =	sand.u32 $0x70, s21;
	s23 =	sand.u32 $0xE00, s20  }
0x211: {  	s21 =	sadd.s32 $0x10, s21;
	[tilespmem:v1+s11+$0x0 ss:$0x1] =	vst.idx.msk $0xffff, v3;
	s11 =	sor.u32 s6, s23  }
0x212: {  	_ =	sdelay $0x3  }
0x213: {  	v3 =	vld.idx.msk [tilespmem:v0+s11+$0x0 ss:$0x1], $0xffff  }
0x214: {  	v2 =	vld.idx.msk [tilespmem:v2+s11+$0x0 ss:$0x1], $0xffff;
	_ =	sdelay $0x4  }
0x215: {  	s3 =	sor.u32 s3, s15;
	v2 =	vadd.f32 v3, v2  }
0x216: {  	s3 =	sor.u32 $0x80, s3  }
0x217: {  	s6 =	sadd.s32 s3, s9;
	[tilespmem:v1+s11+$0x0 ss:$0x1] =	vst.idx.msk $0xffff, v2  }
0x218: {  	s23 =	sadd.s32 s3, s12;
	v1 =	vld [tilespmem:s6+$0x0]  }
0x219: {  	v2 =	vld [tilespmem:s23+$0x0];
	_ =	sdelay $0x2  }
0x21a: {  	s26 =	simm.s32 $0x10;
	s15 =	simm.s32 $0x40  }
0x21b: {  	s30 =	sand.u32 $0xE00, s15;
	s6 =	sand.u32 $0x70, s26  }
0x21c: {  	s11 =	simm.s32 $0x20;
	s20 =	sor.u32 s6, s30;
	v1 =	vadd.f32 v1, v2  }
.LBB2_24:
0x21d: {  	p2 =	sne.s32 s11, $0x3F0;
	s6 =	sadd.s32 s3, s4;
	s3 =	sor.u32 $0x80, s20  }
0x21e: {  	s20 =	sadd.s32 s3, s9;
	[tilespmem:s6+$0x0] =	vst v1  }
0x21f: {  	s6 =	sadd.s32 s3, s12;
	v1 =	vld [tilespmem:s20+$0x0]  }
0x220: {  	v2 =	vld [tilespmem:s6+$0x0]  }
.Ltmp15:
0x221: {  	(pc) =	sbr.rel @p2 .LBB2_24-.Ltmp15, $4  }
0x222: {  	_ = 	snop  }
0x223: {  	s15 =	sadd.s32 $0x40, s15  }
0x224: {  	s20 =	sand.u32 $0xE00, s15;
	s6 =	sand.u32 $0x70, s11  }
0x225: {  	s11 =	sadd.s32 $0x10, s11;
	s20 =	sor.u32 s6, s20;
	v1 =	vadd.f32 v1, v2  }
0x226: {  	s6 =	sor.u32 $0x80, s20;
	s3 =	sadd.s32 s3, s4  }
0x227: {  	s11 =	sadd.s32 s6, s9;
	[tilespmem:s3+$0x0] =	vst v1  }
0x228: {  	s23 =	sadd.s32 s6, s12;
	v1 =	vld [tilespmem:s11+$0x0]  }
0x229: {  	v2 =	vld [tilespmem:s23+$0x0];
	_ =	sdelay $0x2  }
0x22a: {  	s26 =	simm.s32 $0x0  }
0x22b: {  	s30 =	sand.u32 $0x70, s26;
	s3 =	sand.u32 $0xE00, s26  }
0x22c: {  	s20 =	sor.u32 s30, s3;
	v1 =	vadd.f32 v1, v2  }
0x22d: {  	s11 =	sadd.s32 s6, s4;
	s15 =	sor.u32 $0x100, s20  }
0x22e: {  	s21 =	sadd.s32 s15, s9;
	[tilespmem:s11+$0x0] =	vst v1  }
0x22f: {  	s23 =	sadd.s32 s15, s12;
	v1 =	vld [tilespmem:s21+$0x0]  }
0x230: {  	v2 =	vld [tilespmem:s23+$0x0];
	_ =	sdelay $0x2  }
0x231: {  	s26 =	simm.s32 $0x10;
	s21 =	simm.s32 $0x40  }
0x232: {  	s3 =	sand.u32 $0x70, s26;
	s30 =	sand.u32 $0xE00, s21  }
0x233: {  	s11 =	simm.s32 $0x20;
	s23 =	sor.u32 s3, s30;
	v1 =	vadd.f32 v1, v2  }
.LBB2_26:
0x234: {  	p2 =	sne.s32 s11, $0x3F0;
	s6 =	sadd.s32 s15, s4;
	s15 =	sor.u32 $0x100, s23  }
0x235: {  	s23 =	sadd.s32 s15, s9;
	[tilespmem:s6+$0x0] =	vst v1  }
0x236: {  	s6 =	sadd.s32 s15, s12;
	v1 =	vld [tilespmem:s23+$0x0]  }
0x237: {  	v2 =	vld [tilespmem:s6+$0x0]  }
.Ltmp16:
0x238: {  	(pc) =	sbr.rel @p2 .LBB2_26-.Ltmp16, $4  }
0x239: {  	_ = 	snop  }
0x23a: {  	s21 =	sadd.s32 $0x40, s21  }
0x23b: {  	s23 =	sand.u32 $0xE00, s21;
	s6 =	sand.u32 $0x70, s11  }
0x23c: {  	s11 =	sadd.s32 $0x10, s11;
	s23 =	sor.u32 s6, s23;
	v1 =	vadd.f32 v1, v2  }
0x23d: {  	s6 =	sor.u32 $0x100, s23;
	s11 =	sadd.s32 s15, s4  }
0x23e: {  	s21 =	sadd.s32 s6, s9;
	[tilespmem:s11+$0x0] =	vst v1  }
0x23f: {  	s23 =	sadd.s32 s6, s12;
	v1 =	vld [tilespmem:s21+$0x0]  }
0x240: {  	v2 =	vld [tilespmem:s23+$0x0];
	_ =	sdelay $0x4  }
0x241: {  	v1 =	vadd.f32 v1, v2  }
0x242: {  	s15 =	sor.u32 $0x180, s20;
	s6 =	sadd.s32 s6, s4  }
0x243: {  	[dreg:$0x1c] =	wrdreg s24;
	s24 =	sadd.s32 s15, s9;
	[tilespmem:s6+$0x0] =	vst v1  }
0x244: {  	s26 =	sadd.s32 s15, s12;
	v1 =	vld [tilespmem:s24+$0x0]  }
0x245: {  	v2 =	vld [tilespmem:s26+$0x0];
	_ =	sdelay $0x2  }
0x246: {  	s11 =	simm.s32 $0x40  }
0x247: {  	s30 =	sand.u32 $0xE00, s11  }
0x248: {  	s20 =	sor.u32 s3, s30;
	s3 =	simm.s32 $0x20;
	v1 =	vadd.f32 v1, v2  }
.LBB2_28:
0x249: {  	p2 =	sne.s32 s3, $0x3F0;
	s6 =	sadd.s32 s15, s4;
	s15 =	sor.u32 $0x180, s20  }
0x24a: {  	s20 =	sadd.s32 s15, s9;
	[tilespmem:s6+$0x0] =	vst v1  }
0x24b: {  	s6 =	sadd.s32 s15, s12;
	v1 =	vld [tilespmem:s20+$0x0]  }
0x24c: {  	v2 =	vld [tilespmem:s6+$0x0]  }
.Ltmp17:
0x24d: {  	(pc) =	sbr.rel @p2 .LBB2_28-.Ltmp17, $4  }
0x24e: {  	_ = 	snop  }
0x24f: {  	s11 =	sadd.s32 $0x40, s11  }
0x250: {  	s20 =	sand.u32 $0xE00, s11;
	s6 =	sand.u32 $0x70, s3  }
0x251: {  	s3 =	sadd.s32 $0x10, s3;
	s20 =	sor.u32 s6, s20;
	v1 =	vadd.f32 v1, v2  }
0x252: {  	s3 =	sor.u32 $0x180, s20;
	s6 =	sadd.s32 s15, s4  }
0x253: {  	s11 =	sadd.s32 s3, s9;
	[tilespmem:s6+$0x0] =	vst v1  }
0x254: {  	s23 =	sadd.s32 s3, s12;
	v1 =	vld [tilespmem:s11+$0x0]  }
0x255: {  	v2 =	vld [tilespmem:s23+$0x0];
	_ =	sdelay $0x1  }
0x256: {  	s24 =	sshll.u32 s29, $0xC  }
0x257: {  	s30 =	sand.u32 $0x1000, s24  }
0x258: {  	s24 =	sor.u32 $0x6000, s30  }
0x259: {  	s12 =	sand.u32 $0x1, s0;
	v1 =	vadd.f32 v1, v2;
	v2 =	vmov s24  }
0x25a: {  	s26 =	sadd.s32 s3, s4;
	s21 =	sshll.u32 s12, $0xC;
	s23 =	simm.s32 $0x0  }
0x25b: {  	s20 =	sor.u32 $0x10000, s21;
	s3 =	sand.u32 $0x70, s23;
	s15 =	sand.u32 $0xE00, s23  }
0x25c: {  	s11 =	sor.u32 s3, s15;
	[tilespmem:s26+$0x0] =	vst v1;
	v1 =	vmov s20;
	s26 =	simm.s32 $0x10  }
.LBB2_30:
0x25d: {  	p2 =	sne.s32 s26, $0x3F0;
	v3 =	vld.idx.msk [tilespmem:v0+s11+$0x0 ss:$0x1], $0xffff  }
0x25e: {  	v4 =	vld.idx.msk [tilespmem:v2+s11+$0x0 ss:$0x1], $0xffff;
	_ =	sdelay $0x3  }
.Ltmp18:
0x25f: {  	(pc) =	sbr.rel @p2 .LBB2_30-.Ltmp18, $4  }
0x260: {  	_ = 	snop  }
0x261: {  	s23 =	sadd.s32 $0x40, s23;
	v3 =	vadd.f32 v3, v4  }
0x262: {  	s6 =	sand.u32 $0x70, s26;
	s30 =	sand.u32 $0xE00, s23  }
0x263: {  	s26 =	sadd.s32 $0x10, s26;
	[tilespmem:v1+s11+$0x0 ss:$0x1] =	vst.idx.msk $0xffff, v3;
	s11 =	sor.u32 s6, s30  }
0x264: {  	_ =	sdelay $0x3  }
0x265: {  	v0 =	vld.idx.msk [tilespmem:v0+s11+$0x0 ss:$0x1], $0xffff  }
0x266: {  	v2 =	vld.idx.msk [tilespmem:v2+s11+$0x0 ss:$0x1], $0xffff;
	_ =	sdelay $0x4  }
0x267: {  	s3 =	sor.u32 s3, s15;
	v0 =	vadd.f32 v0, v2  }
0x268: {  	s3 =	sor.u32 $0x80, s3  }
0x269: {  	s6 =	sadd.s32 s3, s9;
	[tilespmem:v1+s11+$0x0 ss:$0x1] =	vst.idx.msk $0xffff, v0  }
0x26a: {  	s23 =	sadd.s32 s3, s24;
	v0 =	vld [tilespmem:s6+$0x0]  }
0x26b: {  	v1 =	vld [tilespmem:s23+$0x0];
	_ =	sdelay $0x2  }
0x26c: {  	s26 =	simm.s32 $0x10;
	s15 =	simm.s32 $0x40  }
0x26d: {  	s30 =	sand.u32 $0xE00, s15;
	s6 =	sand.u32 $0x70, s26  }
0x26e: {  	s11 =	simm.s32 $0x20;
	s23 =	sor.u32 s6, s30;
	v0 =	vadd.f32 v0, v1  }
.LBB2_32:
0x26f: {  	p2 =	sne.s32 s11, $0x3F0;
	s6 =	sadd.s32 s3, s20;
	s3 =	sor.u32 $0x80, s23  }
0x270: {  	s23 =	sadd.s32 s3, s9;
	[tilespmem:s6+$0x0] =	vst v0  }
0x271: {  	s6 =	sadd.s32 s3, s24;
	v0 =	vld [tilespmem:s23+$0x0]  }
0x272: {  	v1 =	vld [tilespmem:s6+$0x0]  }
.Ltmp19:
0x273: {  	(pc) =	sbr.rel @p2 .LBB2_32-.Ltmp19, $4  }
0x274: {  	_ = 	snop  }
0x275: {  	s15 =	sadd.s32 $0x40, s15  }
0x276: {  	s23 =	sand.u32 $0xE00, s15;
	s6 =	sand.u32 $0x70, s11  }
0x277: {  	s11 =	sadd.s32 $0x10, s11;
	s23 =	sor.u32 s6, s23;
	v0 =	vadd.f32 v0, v1  }
0x278: {  	s6 =	sor.u32 $0x80, s23;
	s3 =	sadd.s32 s3, s20  }
0x279: {  	s11 =	sadd.s32 s6, s9;
	[tilespmem:s3+$0x0] =	vst v0  }
0x27a: {  	s23 =	sadd.s32 s6, s24;
	v0 =	vld [tilespmem:s11+$0x0]  }
0x27b: {  	v1 =	vld [tilespmem:s23+$0x0];
	_ =	sdelay $0x2  }
0x27c: {  	s26 =	simm.s32 $0x0  }
0x27d: {  	s30 =	sand.u32 $0x70, s26;
	s3 =	sand.u32 $0xE00, s26  }
0x27e: {  	s3 =	sor.u32 s30, s3;
	v0 =	vadd.f32 v0, v1  }
0x27f: {  	s6 =	sadd.s32 s6, s20;
	s23 =	sor.u32 $0x100, s3  }
0x280: {  	s11 =	sadd.s32 s23, s9;
	[tilespmem:s6+$0x0] =	vst v0  }
0x281: {  	s15 =	sadd.s32 s23, s24;
	v0 =	vld [tilespmem:s11+$0x0]  }
0x282: {  	v1 =	vld [tilespmem:s15+$0x0];
	_ =	sdelay $0x2  }
0x283: {  	s26 =	simm.s32 $0x10;
	s11 =	simm.s32 $0x40  }
0x284: {  	s15 =	sand.u32 $0x70, s26;
	s30 =	sand.u32 $0xE00, s11  }
0x285: {  	s26 =	simm.s32 $0x20;
	s6 =	sor.u32 s15, s30;
	v0 =	vadd.f32 v0, v1  }
.LBB2_34:
0x286: {  	p2 =	sne.s32 s26, $0x3F0;
	s30 =	sadd.s32 s23, s20;
	s23 =	sor.u32 $0x100, s6  }
0x287: {  	s6 =	sadd.s32 s23, s9;
	[tilespmem:s30+$0x0] =	vst v0  }
0x288: {  	s30 =	sadd.s32 s23, s24;
	v0 =	vld [tilespmem:s6+$0x0]  }
0x289: {  	v1 =	vld [tilespmem:s30+$0x0]  }
.Ltmp20:
0x28a: {  	(pc) =	sbr.rel @p2 .LBB2_34-.Ltmp20, $4  }
0x28b: {  	_ = 	snop  }
0x28c: {  	s11 =	sadd.s32 $0x40, s11  }
0x28d: {  	s6 =	sand.u32 $0x70, s26;
	s30 =	sand.u32 $0xE00, s11  }
0x28e: {  	s26 =	sadd.s32 $0x10, s26;
	s6 =	sor.u32 s6, s30;
	v0 =	vadd.f32 v0, v1  }
0x28f: {  	s6 =	sor.u32 $0x100, s6;
	s11 =	sadd.s32 s23, s20  }
0x290: {  	s26 =	sadd.s32 s6, s9;
	[tilespmem:s11+$0x0] =	vst v0  }
0x291: {  	s30 =	sadd.s32 s6, s24;
	v0 =	vld [tilespmem:s26+$0x0]  }
0x292: {  	v1 =	vld [tilespmem:s30+$0x0];
	_ =	sdelay $0x4  }
0x293: {  	v0 =	vadd.f32 v0, v1  }
0x294: {  	s3 =	sor.u32 $0x180, s3;
	s6 =	sadd.s32 s6, s20  }
0x295: {  	s23 =	sadd.s32 s3, s9;
	[tilespmem:s6+$0x0] =	vst v0  }
0x296: {  	s26 =	sadd.s32 s3, s24;
	v0 =	vld [tilespmem:s23+$0x0]  }
0x297: {  	v1 =	vld [tilespmem:s26+$0x0];
	_ =	sdelay $0x2  }
0x298: {  	s11 =	simm.s32 $0x40  }
0x299: {  	s30 =	sand.u32 $0xE00, s11  }
0x29a: {  	s6 =	sor.u32 s15, s30;
	s15 =	simm.s32 $0x20;
	v0 =	vadd.f32 v0, v1  }
.LBB2_36:
0x29b: {  	p2 =	sne.s32 s15, $0x3F0;
	s23 =	sadd.s32 s3, s20;
	s3 =	sor.u32 $0x180, s6  }
0x29c: {  	s6 =	sadd.s32 s3, s9;
	[tilespmem:s23+$0x0] =	vst v0  }
0x29d: {  	s23 =	sadd.s32 s3, s24;
	v0 =	vld [tilespmem:s6+$0x0]  }
0x29e: {  	v1 =	vld [tilespmem:s23+$0x0]  }
.Ltmp21:
0x29f: {  	(pc) =	sbr.rel @p2 .LBB2_36-.Ltmp21, $4  }
0x2a0: {  	_ = 	snop  }
0x2a1: {  	s11 =	sadd.s32 $0x40, s11  }
0x2a2: {  	s6 =	sand.u32 $0x70, s15;
	s23 =	sand.u32 $0xE00, s11  }
0x2a3: {  	s15 =	sadd.s32 $0x10, s15;
	s6 =	sor.u32 s6, s23;
	v0 =	vadd.f32 v0, v1  }
0x2a4: {  	s6 =	sor.u32 $0x180, s6;
	s3 =	sadd.s32 s3, s20  }
0x2a5: {  	s9 =	sadd.s32 s6, s9;
	[tilespmem:s3+$0x0] =	vst v0  }
0x2a6: {  	s26 =	sadd.s32 s6, s24;
	v0 =	vld [tilespmem:s9+$0x0]  }
0x2a7: {  	v1 =	vld [tilespmem:s26+$0x0];
	_ =	sdelay $0x2  }
0x2a8: {  	p0 =	por p0, !p1  }
.Ltmp22:
0x2a9: {  	_ = 	snop;
	(pc) =	sbr.rel @p0 .LBB2_39-.Ltmp22, $4  }
0x2aa: {  	v0 =	vadd.f32 v0, v1  }
0x2ab: {  	s30 =	sadd.s32 s6, s20  }
0x2ac: {  	[tilespmem:s30+$0x0] =	vst v0  }
0x2ad: {  	s9 =	simm.s32 $0x0;
	_ =	strace $0x90000053  }
0x2ae: {  	s13 =	rddreg [dreg:$0x18]  }
0x2af: {  	s15 =	rddreg [dreg:$0x19]  }
.Ltmp23:
0x2b0: {  	s16 =	rddreg [dreg:$0x1a];
	(pc) =	sbr.rel .LBB2_40-.Ltmp23, $4  }
0x2b1: {  	s6 =	rddreg [dreg:$0x1b]  }
0x2b2: {  	s11 =	rddreg [dreg:$0x1c]  }
0x2b3: {  	s20 =	rddreg [dreg:$0x1d]  }
0x2b4: {  	s4 =	rddreg [dreg:$0x1e]  }
.LBB2_42:
0x2b5: {  	_ =	sfence.sel $0x180000  }
0x2b6: {  	[bflag:$0x0] =	sbarrier.arrive $0xFFFF  }
0x2b7: {  	_ =	strace $0x90000047  }
0x2b8: {  	s0 =	stileid.u32;
	[bflag:$0x2] =	sbarrier.arrive $0xFFFF  }
0x2b9: {  	p0 =	sne.s32 s0, $0x0;
	s0 =	rddreg [dreg:$0x3]  }
0x2ba: {  	s0 =	sadd.s32 @!p0 $0x100000, s0  }
0x2bb: {  	[sflag:s0] =	ssyncadd.tile.s32 @!p0 $0x1;
	_ =	shalt  }
.Lfunc_end2:
_tile_overlayer_lowered:
.L_overlay_start_2:
0x2bc: {  	(tag) =	ssettag $0x2  }
0x2bd: {  	s0 =	rddreg [dreg:$0x0];
	s2 =	stileid.u32  }
0x2be: {  	s1 =	rddreg [dreg:$0x1];
	p0 =	sne.s32 s2, $0x0  }
0x2bf: {  	s3 =	rddreg [dreg:$0x2];
	[bflag:$0x3] =	sbarrier.arrive $0xFFFF;
	s2 =	simm.s32 @!p0 $0x1C01  }
0x2c0: {  	[timem:s3], [sflag:s2] =	dma.local @!p0 [hbm:s0], s1  }
0x2c1: {  	s0 =	simm.s32 @!p0 $0x1  }
0x2c2: {  	_ =	swait.ge @!p0 [sflag:s0], s1  }
0x2c3: {  	s1 =	ssub.s32 @!p0 $0x0, s1;
	[sflag:s0] =	ssyncset.done @!p0 $0x0  }
0x2c4: {  	[sflag:s0] =	ssyncadd.s32 @!p0 s1  }
0x2c5: {  	[bflag:$0x3] =	sbarrier.arrive $0xFFFF  }
0x2c6: {  	_ =	shalt  }

</sc_bundles>
